<compile_context>
chip_gen: v7x
topology: tpu7x:2x2x1
jax: 0.10.2.dev20260603
libtpu: 0.0.44.dev20260713+nightly
codegen_flags: <defaults>
</compile_context>

<pallas_src>
import jax
import jax.numpy as jnp
from jax import lax
from jax.experimental import pallas as pl
from jax.experimental.pallas import tpu as pltpu
from jax.experimental.pallas import tpu_sc as plsc

_N = 10000
_E = 320000
_D = 128
_L = 3
_BN_EPS = 1e-5

_NC = 2
_NS = 16
_NW = _NC * _NS
_CHUNK = 32
_NCH = 320
_NCHR = 80
_DCH = 64
_DNCH = 160
_EPW = _NCH * _CHUNK
_EP = _EPW * _NW
_NPAD = 10240
_ZBLK = 32
_ZPT = _NPAD // _NS // _ZBLK
_OUT_RPT = 632
_NOUT = _NS * _OUT_RPT

_DW = 128
_DZB = 64

_mesh = plsc.VectorSubcoreMesh(core_axis_name="c", subcore_axis_name="s")


def _deg_kernel_body(dst_hbm, ones_hbm, zrow_hbm, out_hbm,
                     dst_v, ones_v, zb_v, acc_sh):
    c = lax.axis_index("c")
    s = lax.axis_index("s")
    wid = s * _NC + c

    pltpu.sync_copy(zrow_hbm, zb_v)

    def _zero(j, carry):
        pltpu.sync_copy(zb_v, acc_sh.at[pl.ds(s * (_NPAD // _NS) + j * _DZB,
                                              _DZB)])
        return carry

    lax.fori_loop(0, _NPAD // _NS // _DZB, _zero, 0)

    pltpu.sync_copy(dst_hbm.at[wid], dst_v)
    pltpu.sync_copy(ones_hbm, ones_v)
    plsc.subcore_barrier()

    def _chunk(i, carry):
        pltpu.sync_copy(ones_v, acc_sh.at[dst_v.at[i]], add=True)
        return carry

    lax.fori_loop(0, _DNCH, _chunk, 0)
    plsc.subcore_barrier()

    pltpu.sync_copy(acc_sh.at[pl.ds(s * _OUT_RPT, _OUT_RPT)],
                    out_hbm.at[c, pl.ds(s * _OUT_RPT, _OUT_RPT)])


_deg_call = pl.kernel(
    _deg_kernel_body,
    out_type=jax.ShapeDtypeStruct((_NC, _NOUT, _DW), jnp.float32),
    mesh=_mesh,
    scratch_types=[
        pltpu.VMEM((_DNCH, _DCH), jnp.int32),
        pltpu.VMEM((_DCH, _DW), jnp.float32),
        pltpu.VMEM((_DZB, _DW), jnp.float32),
        pltpu.VMEM_SHARED((_NPAD, _DW), jnp.float32),
    ],
)


_NBUF = 4


def _agg_kernel_body(h_hbm, src_hbm, dst_hbm, zrow_hbm, out_hbm,
                     src_v, dst_v, r0, r1, r2, r3, acc_sh,
                     g0, g1, g2, g3):
    c = lax.axis_index("c")
    s = lax.axis_index("s")
    wid = s * _NC + c
    rows = (r0, r1, r2, r3)
    sems = (g0, g1, g2, g3)

    pltpu.sync_copy(zrow_hbm, r0)

    def _zero(j, carry):
        pltpu.sync_copy(r0, acc_sh.at[pl.ds(s * (_NPAD // _NS) + j * _ZBLK,
                                            _ZBLK)])
        return carry

    lax.fori_loop(0, _ZPT, _zero, 0)

    pltpu.sync_copy(src_hbm.at[wid], src_v)
    pltpu.sync_copy(dst_hbm.at[wid], dst_v)
    for b in range(_NBUF):
        pltpu.async_copy(h_hbm.at[src_v.at[0, pl.ds(b * _CHUNK, _CHUNK)]],
                         rows[b], sems[b])
    plsc.subcore_barrier()

    def _chunk(j, carry):
        for b in range(_NBUF):
            sl = pl.ds(b * _CHUNK, _CHUNK)
            pltpu.make_async_copy(h_hbm.at[src_v.at[j, sl]], rows[b],
                                  sems[b]).wait()
            pltpu.sync_copy(rows[b], acc_sh.at[dst_v.at[j, sl]], add=True)

            @pl.when(j + 1 < _NCHR)
            def _():
                pltpu.async_copy(h_hbm.at[src_v.at[j + 1, sl]], rows[b],
                                 sems[b])
        return carry

    lax.fori_loop(0, _NCHR, _chunk, 0)
    plsc.subcore_barrier()

    pltpu.sync_copy(acc_sh.at[pl.ds(s * _OUT_RPT, _OUT_RPT)],
                    out_hbm.at[c, pl.ds(s * _OUT_RPT, _OUT_RPT)])


_agg_call = pl.kernel(
    _agg_kernel_body,
    out_type=jax.ShapeDtypeStruct((_NC, _NOUT, _D), jnp.float32),
    mesh=_mesh,
    scratch_types=[
        pltpu.VMEM((_NCHR, _NBUF * _CHUNK), jnp.int32),
        pltpu.VMEM((_NCHR, _NBUF * _CHUNK), jnp.int32),
        pltpu.VMEM((_CHUNK, _D), jnp.float32),
        pltpu.VMEM((_CHUNK, _D), jnp.float32),
        pltpu.VMEM((_CHUNK, _D), jnp.float32),
        pltpu.VMEM((_CHUNK, _D), jnp.float32),
        pltpu.VMEM_SHARED((_NPAD, _D), jnp.float32),
        pltpu.SemaphoreType.DMA,
        pltpu.SemaphoreType.DMA,
        pltpu.SemaphoreType.DMA,
        pltpu.SemaphoreType.DMA,
    ],
)


def _bn_relu(z, g, b):
    mu = jnp.mean(z, axis=0, keepdims=True)
    var = jnp.mean((z - mu) ** 2, axis=0, keepdims=True)
    return jnp.maximum((z - mu) / jnp.sqrt(var + _BN_EPS) * g + b, 0.0)


def _mlp_body(h_ref, p_ref, degp_ref, w1_ref, b1_ref, g1_ref, be1_ref,
              w2_ref, b2_ref, g2_ref, be2_ref, o_ref):
    deg = degp_ref[0, :_N, 0:1] + degp_ref[1, :_N, 0:1]
    inv_deg = 1.0 / jnp.maximum(deg, 1.0)
    z = h_ref[...] + (p_ref[0, :_N] + p_ref[1, :_N]) * inv_deg
    z = jnp.dot(z, w1_ref[...], preferred_element_type=jnp.float32) + b1_ref[...]
    z = _bn_relu(z, g1_ref[...], be1_ref[...])
    z = jnp.dot(z, w2_ref[...], preferred_element_type=jnp.float32) + b2_ref[...]
    z = _bn_relu(z, g2_ref[...], be2_ref[...])
    o_ref[...] = z


_mlp_call = pl.pallas_call(
    _mlp_body,
    out_shape=jax.ShapeDtypeStruct((_N, _D), jnp.float32),
)


def kernel(x, edge_index, W1, B1, G1, Be1, W2, B2, G2, Be2):
    src = edge_index[0]
    dst = edge_index[1]
    pad = _EP - _E
    srcp = jnp.concatenate([src, jnp.zeros((pad,), jnp.int32)])
    dstp = jnp.concatenate([dst, jnp.full((pad,), _N, jnp.int32)])
    src3 = srcp.reshape(_NW, _NCHR, _NBUF * _CHUNK)
    dst3 = dstp.reshape(_NW, _NCHR, _NBUF * _CHUNK)
    dst3d = dstp.reshape(_NW, _DNCH, _DCH)
    zrow = jnp.zeros((_ZBLK, _D), jnp.float32)

    degp = _deg_call(dst3d, jnp.ones((_DCH, _DW), jnp.float32),
                     jnp.zeros((_DZB, _DW), jnp.float32))

    h = x
    for l in range(_L):
        p = _agg_call(h, src3, dst3, zrow)
        h = _mlp_call(h, p, degp,
                      W1[l], B1[l].reshape(1, _D), G1[l].reshape(1, _D),
                      Be1[l].reshape(1, _D),
                      W2[l], B2[l].reshape(1, _D), G2[l].reshape(1, _D),
                      Be2[l].reshape(1, _D))
    return h

# --- scband reference (transcript-rebuilt; emitter-appended) ---
"""Pipeline reference for scband-ginsampling-18141941859014 (READ-ONLY COPY).

The authoritative reference and input builder live on the scoring server;
editing this copy changes nothing except your own understanding.
"""

import jax, jax.numpy as jnp
import numpy as np

N = 10000
E = 320000
D = 128
L = 3  # n_layers=2 -> ModuleList has 3 NodeUpdate blocks (in->hid, hid->hid, hid->classes); all dims 128
BN_EPS = 1e-5
GIN_EPS = 0.0  # NodeUpdate is constructed with eps=0


def _batchnorm(z, g, b):
    # torch BatchNorm1d in training mode: biased batch statistics
    mu = jnp.mean(z, axis=0)
    var = jnp.mean((z - mu) ** 2, axis=0)
    return (z - mu) / jnp.sqrt(var + BN_EPS) * g + b


def setup_inputs(seed: int = 0) -> dict:
    key = jax.random.key(seed)
    ks = jax.random.split(key, 16)
    x = jax.random.normal(ks[0], (N, D), dtype=jnp.float32)
    rng = np.random.default_rng(0)
    edge_index = jnp.asarray(rng.integers(0, N, size=(2, E)), dtype=jnp.int32)
    s = 1.0 / np.sqrt(D)
    W1 = jax.random.normal(ks[1], (L, D, D), dtype=jnp.float32) * s
    B1 = jax.random.normal(ks[2], (L, D), dtype=jnp.float32) * s
    G1 = jnp.ones((L, D), dtype=jnp.float32)
    Be1 = jnp.zeros((L, D), dtype=jnp.float32)
    W2 = jax.random.normal(ks[3], (L, D, D), dtype=jnp.float32) * s
    B2 = jax.random.normal(ks[4], (L, D), dtype=jnp.float32) * s
    G2 = jnp.ones((L, D), dtype=jnp.float32)
    Be2 = jnp.zeros((L, D), dtype=jnp.float32)
    return {"x": x, "edge_index": edge_index, "W1": W1, "B1": B1, "G1": G1,
            "Be1": Be1, "W2": W2, "B2": B2, "G2": G2, "Be2": Be2}


def reference(x, edge_index, W1, B1, G1, Be1, W2, B2, G2, Be2):
    src = edge_index[0]
    dst = edge_index[1]
    deg = jax.ops.segment_sum(jnp.ones((E,), dtype=jnp.float32), dst, num_segments=N)
    deg = jnp.maximum(deg, 1.0)
    h = x
    for l in range(L):
        # block_compute: copy_src('h') -> mean('m','neigh')
        m = jnp.take(h, src, axis=0)
        neigh = jax.ops.segment_sum(m, dst, num_segments=N) / deg[:, None]
        # NodeUpdate: mlp((1+eps)*h + neigh), eps=0; dropout p=0 -> identity
        z = (1.0 + GIN_EPS) * h + neigh
        z = z @ W1[l] + B1[l]
        z = jax.nn.relu(_batchnorm(z, G1[l], Be1[l]))
        z = z @ W2[l] + B2[l]
        z = jax.nn.relu(_batchnorm(z, G2[l], Be2[l]))
        h = z
    return h

if __name__ == "__main__":
    import jax
    _d = setup_inputs()
    print(jax.jit(kernel)(*tuple(_d.values())))

</pallas_src>

<mosaic_0001>
#map = affine_map<(d0, d1) -> (0, 0, 0)>
#map1 = affine_map<(d0, d1) -> (0, 0)>
module attributes {stable_mosaic.version = 14 : i64} {
  func.func @_deg_kernel_body(%arg0: i32, %arg1: i32, %arg2: memref<32x160x64xi32, #tpu.memory_space<hbm>>, %arg3: memref<64x128xf32, #tpu.memory_space<hbm>>, %arg4: memref<64x128xf32, #tpu.memory_space<hbm>>, %arg5: memref<2x10112x128xf32, #tpu.memory_space<hbm>>, %arg6: memref<160x64xi32, #tpu.memory_space<vmem>>, %arg7: memref<64x128xf32, #tpu.memory_space<vmem>>, %arg8: memref<64x128xf32, #tpu.memory_space<vmem>>, %arg9: memref<10240x128xf32, #tpu.memory_space<vmem_shared>>) attributes {dimension_semantics = [#tpu.dimension_semantics<core_parallel>, #tpu.dimension_semantics<subcore_parallel>], iteration_bounds = array<i64: 2, 16>, scalar_prefetch = 0 : i64, scratch_operands = 4 : i64, tpu.core_type = #tpu.core_type<sc_vector_subcore>, window_params = [{transform_indices = #map}, {transform_indices = #map1}, {transform_indices = #map1}, {transform_indices = #map}]} {
    %mul3A = arith.constant 2 : i32
    %mul3A_0 = arith.muli %arg1, %mul3A : i32
    %add3A = arith.addi %mul3A_0, %arg0 : i32
    "tpu.region"() ({
      %run_scoped3A = tpu.sem_alloc : memref<!tpu.dma_semaphore, #tpu.memory_space<semaphore_mem>>
      tpu.enqueue_dma source(%arg4 : memref<64x128xf32, #tpu.memory_space<hbm>>) target(%arg8 : memref<64x128xf32, #tpu.memory_space<vmem>>) target_semaphore(%run_scoped3A : memref<!tpu.dma_semaphore, #tpu.memory_space<semaphore_mem>>)
      tpu.wait_dma2 semaphore(%run_scoped3A : memref<!tpu.dma_semaphore, #tpu.memory_space<semaphore_mem>>) src(%arg4 : memref<64x128xf32, #tpu.memory_space<hbm>>) dst(%arg8 : memref<64x128xf32, #tpu.memory_space<vmem>>)
      tpu.yield
    }) : () -> ()
    %scan3A = arith.constant 0 : i32
    %scan3A_1 = arith.constant 0 : i32
    %scan3A_2 = arith.constant 10 : i32
    %scan3A_3 = arith.addi %scan3A_1, %scan3A_2 : i32
    %scan3A_4 = arith.constant 1 : i32
    scf.for %scan3A_17 = %scan3A_1 to %scan3A_3 step %scan3A_4  : i32 {
      %mul3A_18 = arith.constant 640 : i32
      %mul3A_19 = arith.muli %arg1, %mul3A_18 : i32
      %mul3A_20 = arith.constant 64 : i32
      %mul3A_21 = arith.muli %scan3A_17, %mul3A_20 : i32
      %add3A_22 = arith.addi %mul3A_19, %mul3A_21 : i32
      "tpu.region"() ({
        %run_scoped3A = tpu.sem_alloc : memref<!tpu.dma_semaphore, #tpu.memory_space<semaphore_mem>>
        %dma_start3A = arith.constant 0 : i32
        %dma_start3A_23 = tpu.memref_slice %arg9[%add3A_22, %dma_start3A] : memref<10240x128xf32, #tpu.memory_space<vmem_shared>> -> memref<64x128xf32, #tpu.memory_space<vmem_shared>>
        %dma_start3A_24 = arith.constant 0 : i32
        %dma_start3A_25 = tpu.memref_slice %arg9[%add3A_22, %dma_start3A_24] : memref<10240x128xf32, #tpu.memory_space<vmem_shared>> -> memref<64x128xf32, #tpu.memory_space<vmem_shared>>
        tpu.enqueue_dma source(%arg8 : memref<64x128xf32, #tpu.memory_space<vmem>>) target(%dma_start3A_25 : memref<64x128xf32, #tpu.memory_space<vmem_shared>>) target_semaphore(%run_scoped3A : memref<!tpu.dma_semaphore, #tpu.memory_space<semaphore_mem>>)
        %dma_wait3A = arith.constant 0 : i32
        %dma_wait3A_26 = tpu.memref_slice %arg9[%add3A_22, %dma_wait3A] : memref<10240x128xf32, #tpu.memory_space<vmem_shared>> -> memref<64x128xf32, #tpu.memory_space<vmem_shared>>
        %dma_wait3A_27 = arith.constant 0 : i32
        %dma_wait3A_28 = tpu.memref_slice %arg9[%add3A_22, %dma_wait3A_27] : memref<10240x128xf32, #tpu.memory_space<vmem_shared>> -> memref<64x128xf32, #tpu.memory_space<vmem_shared>>
        tpu.wait_dma2 semaphore(%run_scoped3A : memref<!tpu.dma_semaphore, #tpu.memory_space<semaphore_mem>>) src(%arg8 : memref<64x128xf32, #tpu.memory_space<vmem>>) dst(%dma_wait3A_28 : memref<64x128xf32, #tpu.memory_space<vmem_shared>>)
        tpu.yield
      }) : () -> ()
    }
    %scan3A_5 = arith.constant 10 : i32
    "tpu.region"() ({
      %run_scoped3A = tpu.sem_alloc : memref<!tpu.dma_semaphore, #tpu.memory_space<semaphore_mem>>
      %dma_start3A = arith.constant 0 : i32
      %dma_start3A_17 = arith.constant 0 : i32
      %dma_start3A_18 = tpu.memref_slice %arg2[%add3A, %dma_start3A, %dma_start3A_17] : memref<32x160x64xi32, #tpu.memory_space<hbm>> -> memref<1x160x64xi32, #tpu.memory_space<hbm>>
      %dma_start3A_19 = tpu.memref_squeeze %dma_start3A_18 : memref<1x160x64xi32, #tpu.memory_space<hbm>> -> memref<160x64xi32, #tpu.memory_space<hbm>>
      %dma_start3A_20 = arith.constant 0 : i32
      %dma_start3A_21 = arith.constant 0 : i32
      %dma_start3A_22 = tpu.memref_slice %arg2[%add3A, %dma_start3A_20, %dma_start3A_21] : memref<32x160x64xi32, #tpu.memory_space<hbm>> -> memref<1x160x64xi32, #tpu.memory_space<hbm>>
      %dma_start3A_23 = tpu.memref_squeeze %dma_start3A_22 : memref<1x160x64xi32, #tpu.memory_space<hbm>> -> memref<160x64xi32, #tpu.memory_space<hbm>>
      tpu.enqueue_dma source(%dma_start3A_23 : memref<160x64xi32, #tpu.memory_space<hbm>>) target(%arg6 : memref<160x64xi32, #tpu.memory_space<vmem>>) target_semaphore(%run_scoped3A : memref<!tpu.dma_semaphore, #tpu.memory_space<semaphore_mem>>)
      %dma_wait3A = arith.constant 0 : i32
      %dma_wait3A_24 = arith.constant 0 : i32
      %dma_wait3A_25 = tpu.memref_slice %arg2[%add3A, %dma_wait3A, %dma_wait3A_24] : memref<32x160x64xi32, #tpu.memory_space<hbm>> -> memref<1x160x64xi32, #tpu.memory_space<hbm>>
      %dma_wait3A_26 = tpu.memref_squeeze %dma_wait3A_25 : memref<1x160x64xi32, #tpu.memory_space<hbm>> -> memref<160x64xi32, #tpu.memory_space<hbm>>
      %dma_wait3A_27 = arith.constant 0 : i32
      %dma_wait3A_28 = arith.constant 0 : i32
      %dma_wait3A_29 = tpu.memref_slice %arg2[%add3A, %dma_wait3A_27, %dma_wait3A_28] : memref<32x160x64xi32, #tpu.memory_space<hbm>> -> memref<1x160x64xi32, #tpu.memory_space<hbm>>
      %dma_wait3A_30 = tpu.memref_squeeze %dma_wait3A_29 : memref<1x160x64xi32, #tpu.memory_space<hbm>> -> memref<160x64xi32, #tpu.memory_space<hbm>>
      tpu.wait_dma2 semaphore(%run_scoped3A : memref<!tpu.dma_semaphore, #tpu.memory_space<semaphore_mem>>) src(%dma_wait3A_30 : memref<160x64xi32, #tpu.memory_space<hbm>>) dst(%arg6 : memref<160x64xi32, #tpu.memory_space<vmem>>)
      tpu.yield
    }) : () -> ()
    "tpu.region"() ({
      %run_scoped3A = tpu.sem_alloc : memref<!tpu.dma_semaphore, #tpu.memory_space<semaphore_mem>>
      tpu.enqueue_dma source(%arg3 : memref<64x128xf32, #tpu.memory_space<hbm>>) target(%arg7 : memref<64x128xf32, #tpu.memory_space<vmem>>) target_semaphore(%run_scoped3A : memref<!tpu.dma_semaphore, #tpu.memory_space<semaphore_mem>>)
      tpu.wait_dma2 semaphore(%run_scoped3A : memref<!tpu.dma_semaphore, #tpu.memory_space<semaphore_mem>>) src(%arg3 : memref<64x128xf32, #tpu.memory_space<hbm>>) dst(%arg7 : memref<64x128xf32, #tpu.memory_space<vmem>>)
      tpu.yield
    }) : () -> ()
    %barrier3A = arith.constant 0 : index
    tpu.barrier barrier_id(%barrier3A)
    %scan3A_6 = arith.constant 0 : i32
    %scan3A_7 = arith.constant 0 : i32
    %scan3A_8 = arith.constant 160 : i32
    %scan3A_9 = arith.addi %scan3A_7, %scan3A_8 : i32
    %scan3A_10 = arith.constant 1 : i32
    scf.for %scan3A_17 = %scan3A_7 to %scan3A_9 step %scan3A_10  : i32 {
      "tpu.region"() ({
        %run_scoped3A = tpu.sem_alloc : memref<!tpu.dma_semaphore, #tpu.memory_space<semaphore_mem>>
        %dma_start3A = arith.constant 0 : i32
        %dma_start3A_18 = tpu.memref_slice %arg6[%scan3A_17, %dma_start3A] : memref<160x64xi32, #tpu.memory_space<vmem>> -> memref<1x64xi32, #tpu.memory_space<vmem>>
        %dma_start3A_19 = tpu.memref_squeeze %dma_start3A_18 : memref<1x64xi32, #tpu.memory_space<vmem>> -> memref<64xi32, #tpu.memory_space<vmem>>
        %dma_start3A_20 = arith.constant 0 : i32
        %dma_start3A_21 = arith.constant 0 : i32
        %dma_start3A_22 = tpu.memref_slice %arg9[%dma_start3A_20, %dma_start3A_21] : memref<10240x128xf32, #tpu.memory_space<vmem_shared>> -> memref<10240x128xf32, #tpu.memory_space<vmem_shared>>
        tpu.enqueue_indirect_dma source(%arg7 : memref<64x128xf32, #tpu.memory_space<vmem>>) target(%dma_start3A_22 : memref<10240x128xf32, #tpu.memory_space<vmem_shared>>) offsets(%dma_start3A_19 : memref<64xi32, #tpu.memory_space<vmem>>) semaphore(%run_scoped3A : memref<!tpu.dma_semaphore, #tpu.memory_space<semaphore_mem>>) {add = true}
        %dma_wait3A = arith.constant 0 : i32
        %dma_wait3A_23 = tpu.memref_slice %arg6[%scan3A_17, %dma_wait3A] : memref<160x64xi32, #tpu.memory_space<vmem>> -> memref<1x64xi32, #tpu.memory_space<vmem>>
        %dma_wait3A_24 = tpu.memref_squeeze %dma_wait3A_23 : memref<1x64xi32, #tpu.memory_space<vmem>> -> memref<64xi32, #tpu.memory_space<vmem>>
        %dma_wait3A_25 = arith.constant 0 : i32
        %dma_wait3A_26 = arith.constant 0 : i32
        %dma_wait3A_27 = tpu.memref_slice %arg9[%dma_wait3A_25, %dma_wait3A_26] : memref<10240x128xf32, #tpu.memory_space<vmem_shared>> -> memref<10240x128xf32, #tpu.memory_space<vmem_shared>>
        tpu.wait_indirect_dma semaphore(%run_scoped3A : memref<!tpu.dma_semaphore, #tpu.memory_space<semaphore_mem>>) src(%arg7 : memref<64x128xf32, #tpu.memory_space<vmem>>) dst(%dma_wait3A_27 : memref<10240x128xf32, #tpu.memory_space<vmem_shared>>)
        tpu.yield
      }) : () -> ()
    }
    %scan3A_11 = arith.constant 160 : i32
    %barrier3A_12 = arith.constant 0 : index
    tpu.barrier barrier_id(%barrier3A_12)
    %mul3A_13 = arith.constant 632 : i32
    %mul3A_14 = arith.muli %arg1, %mul3A_13 : i32
    %mul3A_15 = arith.constant 632 : i32
    %mul3A_16 = arith.muli %arg1, %mul3A_15 : i32
    "tpu.region"() ({
      %run_scoped3A = tpu.sem_alloc : memref<!tpu.dma_semaphore, #tpu.memory_space<semaphore_mem>>
      %dma_start3A = arith.constant 0 : i32
      %dma_start3A_17 = tpu.memref_slice %arg5[%arg0, %mul3A_16, %dma_start3A] : memref<2x10112x128xf32, #tpu.memory_space<hbm>> -> memref<1x632x128xf32, #tpu.memory_space<hbm>>
      %dma_start3A_18 = tpu.memref_squeeze %dma_start3A_17 : memref<1x632x128xf32, #tpu.memory_space<hbm>> -> memref<632x128xf32, #tpu.memory_space<hbm>>
      %dma_start3A_19 = arith.constant 0 : i32
      %dma_start3A_20 = tpu.memref_slice %arg9[%mul3A_14, %dma_start3A_19] : memref<10240x128xf32, #tpu.memory_space<vmem_shared>> -> memref<632x128xf32, #tpu.memory_space<vmem_shared>>
      tpu.enqueue_dma source(%dma_start3A_20 : memref<632x128xf32, #tpu.memory_space<vmem_shared>>) target(%dma_start3A_18 : memref<632x128xf32, #tpu.memory_space<hbm>>) target_semaphore(%run_scoped3A : memref<!tpu.dma_semaphore, #tpu.memory_space<semaphore_mem>>)
      %dma_wait3A = arith.constant 0 : i32
      %dma_wait3A_21 = tpu.memref_slice %arg5[%arg0, %mul3A_16, %dma_wait3A] : memref<2x10112x128xf32, #tpu.memory_space<hbm>> -> memref<1x632x128xf32, #tpu.memory_space<hbm>>
      %dma_wait3A_22 = tpu.memref_squeeze %dma_wait3A_21 : memref<1x632x128xf32, #tpu.memory_space<hbm>> -> memref<632x128xf32, #tpu.memory_space<hbm>>
      %dma_wait3A_23 = arith.constant 0 : i32
      %dma_wait3A_24 = tpu.memref_slice %arg9[%mul3A_14, %dma_wait3A_23] : memref<10240x128xf32, #tpu.memory_space<vmem_shared>> -> memref<632x128xf32, #tpu.memory_space<vmem_shared>>
      tpu.wait_dma2 semaphore(%run_scoped3A : memref<!tpu.dma_semaphore, #tpu.memory_space<semaphore_mem>>) src(%dma_wait3A_24 : memref<632x128xf32, #tpu.memory_space<vmem_shared>>) dst(%dma_wait3A_22 : memref<632x128xf32, #tpu.memory_space<hbm>>)
      tpu.yield
    }) : () -> ()
    return
  }
}

#map = affine_map<(d0, d1) -> (0, 0)>
#map1 = affine_map<(d0, d1) -> (0, 0, 0)>
module attributes {stable_mosaic.version = 14 : i64} {
  func.func @_agg_kernel_body(%arg0: i32, %arg1: i32, %arg2: memref<10000x128xf32, #tpu.memory_space<hbm>>, %arg3: memref<32x80x128xi32, #tpu.memory_space<hbm>>, %arg4: memref<32x80x128xi32, #tpu.memory_space<hbm>>, %arg5: memref<32x128xf32, #tpu.memory_space<hbm>>, %arg6: memref<2x10112x128xf32, #tpu.memory_space<hbm>>, %arg7: memref<80x128xi32, #tpu.memory_space<vmem>>, %arg8: memref<80x128xi32, #tpu.memory_space<vmem>>, %arg9: memref<32x128xf32, #tpu.memory_space<vmem>>, %arg10: memref<32x128xf32, #tpu.memory_space<vmem>>, %arg11: memref<32x128xf32, #tpu.memory_space<vmem>>, %arg12: memref<32x128xf32, #tpu.memory_space<vmem>>, %arg13: memref<10240x128xf32, #tpu.memory_space<vmem_shared>>, %arg14: memref<!tpu.dma_semaphore, #tpu.memory_space<semaphore_mem>>, %arg15: memref<!tpu.dma_semaphore, #tpu.memory_space<semaphore_mem>>, %arg16: memref<!tpu.dma_semaphore, #tpu.memory_space<semaphore_mem>>, %arg17: memref<!tpu.dma_semaphore, #tpu.memory_space<semaphore_mem>>) attributes {dimension_semantics = [#tpu.dimension_semantics<core_parallel>, #tpu.dimension_semantics<subcore_parallel>], iteration_bounds = array<i64: 2, 16>, scalar_prefetch = 0 : i64, scratch_operands = 11 : i64, tpu.core_type = #tpu.core_type<sc_vector_subcore>, window_params = [{transform_indices = #map}, {transform_indices = #map1}, {transform_indices = #map1}, {transform_indices = #map}, {transform_indices = #map1}]} {
    %mul3A = arith.constant 2 : i32
    %mul3A_0 = arith.muli %arg1, %mul3A : i32
    %add3A = arith.addi %mul3A_0, %arg0 : i32
    "tpu.region"() ({
      %run_scoped3A = tpu.sem_alloc : memref<!tpu.dma_semaphore, #tpu.memory_space<semaphore_mem>>
      tpu.enqueue_dma source(%arg5 : memref<32x128xf32, #tpu.memory_space<hbm>>) target(%arg9 : memref<32x128xf32, #tpu.memory_space<vmem>>) target_semaphore(%run_scoped3A : memref<!tpu.dma_semaphore, #tpu.memory_space<semaphore_mem>>)
      tpu.wait_dma2 semaphore(%run_scoped3A : memref<!tpu.dma_semaphore, #tpu.memory_space<semaphore_mem>>) src(%arg5 : memref<32x128xf32, #tpu.memory_space<hbm>>) dst(%arg9 : memref<32x128xf32, #tpu.memory_space<vmem>>)
      tpu.yield
    }) : () -> ()
    %scan3A = arith.constant 0 : i32
    %scan3A_1 = arith.constant 0 : i32
    %scan3A_2 = arith.constant 20 : i32
    %scan3A_3 = arith.addi %scan3A_1, %scan3A_2 : i32
    %scan3A_4 = arith.constant 1 : i32
    scf.for %scan3A_44 = %scan3A_1 to %scan3A_3 step %scan3A_4  : i32 {
      %mul3A_45 = arith.constant 640 : i32
      %mul3A_46 = arith.muli %arg1, %mul3A_45 : i32
      %mul3A_47 = arith.constant 32 : i32
      %mul3A_48 = arith.muli %scan3A_44, %mul3A_47 : i32
      %add3A_49 = arith.addi %mul3A_46, %mul3A_48 : i32
      "tpu.region"() ({
        %run_scoped3A = tpu.sem_alloc : memref<!tpu.dma_semaphore, #tpu.memory_space<semaphore_mem>>
        %dma_start3A_50 = arith.constant 0 : i32
        %dma_start3A_51 = tpu.memref_slice %arg13[%add3A_49, %dma_start3A_50] : memref<10240x128xf32, #tpu.memory_space<vmem_shared>> -> memref<32x128xf32, #tpu.memory_space<vmem_shared>>
        %dma_start3A_52 = arith.constant 0 : i32
        %dma_start3A_53 = tpu.memref_slice %arg13[%add3A_49, %dma_start3A_52] : memref<10240x128xf32, #tpu.memory_space<vmem_shared>> -> memref<32x128xf32, #tpu.memory_space<vmem_shared>>
        tpu.enqueue_dma source(%arg9 : memref<32x128xf32, #tpu.memory_space<vmem>>) target(%dma_start3A_53 : memref<32x128xf32, #tpu.memory_space<vmem_shared>>) target_semaphore(%run_scoped3A : memref<!tpu.dma_semaphore, #tpu.memory_space<semaphore_mem>>)
        %dma_wait3A = arith.constant 0 : i32
        %dma_wait3A_54 = tpu.memref_slice %arg13[%add3A_49, %dma_wait3A] : memref<10240x128xf32, #tpu.memory_space<vmem_shared>> -> memref<32x128xf32, #tpu.memory_space<vmem_shared>>
        %dma_wait3A_55 = arith.constant 0 : i32
        %dma_wait3A_56 = tpu.memref_slice %arg13[%add3A_49, %dma_wait3A_55] : memref<10240x128xf32, #tpu.memory_space<vmem_shared>> -> memref<32x128xf32, #tpu.memory_space<vmem_shared>>
        tpu.wait_dma2 semaphore(%run_scoped3A : memref<!tpu.dma_semaphore, #tpu.memory_space<semaphore_mem>>) src(%arg9 : memref<32x128xf32, #tpu.memory_space<vmem>>) dst(%dma_wait3A_56 : memref<32x128xf32, #tpu.memory_space<vmem_shared>>)
        tpu.yield
      }) : () -> ()
    }
    %scan3A_5 = arith.constant 20 : i32
    "tpu.region"() ({
      %run_scoped3A = tpu.sem_alloc : memref<!tpu.dma_semaphore, #tpu.memory_space<semaphore_mem>>
      %dma_start3A_44 = arith.constant 0 : i32
      %dma_start3A_45 = arith.constant 0 : i32
      %dma_start3A_46 = tpu.memref_slice %arg3[%add3A, %dma_start3A_44, %dma_start3A_45] : memref<32x80x128xi32, #tpu.memory_space<hbm>> -> memref<1x80x128xi32, #tpu.memory_space<hbm>>
      %dma_start3A_47 = tpu.memref_squeeze %dma_start3A_46 : memref<1x80x128xi32, #tpu.memory_space<hbm>> -> memref<80x128xi32, #tpu.memory_space<hbm>>
      %dma_start3A_48 = arith.constant 0 : i32
      %dma_start3A_49 = arith.constant 0 : i32
      %dma_start3A_50 = tpu.memref_slice %arg3[%add3A, %dma_start3A_48, %dma_start3A_49] : memref<32x80x128xi32, #tpu.memory_space<hbm>> -> memref<1x80x128xi32, #tpu.memory_space<hbm>>
      %dma_start3A_51 = tpu.memref_squeeze %dma_start3A_50 : memref<1x80x128xi32, #tpu.memory_space<hbm>> -> memref<80x128xi32, #tpu.memory_space<hbm>>
      tpu.enqueue_dma source(%dma_start3A_51 : memref<80x128xi32, #tpu.memory_space<hbm>>) target(%arg7 : memref<80x128xi32, #tpu.memory_space<vmem>>) target_semaphore(%run_scoped3A : memref<!tpu.dma_semaphore, #tpu.memory_space<semaphore_mem>>)
      %dma_wait3A = arith.constant 0 : i32
      %dma_wait3A_52 = arith.constant 0 : i32
      %dma_wait3A_53 = tpu.memref_slice %arg3[%add3A, %dma_wait3A, %dma_wait3A_52] : memref<32x80x128xi32, #tpu.memory_space<hbm>> -> memref<1x80x128xi32, #tpu.memory_space<hbm>>
      %dma_wait3A_54 = tpu.memref_squeeze %dma_wait3A_53 : memref<1x80x128xi32, #tpu.memory_space<hbm>> -> memref<80x128xi32, #tpu.memory_space<hbm>>
      %dma_wait3A_55 = arith.constant 0 : i32
      %dma_wait3A_56 = arith.constant 0 : i32
      %dma_wait3A_57 = tpu.memref_slice %arg3[%add3A, %dma_wait3A_55, %dma_wait3A_56] : memref<32x80x128xi32, #tpu.memory_space<hbm>> -> memref<1x80x128xi32, #tpu.memory_space<hbm>>
      %dma_wait3A_58 = tpu.memref_squeeze %dma_wait3A_57 : memref<1x80x128xi32, #tpu.memory_space<hbm>> -> memref<80x128xi32, #tpu.memory_space<hbm>>
      tpu.wait_dma2 semaphore(%run_scoped3A : memref<!tpu.dma_semaphore, #tpu.memory_space<semaphore_mem>>) src(%dma_wait3A_58 : memref<80x128xi32, #tpu.memory_space<hbm>>) dst(%arg7 : memref<80x128xi32, #tpu.memory_space<vmem>>)
      tpu.yield
    }) : () -> ()
    "tpu.region"() ({
      %run_scoped3A = tpu.sem_alloc : memref<!tpu.dma_semaphore, #tpu.memory_space<semaphore_mem>>
      %dma_start3A_44 = arith.constant 0 : i32
      %dma_start3A_45 = arith.constant 0 : i32
      %dma_start3A_46 = tpu.memref_slice %arg4[%add3A, %dma_start3A_44, %dma_start3A_45] : memref<32x80x128xi32, #tpu.memory_space<hbm>> -> memref<1x80x128xi32, #tpu.memory_space<hbm>>
      %dma_start3A_47 = tpu.memref_squeeze %dma_start3A_46 : memref<1x80x128xi32, #tpu.memory_space<hbm>> -> memref<80x128xi32, #tpu.memory_space<hbm>>
      %dma_start3A_48 = arith.constant 0 : i32
      %dma_start3A_49 = arith.constant 0 : i32
      %dma_start3A_50 = tpu.memref_slice %arg4[%add3A, %dma_start3A_48, %dma_start3A_49] : memref<32x80x128xi32, #tpu.memory_space<hbm>> -> memref<1x80x128xi32, #tpu.memory_space<hbm>>
      %dma_start3A_51 = tpu.memref_squeeze %dma_start3A_50 : memref<1x80x128xi32, #tpu.memory_space<hbm>> -> memref<80x128xi32, #tpu.memory_space<hbm>>
      tpu.enqueue_dma source(%dma_start3A_51 : memref<80x128xi32, #tpu.memory_space<hbm>>) target(%arg8 : memref<80x128xi32, #tpu.memory_space<vmem>>) target_semaphore(%run_scoped3A : memref<!tpu.dma_semaphore, #tpu.memory_space<semaphore_mem>>)
      %dma_wait3A = arith.constant 0 : i32
      %dma_wait3A_52 = arith.constant 0 : i32
      %dma_wait3A_53 = tpu.memref_slice %arg4[%add3A, %dma_wait3A, %dma_wait3A_52] : memref<32x80x128xi32, #tpu.memory_space<hbm>> -> memref<1x80x128xi32, #tpu.memory_space<hbm>>
      %dma_wait3A_54 = tpu.memref_squeeze %dma_wait3A_53 : memref<1x80x128xi32, #tpu.memory_space<hbm>> -> memref<80x128xi32, #tpu.memory_space<hbm>>
      %dma_wait3A_55 = arith.constant 0 : i32
      %dma_wait3A_56 = arith.constant 0 : i32
      %dma_wait3A_57 = tpu.memref_slice %arg4[%add3A, %dma_wait3A_55, %dma_wait3A_56] : memref<32x80x128xi32, #tpu.memory_space<hbm>> -> memref<1x80x128xi32, #tpu.memory_space<hbm>>
      %dma_wait3A_58 = tpu.memref_squeeze %dma_wait3A_57 : memref<1x80x128xi32, #tpu.memory_space<hbm>> -> memref<80x128xi32, #tpu.memory_space<hbm>>
      tpu.wait_dma2 semaphore(%run_scoped3A : memref<!tpu.dma_semaphore, #tpu.memory_space<semaphore_mem>>) src(%dma_wait3A_58 : memref<80x128xi32, #tpu.memory_space<hbm>>) dst(%arg8 : memref<80x128xi32, #tpu.memory_space<vmem>>)
      tpu.yield
    }) : () -> ()
    %dma_start3A = arith.constant 0 : i32
    %dma_start3A_6 = arith.constant 0 : i32
    %dma_start3A_7 = tpu.memref_slice %arg7[%dma_start3A, %dma_start3A_6] : memref<80x128xi32, #tpu.memory_space<vmem>> -> memref<1x32xi32, #tpu.memory_space<vmem>>
    %dma_start3A_8 = tpu.memref_squeeze %dma_start3A_7 : memref<1x32xi32, #tpu.memory_space<vmem>> -> memref<32xi32, #tpu.memory_space<vmem>>
    %dma_start3A_9 = arith.constant 0 : i32
    %dma_start3A_10 = arith.constant 0 : i32
    %dma_start3A_11 = tpu.memref_slice %arg2[%dma_start3A_9, %dma_start3A_10] : memref<10000x128xf32, #tpu.memory_space<hbm>> -> memref<10000x128xf32, #tpu.memory_space<hbm>>
    tpu.enqueue_indirect_dma source(%dma_start3A_11 : memref<10000x128xf32, #tpu.memory_space<hbm>>) target(%arg9 : memref<32x128xf32, #tpu.memory_space<vmem>>) offsets(%dma_start3A_8 : memref<32xi32, #tpu.memory_space<vmem>>) semaphore(%arg14 : memref<!tpu.dma_semaphore, #tpu.memory_space<semaphore_mem>>)
    %dma_start3A_12 = arith.constant 0 : i32
    %dma_start3A_13 = arith.constant 32 : i32
    %dma_start3A_14 = tpu.memref_slice %arg7[%dma_start3A_12, %dma_start3A_13] : memref<80x128xi32, #tpu.memory_space<vmem>> -> memref<1x32xi32, #tpu.memory_space<vmem>>
    %dma_start3A_15 = tpu.memref_squeeze %dma_start3A_14 : memref<1x32xi32, #tpu.memory_space<vmem>> -> memref<32xi32, #tpu.memory_space<vmem>>
    %dma_start3A_16 = arith.constant 0 : i32
    %dma_start3A_17 = arith.constant 0 : i32
    %dma_start3A_18 = tpu.memref_slice %arg2[%dma_start3A_16, %dma_start3A_17] : memref<10000x128xf32, #tpu.memory_space<hbm>> -> memref<10000x128xf32, #tpu.memory_space<hbm>>
    tpu.enqueue_indirect_dma source(%dma_start3A_18 : memref<10000x128xf32, #tpu.memory_space<hbm>>) target(%arg10 : memref<32x128xf32, #tpu.memory_space<vmem>>) offsets(%dma_start3A_15 : memref<32xi32, #tpu.memory_space<vmem>>) semaphore(%arg15 : memref<!tpu.dma_semaphore, #tpu.memory_space<semaphore_mem>>)
    %dma_start3A_19 = arith.constant 0 : i32
    %dma_start3A_20 = arith.constant 64 : i32
    %dma_start3A_21 = tpu.memref_slice %arg7[%dma_start3A_19, %dma_start3A_20] : memref<80x128xi32, #tpu.memory_space<vmem>> -> memref<1x32xi32, #tpu.memory_space<vmem>>
    %dma_start3A_22 = tpu.memref_squeeze %dma_start3A_21 : memref<1x32xi32, #tpu.memory_space<vmem>> -> memref<32xi32, #tpu.memory_space<vmem>>
    %dma_start3A_23 = arith.constant 0 : i32
    %dma_start3A_24 = arith.constant 0 : i32
    %dma_start3A_25 = tpu.memref_slice %arg2[%dma_start3A_23, %dma_start3A_24] : memref<10000x128xf32, #tpu.memory_space<hbm>> -> memref<10000x128xf32, #tpu.memory_space<hbm>>
    tpu.enqueue_indirect_dma source(%dma_start3A_25 : memref<10000x128xf32, #tpu.memory_space<hbm>>) target(%arg11 : memref<32x128xf32, #tpu.memory_space<vmem>>) offsets(%dma_start3A_22 : memref<32xi32, #tpu.memory_space<vmem>>) semaphore(%arg16 : memref<!tpu.dma_semaphore, #tpu.memory_space<semaphore_mem>>)
    %dma_start3A_26 = arith.constant 0 : i32
    %dma_start3A_27 = arith.constant 96 : i32
    %dma_start3A_28 = tpu.memref_slice %arg7[%dma_start3A_26, %dma_start3A_27] : memref<80x128xi32, #tpu.memory_space<vmem>> -> memref<1x32xi32, #tpu.memory_space<vmem>>
    %dma_start3A_29 = tpu.memref_squeeze %dma_start3A_28 : memref<1x32xi32, #tpu.memory_space<vmem>> -> memref<32xi32, #tpu.memory_space<vmem>>
    %dma_start3A_30 = arith.constant 0 : i32
    %dma_start3A_31 = arith.constant 0 : i32
    %dma_start3A_32 = tpu.memref_slice %arg2[%dma_start3A_30, %dma_start3A_31] : memref<10000x128xf32, #tpu.memory_space<hbm>> -> memref<10000x128xf32, #tpu.memory_space<hbm>>
    tpu.enqueue_indirect_dma source(%dma_start3A_32 : memref<10000x128xf32, #tpu.memory_space<hbm>>) target(%arg12 : memref<32x128xf32, #tpu.memory_space<vmem>>) offsets(%dma_start3A_29 : memref<32xi32, #tpu.memory_space<vmem>>) semaphore(%arg17 : memref<!tpu.dma_semaphore, #tpu.memory_space<semaphore_mem>>)
    %barrier3A = arith.constant 0 : index
    tpu.barrier barrier_id(%barrier3A)
    %scan3A_33 = arith.constant 0 : i32
    %scan3A_34 = arith.constant 0 : i32
    %scan3A_35 = arith.constant 80 : i32
    %scan3A_36 = arith.addi %scan3A_34, %scan3A_35 : i32
    %scan3A_37 = arith.constant 1 : i32
    scf.for %scan3A_44 = %scan3A_34 to %scan3A_36 step %scan3A_37  : i32 {
      %dma_wait3A = arith.constant 0 : i32
      %dma_wait3A_45 = tpu.memref_slice %arg7[%scan3A_44, %dma_wait3A] : memref<80x128xi32, #tpu.memory_space<vmem>> -> memref<1x32xi32, #tpu.memory_space<vmem>>
      %dma_wait3A_46 = tpu.memref_squeeze %dma_wait3A_45 : memref<1x32xi32, #tpu.memory_space<vmem>> -> memref<32xi32, #tpu.memory_space<vmem>>
      %dma_wait3A_47 = arith.constant 0 : i32
      %dma_wait3A_48 = arith.constant 0 : i32
      %dma_wait3A_49 = tpu.memref_slice %arg2[%dma_wait3A_47, %dma_wait3A_48] : memref<10000x128xf32, #tpu.memory_space<hbm>> -> memref<10000x128xf32, #tpu.memory_space<hbm>>
      tpu.wait_indirect_dma semaphore(%arg14 : memref<!tpu.dma_semaphore, #tpu.memory_space<semaphore_mem>>) src(%dma_wait3A_49 : memref<10000x128xf32, #tpu.memory_space<hbm>>) dst(%arg9 : memref<32x128xf32, #tpu.memory_space<vmem>>)
      "tpu.region"() ({
        %run_scoped3A = tpu.sem_alloc : memref<!tpu.dma_semaphore, #tpu.memory_space<semaphore_mem>>
        %dma_start3A_93 = arith.constant 0 : i32
        %dma_start3A_94 = tpu.memref_slice %arg8[%scan3A_44, %dma_start3A_93] : memref<80x128xi32, #tpu.memory_space<vmem>> -> memref<1x32xi32, #tpu.memory_space<vmem>>
        %dma_start3A_95 = tpu.memref_squeeze %dma_start3A_94 : memref<1x32xi32, #tpu.memory_space<vmem>> -> memref<32xi32, #tpu.memory_space<vmem>>
        %dma_start3A_96 = arith.constant 0 : i32
        %dma_start3A_97 = arith.constant 0 : i32
        %dma_start3A_98 = tpu.memref_slice %arg13[%dma_start3A_96, %dma_start3A_97] : memref<10240x128xf32, #tpu.memory_space<vmem_shared>> -> memref<10240x128xf32, #tpu.memory_space<vmem_shared>>
        tpu.enqueue_indirect_dma source(%arg9 : memref<32x128xf32, #tpu.memory_space<vmem>>) target(%dma_start3A_98 : memref<10240x128xf32, #tpu.memory_space<vmem_shared>>) offsets(%dma_start3A_95 : memref<32xi32, #tpu.memory_space<vmem>>) semaphore(%run_scoped3A : memref<!tpu.dma_semaphore, #tpu.memory_space<semaphore_mem>>) {add = true}
        %dma_wait3A_99 = arith.constant 0 : i32
        %dma_wait3A_100 = tpu.memref_slice %arg8[%scan3A_44, %dma_wait3A_99] : memref<80x128xi32, #tpu.memory_space<vmem>> -> memref<1x32xi32, #tpu.memory_space<vmem>>
        %dma_wait3A_101 = tpu.memref_squeeze %dma_wait3A_100 : memref<1x32xi32, #tpu.memory_space<vmem>> -> memref<32xi32, #tpu.memory_space<vmem>>
        %dma_wait3A_102 = arith.constant 0 : i32
        %dma_wait3A_103 = arith.constant 0 : i32
        %dma_wait3A_104 = tpu.memref_slice %arg13[%dma_wait3A_102, %dma_wait3A_103] : memref<10240x128xf32, #tpu.memory_space<vmem_shared>> -> memref<10240x128xf32, #tpu.memory_space<vmem_shared>>
        tpu.wait_indirect_dma semaphore(%run_scoped3A : memref<!tpu.dma_semaphore, #tpu.memory_space<semaphore_mem>>) src(%arg9 : memref<32x128xf32, #tpu.memory_space<vmem>>) dst(%dma_wait3A_104 : memref<10240x128xf32, #tpu.memory_space<vmem_shared>>)
        tpu.yield
      }) : () -> ()
      %add3A_50 = arith.constant 1 : i32
      %add3A_51 = arith.addi %scan3A_44, %add3A_50 : i32
      %lt3A = arith.constant 80 : i32
      %lt3A_52 = arith.cmpi slt, %add3A_51, %lt3A : i32
      %convert_element_type3A = arith.extui %lt3A_52 : i1 to i32
      %cond3A = arith.constant 0 : i32
      %cond3A_53 = arith.cmpi ne, %convert_element_type3A, %cond3A : i32
      scf.if %cond3A_53 {
        %add3A_93 = arith.constant 1 : i32
        %add3A_94 = arith.addi %scan3A_44, %add3A_93 : i32
        %dma_start3A_95 = arith.constant 0 : i32
        %dma_start3A_96 = tpu.memref_slice %arg7[%add3A_94, %dma_start3A_95] : memref<80x128xi32, #tpu.memory_space<vmem>> -> memref<1x32xi32, #tpu.memory_space<vmem>>
        %dma_start3A_97 = tpu.memref_squeeze %dma_start3A_96 : memref<1x32xi32, #tpu.memory_space<vmem>> -> memref<32xi32, #tpu.memory_space<vmem>>
        %dma_start3A_98 = arith.constant 0 : i32
        %dma_start3A_99 = arith.constant 0 : i32
        %dma_start3A_100 = tpu.memref_slice %arg2[%dma_start3A_98, %dma_start3A_99] : memref<10000x128xf32, #tpu.memory_space<hbm>> -> memref<10000x128xf32, #tpu.memory_space<hbm>>
        tpu.enqueue_indirect_dma source(%dma_start3A_100 : memref<10000x128xf32, #tpu.memory_space<hbm>>) target(%arg9 : memref<32x128xf32, #tpu.memory_space<vmem>>) offsets(%dma_start3A_97 : memref<32xi32, #tpu.memory_space<vmem>>) semaphore(%arg14 : memref<!tpu.dma_semaphore, #tpu.memory_space<semaphore_mem>>)
      } else {
      }
      %dma_wait3A_54 = arith.constant 32 : i32
      %dma_wait3A_55 = tpu.memref_slice %arg7[%scan3A_44, %dma_wait3A_54] : memref<80x128xi32, #tpu.memory_space<vmem>> -> memref<1x32xi32, #tpu.memory_space<vmem>>
      %dma_wait3A_56 = tpu.memref_squeeze %dma_wait3A_55 : memref<1x32xi32, #tpu.memory_space<vmem>> -> memref<32xi32, #tpu.memory_space<vmem>>
      %dma_wait3A_57 = arith.constant 0 : i32
      %dma_wait3A_58 = arith.constant 0 : i32
      %dma_wait3A_59 = tpu.memref_slice %arg2[%dma_wait3A_57, %dma_wait3A_58] : memref<10000x128xf32, #tpu.memory_space<hbm>> -> memref<10000x128xf32, #tpu.memory_space<hbm>>
      tpu.wait_indirect_dma semaphore(%arg15 : memref<!tpu.dma_semaphore, #tpu.memory_space<semaphore_mem>>) src(%dma_wait3A_59 : memref<10000x128xf32, #tpu.memory_space<hbm>>) dst(%arg10 : memref<32x128xf32, #tpu.memory_space<vmem>>)
      "tpu.region"() ({
        %run_scoped3A = tpu.sem_alloc : memref<!tpu.dma_semaphore, #tpu.memory_space<semaphore_mem>>
        %dma_start3A_93 = arith.constant 32 : i32
        %dma_start3A_94 = tpu.memref_slice %arg8[%scan3A_44, %dma_start3A_93] : memref<80x128xi32, #tpu.memory_space<vmem>> -> memref<1x32xi32, #tpu.memory_space<vmem>>
        %dma_start3A_95 = tpu.memref_squeeze %dma_start3A_94 : memref<1x32xi32, #tpu.memory_space<vmem>> -> memref<32xi32, #tpu.memory_space<vmem>>
        %dma_start3A_96 = arith.constant 0 : i32
        %dma_start3A_97 = arith.constant 0 : i32
        %dma_start3A_98 = tpu.memref_slice %arg13[%dma_start3A_96, %dma_start3A_97] : memref<10240x128xf32, #tpu.memory_space<vmem_shared>> -> memref<10240x128xf32, #tpu.memory_space<vmem_shared>>
        tpu.enqueue_indirect_dma source(%arg10 : memref<32x128xf32, #tpu.memory_space<vmem>>) target(%dma_start3A_98 : memref<10240x128xf32, #tpu.memory_space<vmem_shared>>) offsets(%dma_start3A_95 : memref<32xi32, #tpu.memory_space<vmem>>) semaphore(%run_scoped3A : memref<!tpu.dma_semaphore, #tpu.memory_space<semaphore_mem>>) {add = true}
        %dma_wait3A_99 = arith.constant 32 : i32
        %dma_wait3A_100 = tpu.memref_slice %arg8[%scan3A_44, %dma_wait3A_99] : memref<80x128xi32, #tpu.memory_space<vmem>> -> memref<1x32xi32, #tpu.memory_space<vmem>>
        %dma_wait3A_101 = tpu.memref_squeeze %dma_wait3A_100 : memref<1x32xi32, #tpu.memory_space<vmem>> -> memref<32xi32, #tpu.memory_space<vmem>>
        %dma_wait3A_102 = arith.constant 0 : i32
        %dma_wait3A_103 = arith.constant 0 : i32
        %dma_wait3A_104 = tpu.memref_slice %arg13[%dma_wait3A_102, %dma_wait3A_103] : memref<10240x128xf32, #tpu.memory_space<vmem_shared>> -> memref<10240x128xf32, #tpu.memory_space<vmem_shared>>
        tpu.wait_indirect_dma semaphore(%run_scoped3A : memref<!tpu.dma_semaphore, #tpu.memory_space<semaphore_mem>>) src(%arg10 : memref<32x128xf32, #tpu.memory_space<vmem>>) dst(%dma_wait3A_104 : memref<10240x128xf32, #tpu.memory_space<vmem_shared>>)
        tpu.yield
      }) : () -> ()
      %add3A_60 = arith.constant 1 : i32
      %add3A_61 = arith.addi %scan3A_44, %add3A_60 : i32
      %lt3A_62 = arith.constant 80 : i32
      %lt3A_63 = arith.cmpi slt, %add3A_61, %lt3A_62 : i32
      %convert_element_type3A_64 = arith.extui %lt3A_63 : i1 to i32
      %cond3A_65 = arith.constant 0 : i32
      %cond3A_66 = arith.cmpi ne, %convert_element_type3A_64, %cond3A_65 : i32
      scf.if %cond3A_66 {
        %add3A_93 = arith.constant 1 : i32
        %add3A_94 = arith.addi %scan3A_44, %add3A_93 : i32
        %dma_start3A_95 = arith.constant 32 : i32
        %dma_start3A_96 = tpu.memref_slice %arg7[%add3A_94, %dma_start3A_95] : memref<80x128xi32, #tpu.memory_space<vmem>> -> memref<1x32xi32, #tpu.memory_space<vmem>>
        %dma_start3A_97 = tpu.memref_squeeze %dma_start3A_96 : memref<1x32xi32, #tpu.memory_space<vmem>> -> memref<32xi32, #tpu.memory_space<vmem>>
        %dma_start3A_98 = arith.constant 0 : i32
        %dma_start3A_99 = arith.constant 0 : i32
        %dma_start3A_100 = tpu.memref_slice %arg2[%dma_start3A_98, %dma_start3A_99] : memref<10000x128xf32, #tpu.memory_space<hbm>> -> memref<10000x128xf32, #tpu.memory_space<hbm>>
        tpu.enqueue_indirect_dma source(%dma_start3A_100 : memref<10000x128xf32, #tpu.memory_space<hbm>>) target(%arg10 : memref<32x128xf32, #tpu.memory_space<vmem>>) offsets(%dma_start3A_97 : memref<32xi32, #tpu.memory_space<vmem>>) semaphore(%arg15 : memref<!tpu.dma_semaphore, #tpu.memory_space<semaphore_mem>>)
      } else {
      }
      %dma_wait3A_67 = arith.constant 64 : i32
      %dma_wait3A_68 = tpu.memref_slice %arg7[%scan3A_44, %dma_wait3A_67] : memref<80x128xi32, #tpu.memory_space<vmem>> -> memref<1x32xi32, #tpu.memory_space<vmem>>
      %dma_wait3A_69 = tpu.memref_squeeze %dma_wait3A_68 : memref<1x32xi32, #tpu.memory_space<vmem>> -> memref<32xi32, #tpu.memory_space<vmem>>
      %dma_wait3A_70 = arith.constant 0 : i32
      %dma_wait3A_71 = arith.constant 0 : i32
      %dma_wait3A_72 = tpu.memref_slice %arg2[%dma_wait3A_70, %dma_wait3A_71] : memref<10000x128xf32, #tpu.memory_space<hbm>> -> memref<10000x128xf32, #tpu.memory_space<hbm>>
      tpu.wait_indirect_dma semaphore(%arg16 : memref<!tpu.dma_semaphore, #tpu.memory_space<semaphore_mem>>) src(%dma_wait3A_72 : memref<10000x128xf32, #tpu.memory_space<hbm>>) dst(%arg11 : memref<32x128xf32, #tpu.memory_space<vmem>>)
      "tpu.region"() ({
        %run_scoped3A = tpu.sem_alloc : memref<!tpu.dma_semaphore, #tpu.memory_space<semaphore_mem>>
        %dma_start3A_93 = arith.constant 64 : i32
        %dma_start3A_94 = tpu.memref_slice %arg8[%scan3A_44, %dma_start3A_93] : memref<80x128xi32, #tpu.memory_space<vmem>> -> memref<1x32xi32, #tpu.memory_space<vmem>>
        %dma_start3A_95 = tpu.memref_squeeze %dma_start3A_94 : memref<1x32xi32, #tpu.memory_space<vmem>> -> memref<32xi32, #tpu.memory_space<vmem>>
        %dma_start3A_96 = arith.constant 0 : i32
        %dma_start3A_97 = arith.constant 0 : i32
        %dma_start3A_98 = tpu.memref_slice %arg13[%dma_start3A_96, %dma_start3A_97] : memref<10240x128xf32, #tpu.memory_space<vmem_shared>> -> memref<10240x128xf32, #tpu.memory_space<vmem_shared>>
        tpu.enqueue_indirect_dma source(%arg11 : memref<32x128xf32, #tpu.memory_space<vmem>>) target(%dma_start3A_98 : memref<10240x128xf32, #tpu.memory_space<vmem_shared>>) offsets(%dma_start3A_95 : memref<32xi32, #tpu.memory_space<vmem>>) semaphore(%run_scoped3A : memref<!tpu.dma_semaphore, #tpu.memory_space<semaphore_mem>>) {add = true}
        %dma_wait3A_99 = arith.constant 64 : i32
        %dma_wait3A_100 = tpu.memref_slice %arg8[%scan3A_44, %dma_wait3A_99] : memref<80x128xi32, #tpu.memory_space<vmem>> -> memref<1x32xi32, #tpu.memory_space<vmem>>
        %dma_wait3A_101 = tpu.memref_squeeze %dma_wait3A_100 : memref<1x32xi32, #tpu.memory_space<vmem>> -> memref<32xi32, #tpu.memory_space<vmem>>
        %dma_wait3A_102 = arith.constant 0 : i32
        %dma_wait3A_103 = arith.constant 0 : i32
        %dma_wait3A_104 = tpu.memref_slice %arg13[%dma_wait3A_102, %dma_wait3A_103] : memref<10240x128xf32, #tpu.memory_space<vmem_shared>> -> memref<10240x128xf32, #tpu.memory_space<vmem_shared>>
        tpu.wait_indirect_dma semaphore(%run_scoped3A : memref<!tpu.dma_semaphore, #tpu.memory_space<semaphore_mem>>) src(%arg11 : memref<32x128xf32, #tpu.memory_space<vmem>>) dst(%dma_wait3A_104 : memref<10240x128xf32, #tpu.memory_space<vmem_shared>>)
        tpu.yield
      }) : () -> ()
      %add3A_73 = arith.constant 1 : i32
      %add3A_74 = arith.addi %scan3A_44, %add3A_73 : i32
      %lt3A_75 = arith.constant 80 : i32
      %lt3A_76 = arith.cmpi slt, %add3A_74, %lt3A_75 : i32
      %convert_element_type3A_77 = arith.extui %lt3A_76 : i1 to i32
      %cond3A_78 = arith.constant 0 : i32
      %cond3A_79 = arith.cmpi ne, %convert_element_type3A_77, %cond3A_78 : i32
      scf.if %cond3A_79 {
        %add3A_93 = arith.constant 1 : i32
        %add3A_94 = arith.addi %scan3A_44, %add3A_93 : i32
        %dma_start3A_95 = arith.constant 64 : i32
        %dma_start3A_96 = tpu.memref_slice %arg7[%add3A_94, %dma_start3A_95] : memref<80x128xi32, #tpu.memory_space<vmem>> -> memref<1x32xi32, #tpu.memory_space<vmem>>
        %dma_start3A_97 = tpu.memref_squeeze %dma_start3A_96 : memref<1x32xi32, #tpu.memory_space<vmem>> -> memref<32xi32, #tpu.memory_space<vmem>>
        %dma_start3A_98 = arith.constant 0 : i32
        %dma_start3A_99 = arith.constant 0 : i32
        %dma_start3A_100 = tpu.memref_slice %arg2[%dma_start3A_98, %dma_start3A_99] : memref<10000x128xf32, #tpu.memory_space<hbm>> -> memref<10000x128xf32, #tpu.memory_space<hbm>>
        tpu.enqueue_indirect_dma source(%dma_start3A_100 : memref<10000x128xf32, #tpu.memory_space<hbm>>) target(%arg11 : memref<32x128xf32, #tpu.memory_space<vmem>>) offsets(%dma_start3A_97 : memref<32xi32, #tpu.memory_space<vmem>>) semaphore(%arg16 : memref<!tpu.dma_semaphore, #tpu.memory_space<semaphore_mem>>)
      } else {
      }
      %dma_wait3A_80 = arith.constant 96 : i32
      %dma_wait3A_81 = tpu.memref_slice %arg7[%scan3A_44, %dma_wait3A_80] : memref<80x128xi32, #tpu.memory_space<vmem>> -> memref<1x32xi32, #tpu.memory_space<vmem>>
      %dma_wait3A_82 = tpu.memref_squeeze %dma_wait3A_81 : memref<1x32xi32, #tpu.memory_space<vmem>> -> memref<32xi32, #tpu.memory_space<vmem>>
      %dma_wait3A_83 = arith.constant 0 : i32
      %dma_wait3A_84 = arith.constant 0 : i32
      %dma_wait3A_85 = tpu.memref_slice %arg2[%dma_wait3A_83, %dma_wait3A_84] : memref<10000x128xf32, #tpu.memory_space<hbm>> -> memref<10000x128xf32, #tpu.memory_space<hbm>>
      tpu.wait_indirect_dma semaphore(%arg17 : memref<!tpu.dma_semaphore, #tpu.memory_space<semaphore_mem>>) src(%dma_wait3A_85 : memref<10000x128xf32, #tpu.memory_space<hbm>>) dst(%arg12 : memref<32x128xf32, #tpu.memory_space<vmem>>)
      "tpu.region"() ({
        %run_scoped3A = tpu.sem_alloc : memref<!tpu.dma_semaphore, #tpu.memory_space<semaphore_mem>>
        %dma_start3A_93 = arith.constant 96 : i32
        %dma_start3A_94 = tpu.memref_slice %arg8[%scan3A_44, %dma_start3A_93] : memref<80x128xi32, #tpu.memory_space<vmem>> -> memref<1x32xi32, #tpu.memory_space<vmem>>
        %dma_start3A_95 = tpu.memref_squeeze %dma_start3A_94 : memref<1x32xi32, #tpu.memory_space<vmem>> -> memref<32xi32, #tpu.memory_space<vmem>>
        %dma_start3A_96 = arith.constant 0 : i32
        %dma_start3A_97 = arith.constant 0 : i32
        %dma_start3A_98 = tpu.memref_slice %arg13[%dma_start3A_96, %dma_start3A_97] : memref<10240x128xf32, #tpu.memory_space<vmem_shared>> -> memref<10240x128xf32, #tpu.memory_space<vmem_shared>>
        tpu.enqueue_indirect_dma source(%arg12 : memref<32x128xf32, #tpu.memory_space<vmem>>) target(%dma_start3A_98 : memref<10240x128xf32, #tpu.memory_space<vmem_shared>>) offsets(%dma_start3A_95 : memref<32xi32, #tpu.memory_space<vmem>>) semaphore(%run_scoped3A : memref<!tpu.dma_semaphore, #tpu.memory_space<semaphore_mem>>) {add = true}
        %dma_wait3A_99 = arith.constant 96 : i32
        %dma_wait3A_100 = tpu.memref_slice %arg8[%scan3A_44, %dma_wait3A_99] : memref<80x128xi32, #tpu.memory_space<vmem>> -> memref<1x32xi32, #tpu.memory_space<vmem>>
        %dma_wait3A_101 = tpu.memref_squeeze %dma_wait3A_100 : memref<1x32xi32, #tpu.memory_space<vmem>> -> memref<32xi32, #tpu.memory_space<vmem>>
        %dma_wait3A_102 = arith.constant 0 : i32
        %dma_wait3A_103 = arith.constant 0 : i32
        %dma_wait3A_104 = tpu.memref_slice %arg13[%dma_wait3A_102, %dma_wait3A_103] : memref<10240x128xf32, #tpu.memory_space<vmem_shared>> -> memref<10240x128xf32, #tpu.memory_space<vmem_shared>>
        tpu.wait_indirect_dma semaphore(%run_scoped3A : memref<!tpu.dma_semaphore, #tpu.memory_space<semaphore_mem>>) src(%arg12 : memref<32x128xf32, #tpu.memory_space<vmem>>) dst(%dma_wait3A_104 : memref<10240x128xf32, #tpu.memory_space<vmem_shared>>)
        tpu.yield
      }) : () -> ()
      %add3A_86 = arith.constant 1 : i32
      %add3A_87 = arith.addi %scan3A_44, %add3A_86 : i32
      %lt3A_88 = arith.constant 80 : i32
      %lt3A_89 = arith.cmpi slt, %add3A_87, %lt3A_88 : i32
      %convert_element_type3A_90 = arith.extui %lt3A_89 : i1 to i32
      %cond3A_91 = arith.constant 0 : i32
      %cond3A_92 = arith.cmpi ne, %convert_element_type3A_90, %cond3A_91 : i32
      scf.if %cond3A_92 {
        %add3A_93 = arith.constant 1 : i32
        %add3A_94 = arith.addi %scan3A_44, %add3A_93 : i32
        %dma_start3A_95 = arith.constant 96 : i32
        %dma_start3A_96 = tpu.memref_slice %arg7[%add3A_94, %dma_start3A_95] : memref<80x128xi32, #tpu.memory_space<vmem>> -> memref<1x32xi32, #tpu.memory_space<vmem>>
        %dma_start3A_97 = tpu.memref_squeeze %dma_start3A_96 : memref<1x32xi32, #tpu.memory_space<vmem>> -> memref<32xi32, #tpu.memory_space<vmem>>
        %dma_start3A_98 = arith.constant 0 : i32
        %dma_start3A_99 = arith.constant 0 : i32
        %dma_start3A_100 = tpu.memref_slice %arg2[%dma_start3A_98, %dma_start3A_99] : memref<10000x128xf32, #tpu.memory_space<hbm>> -> memref<10000x128xf32, #tpu.memory_space<hbm>>
        tpu.enqueue_indirect_dma source(%dma_start3A_100 : memref<10000x128xf32, #tpu.memory_space<hbm>>) target(%arg12 : memref<32x128xf32, #tpu.memory_space<vmem>>) offsets(%dma_start3A_97 : memref<32xi32, #tpu.memory_space<vmem>>) semaphore(%arg17 : memref<!tpu.dma_semaphore, #tpu.memory_space<semaphore_mem>>)
      } else {
      }
    }
    %scan3A_38 = arith.constant 80 : i32
    %barrier3A_39 = arith.constant 0 : index
    tpu.barrier barrier_id(%barrier3A_39)
    %mul3A_40 = arith.constant 632 : i32
    %mul3A_41 = arith.muli %arg1, %mul3A_40 : i32
    %mul3A_42 = arith.constant 632 : i32
    %mul3A_43 = arith.muli %arg1, %mul3A_42 : i32
    "tpu.region"() ({
      %run_scoped3A = tpu.sem_alloc : memref<!tpu.dma_semaphore, #tpu.memory_space<semaphore_mem>>
      %dma_start3A_44 = arith.constant 0 : i32
      %dma_start3A_45 = tpu.memref_slice %arg6[%arg0, %mul3A_43, %dma_start3A_44] : memref<2x10112x128xf32, #tpu.memory_space<hbm>> -> memref<1x632x128xf32, #tpu.memory_space<hbm>>
      %dma_start3A_46 = tpu.memref_squeeze %dma_start3A_45 : memref<1x632x128xf32, #tpu.memory_space<hbm>> -> memref<632x128xf32, #tpu.memory_space<hbm>>
      %dma_start3A_47 = arith.constant 0 : i32
      %dma_start3A_48 = tpu.memref_slice %arg13[%mul3A_41, %dma_start3A_47] : memref<10240x128xf32, #tpu.memory_space<vmem_shared>> -> memref<632x128xf32, #tpu.memory_space<vmem_shared>>
      tpu.enqueue_dma source(%dma_start3A_48 : memref<632x128xf32, #tpu.memory_space<vmem_shared>>) target(%dma_start3A_46 : memref<632x128xf32, #tpu.memory_space<hbm>>) target_semaphore(%run_scoped3A : memref<!tpu.dma_semaphore, #tpu.memory_space<semaphore_mem>>)
      %dma_wait3A = arith.constant 0 : i32
      %dma_wait3A_49 = tpu.memref_slice %arg6[%arg0, %mul3A_43, %dma_wait3A] : memref<2x10112x128xf32, #tpu.memory_space<hbm>> -> memref<1x632x128xf32, #tpu.memory_space<hbm>>
      %dma_wait3A_50 = tpu.memref_squeeze %dma_wait3A_49 : memref<1x632x128xf32, #tpu.memory_space<hbm>> -> memref<632x128xf32, #tpu.memory_space<hbm>>
      %dma_wait3A_51 = arith.constant 0 : i32
      %dma_wait3A_52 = tpu.memref_slice %arg13[%mul3A_41, %dma_wait3A_51] : memref<10240x128xf32, #tpu.memory_space<vmem_shared>> -> memref<632x128xf32, #tpu.memory_space<vmem_shared>>
      tpu.wait_dma2 semaphore(%run_scoped3A : memref<!tpu.dma_semaphore, #tpu.memory_space<semaphore_mem>>) src(%dma_wait3A_52 : memref<632x128xf32, #tpu.memory_space<vmem_shared>>) dst(%dma_wait3A_50 : memref<632x128xf32, #tpu.memory_space<hbm>>)
      tpu.yield
    }) : () -> ()
    return
  }
}

#map = affine_map<(d0, d1) -> (0, 0)>
#map1 = affine_map<(d0, d1) -> (0, 0, 0)>
module attributes {stable_mosaic.version = 14 : i64} {
  func.func @_agg_kernel_body(%arg0: i32, %arg1: i32, %arg2: memref<10000x128xf32, #tpu.memory_space<hbm>>, %arg3: memref<32x80x128xi32, #tpu.memory_space<hbm>>, %arg4: memref<32x80x128xi32, #tpu.memory_space<hbm>>, %arg5: memref<32x128xf32, #tpu.memory_space<hbm>>, %arg6: memref<2x10112x128xf32, #tpu.memory_space<hbm>>, %arg7: memref<80x128xi32, #tpu.memory_space<vmem>>, %arg8: memref<80x128xi32, #tpu.memory_space<vmem>>, %arg9: memref<32x128xf32, #tpu.memory_space<vmem>>, %arg10: memref<32x128xf32, #tpu.memory_space<vmem>>, %arg11: memref<32x128xf32, #tpu.memory_space<vmem>>, %arg12: memref<32x128xf32, #tpu.memory_space<vmem>>, %arg13: memref<10240x128xf32, #tpu.memory_space<vmem_shared>>, %arg14: memref<!tpu.dma_semaphore, #tpu.memory_space<semaphore_mem>>, %arg15: memref<!tpu.dma_semaphore, #tpu.memory_space<semaphore_mem>>, %arg16: memref<!tpu.dma_semaphore, #tpu.memory_space<semaphore_mem>>, %arg17: memref<!tpu.dma_semaphore, #tpu.memory_space<semaphore_mem>>) attributes {dimension_semantics = [#tpu.dimension_semantics<core_parallel>, #tpu.dimension_semantics<subcore_parallel>], iteration_bounds = array<i64: 2, 16>, scalar_prefetch = 0 : i64, scratch_operands = 11 : i64, tpu.core_type = #tpu.core_type<sc_vector_subcore>, window_params = [{transform_indices = #map}, {transform_indices = #map1}, {transform_indices = #map1}, {transform_indices = #map}, {transform_indices = #map1}]} {
    %mul3A = arith.constant 2 : i32
    %mul3A_0 = arith.muli %arg1, %mul3A : i32
    %add3A = arith.addi %mul3A_0, %arg0 : i32
    "tpu.region"() ({
      %run_scoped3A = tpu.sem_alloc : memref<!tpu.dma_semaphore, #tpu.memory_space<semaphore_mem>>
      tpu.enqueue_dma source(%arg5 : memref<32x128xf32, #tpu.memory_space<hbm>>) target(%arg9 : memref<32x128xf32, #tpu.memory_space<vmem>>) target_semaphore(%run_scoped3A : memref<!tpu.dma_semaphore, #tpu.memory_space<semaphore_mem>>)
      tpu.wait_dma2 semaphore(%run_scoped3A : memref<!tpu.dma_semaphore, #tpu.memory_space<semaphore_mem>>) src(%arg5 : memref<32x128xf32, #tpu.memory_space<hbm>>) dst(%arg9 : memref<32x128xf32, #tpu.memory_space<vmem>>)
      tpu.yield
    }) : () -> ()
    %scan3A = arith.constant 0 : i32
    %scan3A_1 = arith.constant 0 : i32
    %scan3A_2 = arith.constant 20 : i32
    %scan3A_3 = arith.addi %scan3A_1, %scan3A_2 : i32
    %scan3A_4 = arith.constant 1 : i32
    scf.for %scan3A_44 = %scan3A_1 to %scan3A_3 step %scan3A_4  : i32 {
      %mul3A_45 = arith.constant 640 : i32
      %mul3A_46 = arith.muli %arg1, %mul3A_45 : i32
      %mul3A_47 = arith.constant 32 : i32
      %mul3A_48 = arith.muli %scan3A_44, %mul3A_47 : i32
      %add3A_49 = arith.addi %mul3A_46, %mul3A_48 : i32
      "tpu.region"() ({
        %run_scoped3A = tpu.sem_alloc : memref<!tpu.dma_semaphore, #tpu.memory_space<semaphore_mem>>
        %dma_start3A_50 = arith.constant 0 : i32
        %dma_start3A_51 = tpu.memref_slice %arg13[%add3A_49, %dma_start3A_50] : memref<10240x128xf32, #tpu.memory_space<vmem_shared>> -> memref<32x128xf32, #tpu.memory_space<vmem_shared>>
        %dma_start3A_52 = arith.constant 0 : i32
        %dma_start3A_53 = tpu.memref_slice %arg13[%add3A_49, %dma_start3A_52] : memref<10240x128xf32, #tpu.memory_space<vmem_shared>> -> memref<32x128xf32, #tpu.memory_space<vmem_shared>>
        tpu.enqueue_dma source(%arg9 : memref<32x128xf32, #tpu.memory_space<vmem>>) target(%dma_start3A_53 : memref<32x128xf32, #tpu.memory_space<vmem_shared>>) target_semaphore(%run_scoped3A : memref<!tpu.dma_semaphore, #tpu.memory_space<semaphore_mem>>)
        %dma_wait3A = arith.constant 0 : i32
        %dma_wait3A_54 = tpu.memref_slice %arg13[%add3A_49, %dma_wait3A] : memref<10240x128xf32, #tpu.memory_space<vmem_shared>> -> memref<32x128xf32, #tpu.memory_space<vmem_shared>>
        %dma_wait3A_55 = arith.constant 0 : i32
        %dma_wait3A_56 = tpu.memref_slice %arg13[%add3A_49, %dma_wait3A_55] : memref<10240x128xf32, #tpu.memory_space<vmem_shared>> -> memref<32x128xf32, #tpu.memory_space<vmem_shared>>
        tpu.wait_dma2 semaphore(%run_scoped3A : memref<!tpu.dma_semaphore, #tpu.memory_space<semaphore_mem>>) src(%arg9 : memref<32x128xf32, #tpu.memory_space<vmem>>) dst(%dma_wait3A_56 : memref<32x128xf32, #tpu.memory_space<vmem_shared>>)
        tpu.yield
      }) : () -> ()
    }
    %scan3A_5 = arith.constant 20 : i32
    "tpu.region"() ({
      %run_scoped3A = tpu.sem_alloc : memref<!tpu.dma_semaphore, #tpu.memory_space<semaphore_mem>>
      %dma_start3A_44 = arith.constant 0 : i32
      %dma_start3A_45 = arith.constant 0 : i32
      %dma_start3A_46 = tpu.memref_slice %arg3[%add3A, %dma_start3A_44, %dma_start3A_45] : memref<32x80x128xi32, #tpu.memory_space<hbm>> -> memref<1x80x128xi32, #tpu.memory_space<hbm>>
      %dma_start3A_47 = tpu.memref_squeeze %dma_start3A_46 : memref<1x80x128xi32, #tpu.memory_space<hbm>> -> memref<80x128xi32, #tpu.memory_space<hbm>>
      %dma_start3A_48 = arith.constant 0 : i32
      %dma_start3A_49 = arith.constant 0 : i32
      %dma_start3A_50 = tpu.memref_slice %arg3[%add3A, %dma_start3A_48, %dma_start3A_49] : memref<32x80x128xi32, #tpu.memory_space<hbm>> -> memref<1x80x128xi32, #tpu.memory_space<hbm>>
      %dma_start3A_51 = tpu.memref_squeeze %dma_start3A_50 : memref<1x80x128xi32, #tpu.memory_space<hbm>> -> memref<80x128xi32, #tpu.memory_space<hbm>>
      tpu.enqueue_dma source(%dma_start3A_51 : memref<80x128xi32, #tpu.memory_space<hbm>>) target(%arg7 : memref<80x128xi32, #tpu.memory_space<vmem>>) target_semaphore(%run_scoped3A : memref<!tpu.dma_semaphore, #tpu.memory_space<semaphore_mem>>)
      %dma_wait3A = arith.constant 0 : i32
      %dma_wait3A_52 = arith.constant 0 : i32
      %dma_wait3A_53 = tpu.memref_slice %arg3[%add3A, %dma_wait3A, %dma_wait3A_52] : memref<32x80x128xi32, #tpu.memory_space<hbm>> -> memref<1x80x128xi32, #tpu.memory_space<hbm>>
      %dma_wait3A_54 = tpu.memref_squeeze %dma_wait3A_53 : memref<1x80x128xi32, #tpu.memory_space<hbm>> -> memref<80x128xi32, #tpu.memory_space<hbm>>
      %dma_wait3A_55 = arith.constant 0 : i32
      %dma_wait3A_56 = arith.constant 0 : i32
      %dma_wait3A_57 = tpu.memref_slice %arg3[%add3A, %dma_wait3A_55, %dma_wait3A_56] : memref<32x80x128xi32, #tpu.memory_space<hbm>> -> memref<1x80x128xi32, #tpu.memory_space<hbm>>
      %dma_wait3A_58 = tpu.memref_squeeze %dma_wait3A_57 : memref<1x80x128xi32, #tpu.memory_space<hbm>> -> memref<80x128xi32, #tpu.memory_space<hbm>>
      tpu.wait_dma2 semaphore(%run_scoped3A : memref<!tpu.dma_semaphore, #tpu.memory_space<semaphore_mem>>) src(%dma_wait3A_58 : memref<80x128xi32, #tpu.memory_space<hbm>>) dst(%arg7 : memref<80x128xi32, #tpu.memory_space<vmem>>)
      tpu.yield
    }) : () -> ()
    "tpu.region"() ({
      %run_scoped3A = tpu.sem_alloc : memref<!tpu.dma_semaphore, #tpu.memory_space<semaphore_mem>>
      %dma_start3A_44 = arith.constant 0 : i32
      %dma_start3A_45 = arith.constant 0 : i32
      %dma_start3A_46 = tpu.memref_slice %arg4[%add3A, %dma_start3A_44, %dma_start3A_45] : memref<32x80x128xi32, #tpu.memory_space<hbm>> -> memref<1x80x128xi32, #tpu.memory_space<hbm>>
      %dma_start3A_47 = tpu.memref_squeeze %dma_start3A_46 : memref<1x80x128xi32, #tpu.memory_space<hbm>> -> memref<80x128xi32, #tpu.memory_space<hbm>>
      %dma_start3A_48 = arith.constant 0 : i32
      %dma_start3A_49 = arith.constant 0 : i32
      %dma_start3A_50 = tpu.memref_slice %arg4[%add3A, %dma_start3A_48, %dma_start3A_49] : memref<32x80x128xi32, #tpu.memory_space<hbm>> -> memref<1x80x128xi32, #tpu.memory_space<hbm>>
      %dma_start3A_51 = tpu.memref_squeeze %dma_start3A_50 : memref<1x80x128xi32, #tpu.memory_space<hbm>> -> memref<80x128xi32, #tpu.memory_space<hbm>>
      tpu.enqueue_dma source(%dma_start3A_51 : memref<80x128xi32, #tpu.memory_space<hbm>>) target(%arg8 : memref<80x128xi32, #tpu.memory_space<vmem>>) target_semaphore(%run_scoped3A : memref<!tpu.dma_semaphore, #tpu.memory_space<semaphore_mem>>)
      %dma_wait3A = arith.constant 0 : i32
      %dma_wait3A_52 = arith.constant 0 : i32
      %dma_wait3A_53 = tpu.memref_slice %arg4[%add3A, %dma_wait3A, %dma_wait3A_52] : memref<32x80x128xi32, #tpu.memory_space<hbm>> -> memref<1x80x128xi32, #tpu.memory_space<hbm>>
      %dma_wait3A_54 = tpu.memref_squeeze %dma_wait3A_53 : memref<1x80x128xi32, #tpu.memory_space<hbm>> -> memref<80x128xi32, #tpu.memory_space<hbm>>
      %dma_wait3A_55 = arith.constant 0 : i32
      %dma_wait3A_56 = arith.constant 0 : i32
      %dma_wait3A_57 = tpu.memref_slice %arg4[%add3A, %dma_wait3A_55, %dma_wait3A_56] : memref<32x80x128xi32, #tpu.memory_space<hbm>> -> memref<1x80x128xi32, #tpu.memory_space<hbm>>
      %dma_wait3A_58 = tpu.memref_squeeze %dma_wait3A_57 : memref<1x80x128xi32, #tpu.memory_space<hbm>> -> memref<80x128xi32, #tpu.memory_space<hbm>>
      tpu.wait_dma2 semaphore(%run_scoped3A : memref<!tpu.dma_semaphore, #tpu.memory_space<semaphore_mem>>) src(%dma_wait3A_58 : memref<80x128xi32, #tpu.memory_space<hbm>>) dst(%arg8 : memref<80x128xi32, #tpu.memory_space<vmem>>)
      tpu.yield
    }) : () -> ()
    %dma_start3A = arith.constant 0 : i32
    %dma_start3A_6 = arith.constant 0 : i32
    %dma_start3A_7 = tpu.memref_slice %arg7[%dma_start3A, %dma_start3A_6] : memref<80x128xi32, #tpu.memory_space<vmem>> -> memref<1x32xi32, #tpu.memory_space<vmem>>
    %dma_start3A_8 = tpu.memref_squeeze %dma_start3A_7 : memref<1x32xi32, #tpu.memory_space<vmem>> -> memref<32xi32, #tpu.memory_space<vmem>>
    %dma_start3A_9 = arith.constant 0 : i32
    %dma_start3A_10 = arith.constant 0 : i32
    %dma_start3A_11 = tpu.memref_slice %arg2[%dma_start3A_9, %dma_start3A_10] : memref<10000x128xf32, #tpu.memory_space<hbm>> -> memref<10000x128xf32, #tpu.memory_space<hbm>>
    tpu.enqueue_indirect_dma source(%dma_start3A_11 : memref<10000x128xf32, #tpu.memory_space<hbm>>) target(%arg9 : memref<32x128xf32, #tpu.memory_space<vmem>>) offsets(%dma_start3A_8 : memref<32xi32, #tpu.memory_space<vmem>>) semaphore(%arg14 : memref<!tpu.dma_semaphore, #tpu.memory_space<semaphore_mem>>)
    %dma_start3A_12 = arith.constant 0 : i32
    %dma_start3A_13 = arith.constant 32 : i32
    %dma_start3A_14 = tpu.memref_slice %arg7[%dma_start3A_12, %dma_start3A_13] : memref<80x128xi32, #tpu.memory_space<vmem>> -> memref<1x32xi32, #tpu.memory_space<vmem>>
    %dma_start3A_15 = tpu.memref_squeeze %dma_start3A_14 : memref<1x32xi32, #tpu.memory_space<vmem>> -> memref<32xi32, #tpu.memory_space<vmem>>
    %dma_start3A_16 = arith.constant 0 : i32
    %dma_start3A_17 = arith.constant 0 : i32
    %dma_start3A_18 = tpu.memref_slice %arg2[%dma_start3A_16, %dma_start3A_17] : memref<10000x128xf32, #tpu.memory_space<hbm>> -> memref<10000x128xf32, #tpu.memory_space<hbm>>
    tpu.enqueue_indirect_dma source(%dma_start3A_18 : memref<10000x128xf32, #tpu.memory_space<hbm>>) target(%arg10 : memref<32x128xf32, #tpu.memory_space<vmem>>) offsets(%dma_start3A_15 : memref<32xi32, #tpu.memory_space<vmem>>) semaphore(%arg15 : memref<!tpu.dma_semaphore, #tpu.memory_space<semaphore_mem>>)
    %dma_start3A_19 = arith.constant 0 : i32
    %dma_start3A_20 = arith.constant 64 : i32
    %dma_start3A_21 = tpu.memref_slice %arg7[%dma_start3A_19, %dma_start3A_20] : memref<80x128xi32, #tpu.memory_space<vmem>> -> memref<1x32xi32, #tpu.memory_space<vmem>>
    %dma_start3A_22 = tpu.memref_squeeze %dma_start3A_21 : memref<1x32xi32, #tpu.memory_space<vmem>> -> memref<32xi32, #tpu.memory_space<vmem>>
    %dma_start3A_23 = arith.constant 0 : i32
    %dma_start3A_24 = arith.constant 0 : i32
    %dma_start3A_25 = tpu.memref_slice %arg2[%dma_start3A_23, %dma_start3A_24] : memref<10000x128xf32, #tpu.memory_space<hbm>> -> memref<10000x128xf32, #tpu.memory_space<hbm>>
    tpu.enqueue_indirect_dma source(%dma_start3A_25 : memref<10000x128xf32, #tpu.memory_space<hbm>>) target(%arg11 : memref<32x128xf32, #tpu.memory_space<vmem>>) offsets(%dma_start3A_22 : memref<32xi32, #tpu.memory_space<vmem>>) semaphore(%arg16 : memref<!tpu.dma_semaphore, #tpu.memory_space<semaphore_mem>>)
    %dma_start3A_26 = arith.constant 0 : i32
    %dma_start3A_27 = arith.constant 96 : i32
    %dma_start3A_28 = tpu.memref_slice %arg7[%dma_start3A_26, %dma_start3A_27] : memref<80x128xi32, #tpu.memory_space<vmem>> -> memref<1x32xi32, #tpu.memory_space<vmem>>
    %dma_start3A_29 = tpu.memref_squeeze %dma_start3A_28 : memref<1x32xi32, #tpu.memory_space<vmem>> -> memref<32xi32, #tpu.memory_space<vmem>>
    %dma_start3A_30 = arith.constant 0 : i32
    %dma_start3A_31 = arith.constant 0 : i32
    %dma_start3A_32 = tpu.memref_slice %arg2[%dma_start3A_30, %dma_start3A_31] : memref<10000x128xf32, #tpu.memory_space<hbm>> -> memref<10000x128xf32, #tpu.memory_space<hbm>>
    tpu.enqueue_indirect_dma source(%dma_start3A_32 : memref<10000x128xf32, #tpu.memory_space<hbm>>) target(%arg12 : memref<32x128xf32, #tpu.memory_space<vmem>>) offsets(%dma_start3A_29 : memref<32xi32, #tpu.memory_space<vmem>>) semaphore(%arg17 : memref<!tpu.dma_semaphore, #tpu.memory_space<semaphore_mem>>)
    %barrier3A = arith.constant 0 : index
    tpu.barrier barrier_id(%barrier3A)
    %scan3A_33 = arith.constant 0 : i32
    %scan3A_34 = arith.constant 0 : i32
    %scan3A_35 = arith.constant 80 : i32
    %scan3A_36 = arith.addi %scan3A_34, %scan3A_35 : i32
    %scan3A_37 = arith.constant 1 : i32
    scf.for %scan3A_44 = %scan3A_34 to %scan3A_36 step %scan3A_37  : i32 {
      %dma_wait3A = arith.constant 0 : i32
      %dma_wait3A_45 = tpu.memref_slice %arg7[%scan3A_44, %dma_wait3A] : memref<80x128xi32, #tpu.memory_space<vmem>> -> memref<1x32xi32, #tpu.memory_space<vmem>>
      %dma_wait3A_46 = tpu.memref_squeeze %dma_wait3A_45 : memref<1x32xi32, #tpu.memory_space<vmem>> -> memref<32xi32, #tpu.memory_space<vmem>>
      %dma_wait3A_47 = arith.constant 0 : i32
      %dma_wait3A_48 = arith.constant 0 : i32
      %dma_wait3A_49 = tpu.memref_slice %arg2[%dma_wait3A_47, %dma_wait3A_48] : memref<10000x128xf32, #tpu.memory_space<hbm>> -> memref<10000x128xf32, #tpu.memory_space<hbm>>
      tpu.wait_indirect_dma semaphore(%arg14 : memref<!tpu.dma_semaphore, #tpu.memory_space<semaphore_mem>>) src(%dma_wait3A_49 : memref<10000x128xf32, #tpu.memory_space<hbm>>) dst(%arg9 : memref<32x128xf32, #tpu.memory_space<vmem>>)
      "tpu.region"() ({
        %run_scoped3A = tpu.sem_alloc : memref<!tpu.dma_semaphore, #tpu.memory_space<semaphore_mem>>
        %dma_start3A_93 = arith.constant 0 : i32
        %dma_start3A_94 = tpu.memref_slice %arg8[%scan3A_44, %dma_start3A_93] : memref<80x128xi32, #tpu.memory_space<vmem>> -> memref<1x32xi32, #tpu.memory_space<vmem>>
        %dma_start3A_95 = tpu.memref_squeeze %dma_start3A_94 : memref<1x32xi32, #tpu.memory_space<vmem>> -> memref<32xi32, #tpu.memory_space<vmem>>
        %dma_start3A_96 = arith.constant 0 : i32
        %dma_start3A_97 = arith.constant 0 : i32
        %dma_start3A_98 = tpu.memref_slice %arg13[%dma_start3A_96, %dma_start3A_97] : memref<10240x128xf32, #tpu.memory_space<vmem_shared>> -> memref<10240x128xf32, #tpu.memory_space<vmem_shared>>
        tpu.enqueue_indirect_dma source(%arg9 : memref<32x128xf32, #tpu.memory_space<vmem>>) target(%dma_start3A_98 : memref<10240x128xf32, #tpu.memory_space<vmem_shared>>) offsets(%dma_start3A_95 : memref<32xi32, #tpu.memory_space<vmem>>) semaphore(%run_scoped3A : memref<!tpu.dma_semaphore, #tpu.memory_space<semaphore_mem>>) {add = true}
        %dma_wait3A_99 = arith.constant 0 : i32
        %dma_wait3A_100 = tpu.memref_slice %arg8[%scan3A_44, %dma_wait3A_99] : memref<80x128xi32, #tpu.memory_space<vmem>> -> memref<1x32xi32, #tpu.memory_space<vmem>>
        %dma_wait3A_101 = tpu.memref_squeeze %dma_wait3A_100 : memref<1x32xi32, #tpu.memory_space<vmem>> -> memref<32xi32, #tpu.memory_space<vmem>>
        %dma_wait3A_102 = arith.constant 0 : i32
        %dma_wait3A_103 = arith.constant 0 : i32
        %dma_wait3A_104 = tpu.memref_slice %arg13[%dma_wait3A_102, %dma_wait3A_103] : memref<10240x128xf32, #tpu.memory_space<vmem_shared>> -> memref<10240x128xf32, #tpu.memory_space<vmem_shared>>
        tpu.wait_indirect_dma semaphore(%run_scoped3A : memref<!tpu.dma_semaphore, #tpu.memory_space<semaphore_mem>>) src(%arg9 : memref<32x128xf32, #tpu.memory_space<vmem>>) dst(%dma_wait3A_104 : memref<10240x128xf32, #tpu.memory_space<vmem_shared>>)
        tpu.yield
      }) : () -> ()
      %add3A_50 = arith.constant 1 : i32
      %add3A_51 = arith.addi %scan3A_44, %add3A_50 : i32
      %lt3A = arith.constant 80 : i32
      %lt3A_52 = arith.cmpi slt, %add3A_51, %lt3A : i32
      %convert_element_type3A = arith.extui %lt3A_52 : i1 to i32
      %cond3A = arith.constant 0 : i32
      %cond3A_53 = arith.cmpi ne, %convert_element_type3A, %cond3A : i32
      scf.if %cond3A_53 {
        %add3A_93 = arith.constant 1 : i32
        %add3A_94 = arith.addi %scan3A_44, %add3A_93 : i32
        %dma_start3A_95 = arith.constant 0 : i32
        %dma_start3A_96 = tpu.memref_slice %arg7[%add3A_94, %dma_start3A_95] : memref<80x128xi32, #tpu.memory_space<vmem>> -> memref<1x32xi32, #tpu.memory_space<vmem>>
        %dma_start3A_97 = tpu.memref_squeeze %dma_start3A_96 : memref<1x32xi32, #tpu.memory_space<vmem>> -> memref<32xi32, #tpu.memory_space<vmem>>
        %dma_start3A_98 = arith.constant 0 : i32
        %dma_start3A_99 = arith.constant 0 : i32
        %dma_start3A_100 = tpu.memref_slice %arg2[%dma_start3A_98, %dma_start3A_99] : memref<10000x128xf32, #tpu.memory_space<hbm>> -> memref<10000x128xf32, #tpu.memory_space<hbm>>
        tpu.enqueue_indirect_dma source(%dma_start3A_100 : memref<10000x128xf32, #tpu.memory_space<hbm>>) target(%arg9 : memref<32x128xf32, #tpu.memory_space<vmem>>) offsets(%dma_start3A_97 : memref<32xi32, #tpu.memory_space<vmem>>) semaphore(%arg14 : memref<!tpu.dma_semaphore, #tpu.memory_space<semaphore_mem>>)
      } else {
      }
      %dma_wait3A_54 = arith.constant 32 : i32
      %dma_wait3A_55 = tpu.memref_slice %arg7[%scan3A_44, %dma_wait3A_54] : memref<80x128xi32, #tpu.memory_space<vmem>> -> memref<1x32xi32, #tpu.memory_space<vmem>>
      %dma_wait3A_56 = tpu.memref_squeeze %dma_wait3A_55 : memref<1x32xi32, #tpu.memory_space<vmem>> -> memref<32xi32, #tpu.memory_space<vmem>>
      %dma_wait3A_57 = arith.constant 0 : i32
      %dma_wait3A_58 = arith.constant 0 : i32
      %dma_wait3A_59 = tpu.memref_slice %arg2[%dma_wait3A_57, %dma_wait3A_58] : memref<10000x128xf32, #tpu.memory_space<hbm>> -> memref<10000x128xf32, #tpu.memory_space<hbm>>
      tpu.wait_indirect_dma semaphore(%arg15 : memref<!tpu.dma_semaphore, #tpu.memory_space<semaphore_mem>>) src(%dma_wait3A_59 : memref<10000x128xf32, #tpu.memory_space<hbm>>) dst(%arg10 : memref<32x128xf32, #tpu.memory_space<vmem>>)
      "tpu.region"() ({
        %run_scoped3A = tpu.sem_alloc : memref<!tpu.dma_semaphore, #tpu.memory_space<semaphore_mem>>
        %dma_start3A_93 = arith.constant 32 : i32
        %dma_start3A_94 = tpu.memref_slice %arg8[%scan3A_44, %dma_start3A_93] : memref<80x128xi32, #tpu.memory_space<vmem>> -> memref<1x32xi32, #tpu.memory_space<vmem>>
        %dma_start3A_95 = tpu.memref_squeeze %dma_start3A_94 : memref<1x32xi32, #tpu.memory_space<vmem>> -> memref<32xi32, #tpu.memory_space<vmem>>
        %dma_start3A_96 = arith.constant 0 : i32
        %dma_start3A_97 = arith.constant 0 : i32
        %dma_start3A_98 = tpu.memref_slice %arg13[%dma_start3A_96, %dma_start3A_97] : memref<10240x128xf32, #tpu.memory_space<vmem_shared>> -> memref<10240x128xf32, #tpu.memory_space<vmem_shared>>
        tpu.enqueue_indirect_dma source(%arg10 : memref<32x128xf32, #tpu.memory_space<vmem>>) target(%dma_start3A_98 : memref<10240x128xf32, #tpu.memory_space<vmem_shared>>) offsets(%dma_start3A_95 : memref<32xi32, #tpu.memory_space<vmem>>) semaphore(%run_scoped3A : memref<!tpu.dma_semaphore, #tpu.memory_space<semaphore_mem>>) {add = true}
        %dma_wait3A_99 = arith.constant 32 : i32
        %dma_wait3A_100 = tpu.memref_slice %arg8[%scan3A_44, %dma_wait3A_99] : memref<80x128xi32, #tpu.memory_space<vmem>> -> memref<1x32xi32, #tpu.memory_space<vmem>>
        %dma_wait3A_101 = tpu.memref_squeeze %dma_wait3A_100 : memref<1x32xi32, #tpu.memory_space<vmem>> -> memref<32xi32, #tpu.memory_space<vmem>>
        %dma_wait3A_102 = arith.constant 0 : i32
        %dma_wait3A_103 = arith.constant 0 : i32
        %dma_wait3A_104 = tpu.memref_slice %arg13[%dma_wait3A_102, %dma_wait3A_103] : memref<10240x128xf32, #tpu.memory_space<vmem_shared>> -> memref<10240x128xf32, #tpu.memory_space<vmem_shared>>
        tpu.wait_indirect_dma semaphore(%run_scoped3A : memref<!tpu.dma_semaphore, #tpu.memory_space<semaphore_mem>>) src(%arg10 : memref<32x128xf32, #tpu.memory_space<vmem>>) dst(%dma_wait3A_104 : memref<10240x128xf32, #tpu.memory_space<vmem_shared>>)
        tpu.yield
      }) : () -> ()
      %add3A_60 = arith.constant 1 : i32
      %add3A_61 = arith.addi %scan3A_44, %add3A_60 : i32
      %lt3A_62 = arith.constant 80 : i32
      %lt3A_63 = arith.cmpi slt, %add3A_61, %lt3A_62 : i32
      %convert_element_type3A_64 = arith.extui %lt3A_63 : i1 to i32
      %cond3A_65 = arith.constant 0 : i32
      %cond3A_66 = arith.cmpi ne, %convert_element_type3A_64, %cond3A_65 : i32
      scf.if %cond3A_66 {
        %add3A_93 = arith.constant 1 : i32
        %add3A_94 = arith.addi %scan3A_44, %add3A_93 : i32
        %dma_start3A_95 = arith.constant 32 : i32
        %dma_start3A_96 = tpu.memref_slice %arg7[%add3A_94, %dma_start3A_95] : memref<80x128xi32, #tpu.memory_space<vmem>> -> memref<1x32xi32, #tpu.memory_space<vmem>>
        %dma_start3A_97 = tpu.memref_squeeze %dma_start3A_96 : memref<1x32xi32, #tpu.memory_space<vmem>> -> memref<32xi32, #tpu.memory_space<vmem>>
        %dma_start3A_98 = arith.constant 0 : i32
        %dma_start3A_99 = arith.constant 0 : i32
        %dma_start3A_100 = tpu.memref_slice %arg2[%dma_start3A_98, %dma_start3A_99] : memref<10000x128xf32, #tpu.memory_space<hbm>> -> memref<10000x128xf32, #tpu.memory_space<hbm>>
        tpu.enqueue_indirect_dma source(%dma_start3A_100 : memref<10000x128xf32, #tpu.memory_space<hbm>>) target(%arg10 : memref<32x128xf32, #tpu.memory_space<vmem>>) offsets(%dma_start3A_97 : memref<32xi32, #tpu.memory_space<vmem>>) semaphore(%arg15 : memref<!tpu.dma_semaphore, #tpu.memory_space<semaphore_mem>>)
      } else {
      }
      %dma_wait3A_67 = arith.constant 64 : i32
      %dma_wait3A_68 = tpu.memref_slice %arg7[%scan3A_44, %dma_wait3A_67] : memref<80x128xi32, #tpu.memory_space<vmem>> -> memref<1x32xi32, #tpu.memory_space<vmem>>
      %dma_wait3A_69 = tpu.memref_squeeze %dma_wait3A_68 : memref<1x32xi32, #tpu.memory_space<vmem>> -> memref<32xi32, #tpu.memory_space<vmem>>
      %dma_wait3A_70 = arith.constant 0 : i32
      %dma_wait3A_71 = arith.constant 0 : i32
      %dma_wait3A_72 = tpu.memref_slice %arg2[%dma_wait3A_70, %dma_wait3A_71] : memref<10000x128xf32, #tpu.memory_space<hbm>> -> memref<10000x128xf32, #tpu.memory_space<hbm>>
      tpu.wait_indirect_dma semaphore(%arg16 : memref<!tpu.dma_semaphore, #tpu.memory_space<semaphore_mem>>) src(%dma_wait3A_72 : memref<10000x128xf32, #tpu.memory_space<hbm>>) dst(%arg11 : memref<32x128xf32, #tpu.memory_space<vmem>>)
      "tpu.region"() ({
        %run_scoped3A = tpu.sem_alloc : memref<!tpu.dma_semaphore, #tpu.memory_space<semaphore_mem>>
        %dma_start3A_93 = arith.constant 64 : i32
        %dma_start3A_94 = tpu.memref_slice %arg8[%scan3A_44, %dma_start3A_93] : memref<80x128xi32, #tpu.memory_space<vmem>> -> memref<1x32xi32, #tpu.memory_space<vmem>>
        %dma_start3A_95 = tpu.memref_squeeze %dma_start3A_94 : memref<1x32xi32, #tpu.memory_space<vmem>> -> memref<32xi32, #tpu.memory_space<vmem>>
        %dma_start3A_96 = arith.constant 0 : i32
        %dma_start3A_97 = arith.constant 0 : i32
        %dma_start3A_98 = tpu.memref_slice %arg13[%dma_start3A_96, %dma_start3A_97] : memref<10240x128xf32, #tpu.memory_space<vmem_shared>> -> memref<10240x128xf32, #tpu.memory_space<vmem_shared>>
        tpu.enqueue_indirect_dma source(%arg11 : memref<32x128xf32, #tpu.memory_space<vmem>>) target(%dma_start3A_98 : memref<10240x128xf32, #tpu.memory_space<vmem_shared>>) offsets(%dma_start3A_95 : memref<32xi32, #tpu.memory_space<vmem>>) semaphore(%run_scoped3A : memref<!tpu.dma_semaphore, #tpu.memory_space<semaphore_mem>>) {add = true}
        %dma_wait3A_99 = arith.constant 64 : i32
        %dma_wait3A_100 = tpu.memref_slice %arg8[%scan3A_44, %dma_wait3A_99] : memref<80x128xi32, #tpu.memory_space<vmem>> -> memref<1x32xi32, #tpu.memory_space<vmem>>
        %dma_wait3A_101 = tpu.memref_squeeze %dma_wait3A_100 : memref<1x32xi32, #tpu.memory_space<vmem>> -> memref<32xi32, #tpu.memory_space<vmem>>
        %dma_wait3A_102 = arith.constant 0 : i32
        %dma_wait3A_103 = arith.constant 0 : i32
        %dma_wait3A_104 = tpu.memref_slice %arg13[%dma_wait3A_102, %dma_wait3A_103] : memref<10240x128xf32, #tpu.memory_space<vmem_shared>> -> memref<10240x128xf32, #tpu.memory_space<vmem_shared>>
        tpu.wait_indirect_dma semaphore(%run_scoped3A : memref<!tpu.dma_semaphore, #tpu.memory_space<semaphore_mem>>) src(%arg11 : memref<32x128xf32, #tpu.memory_space<vmem>>) dst(%dma_wait3A_104 : memref<10240x128xf32, #tpu.memory_space<vmem_shared>>)
        tpu.yield
      }) : () -> ()
      %add3A_73 = arith.constant 1 : i32
      %add3A_74 = arith.addi %scan3A_44, %add3A_73 : i32
      %lt3A_75 = arith.constant 80 : i32
      %lt3A_76 = arith.cmpi slt, %add3A_74, %lt3A_75 : i32
      %convert_element_type3A_77 = arith.extui %lt3A_76 : i1 to i32
      %cond3A_78 = arith.constant 0 : i32
      %cond3A_79 = arith.cmpi ne, %convert_element_type3A_77, %cond3A_78 : i32
      scf.if %cond3A_79 {
        %add3A_93 = arith.constant 1 : i32
        %add3A_94 = arith.addi %scan3A_44, %add3A_93 : i32
        %dma_start3A_95 = arith.constant 64 : i32
        %dma_start3A_96 = tpu.memref_slice %arg7[%add3A_94, %dma_start3A_95] : memref<80x128xi32, #tpu.memory_space<vmem>> -> memref<1x32xi32, #tpu.memory_space<vmem>>
        %dma_start3A_97 = tpu.memref_squeeze %dma_start3A_96 : memref<1x32xi32, #tpu.memory_space<vmem>> -> memref<32xi32, #tpu.memory_space<vmem>>
        %dma_start3A_98 = arith.constant 0 : i32
        %dma_start3A_99 = arith.constant 0 : i32
        %dma_start3A_100 = tpu.memref_slice %arg2[%dma_start3A_98, %dma_start3A_99] : memref<10000x128xf32, #tpu.memory_space<hbm>> -> memref<10000x128xf32, #tpu.memory_space<hbm>>
        tpu.enqueue_indirect_dma source(%dma_start3A_100 : memref<10000x128xf32, #tpu.memory_space<hbm>>) target(%arg11 : memref<32x128xf32, #tpu.memory_space<vmem>>) offsets(%dma_start3A_97 : memref<32xi32, #tpu.memory_space<vmem>>) semaphore(%arg16 : memref<!tpu.dma_semaphore, #tpu.memory_space<semaphore_mem>>)
      } else {
      }
      %dma_wait3A_80 = arith.constant 96 : i32
      %dma_wait3A_81 = tpu.memref_slice %arg7[%scan3A_44, %dma_wait3A_80] : memref<80x128xi32, #tpu.memory_space<vmem>> -> memref<1x32xi32, #tpu.memory_space<vmem>>
      %dma_wait3A_82 = tpu.memref_squeeze %dma_wait3A_81 : memref<1x32xi32, #tpu.memory_space<vmem>> -> memref<32xi32, #tpu.memory_space<vmem>>
      %dma_wait3A_83 = arith.constant 0 : i32
      %dma_wait3A_84 = arith.constant 0 : i32
      %dma_wait3A_85 = tpu.memref_slice %arg2[%dma_wait3A_83, %dma_wait3A_84] : memref<10000x128xf32, #tpu.memory_space<hbm>> -> memref<10000x128xf32, #tpu.memory_space<hbm>>
      tpu.wait_indirect_dma semaphore(%arg17 : memref<!tpu.dma_semaphore, #tpu.memory_space<semaphore_mem>>) src(%dma_wait3A_85 : memref<10000x128xf32, #tpu.memory_space<hbm>>) dst(%arg12 : memref<32x128xf32, #tpu.memory_space<vmem>>)
      "tpu.region"() ({
        %run_scoped3A = tpu.sem_alloc : memref<!tpu.dma_semaphore, #tpu.memory_space<semaphore_mem>>
        %dma_start3A_93 = arith.constant 96 : i32
        %dma_start3A_94 = tpu.memref_slice %arg8[%scan3A_44, %dma_start3A_93] : memref<80x128xi32, #tpu.memory_space<vmem>> -> memref<1x32xi32, #tpu.memory_space<vmem>>
        %dma_start3A_95 = tpu.memref_squeeze %dma_start3A_94 : memref<1x32xi32, #tpu.memory_space<vmem>> -> memref<32xi32, #tpu.memory_space<vmem>>
        %dma_start3A_96 = arith.constant 0 : i32
        %dma_start3A_97 = arith.constant 0 : i32
        %dma_start3A_98 = tpu.memref_slice %arg13[%dma_start3A_96, %dma_start3A_97] : memref<10240x128xf32, #tpu.memory_space<vmem_shared>> -> memref<10240x128xf32, #tpu.memory_space<vmem_shared>>
        tpu.enqueue_indirect_dma source(%arg12 : memref<32x128xf32, #tpu.memory_space<vmem>>) target(%dma_start3A_98 : memref<10240x128xf32, #tpu.memory_space<vmem_shared>>) offsets(%dma_start3A_95 : memref<32xi32, #tpu.memory_space<vmem>>) semaphore(%run_scoped3A : memref<!tpu.dma_semaphore, #tpu.memory_space<semaphore_mem>>) {add = true}
        %dma_wait3A_99 = arith.constant 96 : i32
        %dma_wait3A_100 = tpu.memref_slice %arg8[%scan3A_44, %dma_wait3A_99] : memref<80x128xi32, #tpu.memory_space<vmem>> -> memref<1x32xi32, #tpu.memory_space<vmem>>
        %dma_wait3A_101 = tpu.memref_squeeze %dma_wait3A_100 : memref<1x32xi32, #tpu.memory_space<vmem>> -> memref<32xi32, #tpu.memory_space<vmem>>
        %dma_wait3A_102 = arith.constant 0 : i32
        %dma_wait3A_103 = arith.constant 0 : i32
        %dma_wait3A_104 = tpu.memref_slice %arg13[%dma_wait3A_102, %dma_wait3A_103] : memref<10240x128xf32, #tpu.memory_space<vmem_shared>> -> memref<10240x128xf32, #tpu.memory_space<vmem_shared>>
        tpu.wait_indirect_dma semaphore(%run_scoped3A : memref<!tpu.dma_semaphore, #tpu.memory_space<semaphore_mem>>) src(%arg12 : memref<32x128xf32, #tpu.memory_space<vmem>>) dst(%dma_wait3A_104 : memref<10240x128xf32, #tpu.memory_space<vmem_shared>>)
        tpu.yield
      }) : () -> ()
      %add3A_86 = arith.constant 1 : i32
      %add3A_87 = arith.addi %scan3A_44, %add3A_86 : i32
      %lt3A_88 = arith.constant 80 : i32
      %lt3A_89 = arith.cmpi slt, %add3A_87, %lt3A_88 : i32
      %convert_element_type3A_90 = arith.extui %lt3A_89 : i1 to i32
      %cond3A_91 = arith.constant 0 : i32
      %cond3A_92 = arith.cmpi ne, %convert_element_type3A_90, %cond3A_91 : i32
      scf.if %cond3A_92 {
        %add3A_93 = arith.constant 1 : i32
        %add3A_94 = arith.addi %scan3A_44, %add3A_93 : i32
        %dma_start3A_95 = arith.constant 96 : i32
        %dma_start3A_96 = tpu.memref_slice %arg7[%add3A_94, %dma_start3A_95] : memref<80x128xi32, #tpu.memory_space<vmem>> -> memref<1x32xi32, #tpu.memory_space<vmem>>
        %dma_start3A_97 = tpu.memref_squeeze %dma_start3A_96 : memref<1x32xi32, #tpu.memory_space<vmem>> -> memref<32xi32, #tpu.memory_space<vmem>>
        %dma_start3A_98 = arith.constant 0 : i32
        %dma_start3A_99 = arith.constant 0 : i32
        %dma_start3A_100 = tpu.memref_slice %arg2[%dma_start3A_98, %dma_start3A_99] : memref<10000x128xf32, #tpu.memory_space<hbm>> -> memref<10000x128xf32, #tpu.memory_space<hbm>>
        tpu.enqueue_indirect_dma source(%dma_start3A_100 : memref<10000x128xf32, #tpu.memory_space<hbm>>) target(%arg12 : memref<32x128xf32, #tpu.memory_space<vmem>>) offsets(%dma_start3A_97 : memref<32xi32, #tpu.memory_space<vmem>>) semaphore(%arg17 : memref<!tpu.dma_semaphore, #tpu.memory_space<semaphore_mem>>)
      } else {
      }
    }
    %scan3A_38 = arith.constant 80 : i32
    %barrier3A_39 = arith.constant 0 : index
    tpu.barrier barrier_id(%barrier3A_39)
    %mul3A_40 = arith.constant 632 : i32
    %mul3A_41 = arith.muli %arg1, %mul3A_40 : i32
    %mul3A_42 = arith.constant 632 : i32
    %mul3A_43 = arith.muli %arg1, %mul3A_42 : i32
    "tpu.region"() ({
      %run_scoped3A = tpu.sem_alloc : memref<!tpu.dma_semaphore, #tpu.memory_space<semaphore_mem>>
      %dma_start3A_44 = arith.constant 0 : i32
      %dma_start3A_45 = tpu.memref_slice %arg6[%arg0, %mul3A_43, %dma_start3A_44] : memref<2x10112x128xf32, #tpu.memory_space<hbm>> -> memref<1x632x128xf32, #tpu.memory_space<hbm>>
      %dma_start3A_46 = tpu.memref_squeeze %dma_start3A_45 : memref<1x632x128xf32, #tpu.memory_space<hbm>> -> memref<632x128xf32, #tpu.memory_space<hbm>>
      %dma_start3A_47 = arith.constant 0 : i32
      %dma_start3A_48 = tpu.memref_slice %arg13[%mul3A_41, %dma_start3A_47] : memref<10240x128xf32, #tpu.memory_space<vmem_shared>> -> memref<632x128xf32, #tpu.memory_space<vmem_shared>>
      tpu.enqueue_dma source(%dma_start3A_48 : memref<632x128xf32, #tpu.memory_space<vmem_shared>>) target(%dma_start3A_46 : memref<632x128xf32, #tpu.memory_space<hbm>>) target_semaphore(%run_scoped3A : memref<!tpu.dma_semaphore, #tpu.memory_space<semaphore_mem>>)
      %dma_wait3A = arith.constant 0 : i32
      %dma_wait3A_49 = tpu.memref_slice %arg6[%arg0, %mul3A_43, %dma_wait3A] : memref<2x10112x128xf32, #tpu.memory_space<hbm>> -> memref<1x632x128xf32, #tpu.memory_space<hbm>>
      %dma_wait3A_50 = tpu.memref_squeeze %dma_wait3A_49 : memref<1x632x128xf32, #tpu.memory_space<hbm>> -> memref<632x128xf32, #tpu.memory_space<hbm>>
      %dma_wait3A_51 = arith.constant 0 : i32
      %dma_wait3A_52 = tpu.memref_slice %arg13[%mul3A_41, %dma_wait3A_51] : memref<10240x128xf32, #tpu.memory_space<vmem_shared>> -> memref<632x128xf32, #tpu.memory_space<vmem_shared>>
      tpu.wait_dma2 semaphore(%run_scoped3A : memref<!tpu.dma_semaphore, #tpu.memory_space<semaphore_mem>>) src(%dma_wait3A_52 : memref<632x128xf32, #tpu.memory_space<vmem_shared>>) dst(%dma_wait3A_50 : memref<632x128xf32, #tpu.memory_space<hbm>>)
      tpu.yield
    }) : () -> ()
    return
  }
}

#map = affine_map<(d0, d1) -> (0, 0)>
#map1 = affine_map<(d0, d1) -> (0, 0, 0)>
module attributes {stable_mosaic.version = 14 : i64} {
  func.func @_agg_kernel_body(%arg0: i32, %arg1: i32, %arg2: memref<10000x128xf32, #tpu.memory_space<hbm>>, %arg3: memref<32x80x128xi32, #tpu.memory_space<hbm>>, %arg4: memref<32x80x128xi32, #tpu.memory_space<hbm>>, %arg5: memref<32x128xf32, #tpu.memory_space<hbm>>, %arg6: memref<2x10112x128xf32, #tpu.memory_space<hbm>>, %arg7: memref<80x128xi32, #tpu.memory_space<vmem>>, %arg8: memref<80x128xi32, #tpu.memory_space<vmem>>, %arg9: memref<32x128xf32, #tpu.memory_space<vmem>>, %arg10: memref<32x128xf32, #tpu.memory_space<vmem>>, %arg11: memref<32x128xf32, #tpu.memory_space<vmem>>, %arg12: memref<32x128xf32, #tpu.memory_space<vmem>>, %arg13: memref<10240x128xf32, #tpu.memory_space<vmem_shared>>, %arg14: memref<!tpu.dma_semaphore, #tpu.memory_space<semaphore_mem>>, %arg15: memref<!tpu.dma_semaphore, #tpu.memory_space<semaphore_mem>>, %arg16: memref<!tpu.dma_semaphore, #tpu.memory_space<semaphore_mem>>, %arg17: memref<!tpu.dma_semaphore, #tpu.memory_space<semaphore_mem>>) attributes {dimension_semantics = [#tpu.dimension_semantics<core_parallel>, #tpu.dimension_semantics<subcore_parallel>], iteration_bounds = array<i64: 2, 16>, scalar_prefetch = 0 : i64, scratch_operands = 11 : i64, tpu.core_type = #tpu.core_type<sc_vector_subcore>, window_params = [{transform_indices = #map}, {transform_indices = #map1}, {transform_indices = #map1}, {transform_indices = #map}, {transform_indices = #map1}]} {
    %mul3A = arith.constant 2 : i32
    %mul3A_0 = arith.muli %arg1, %mul3A : i32
    %add3A = arith.addi %mul3A_0, %arg0 : i32
    "tpu.region"() ({
      %run_scoped3A = tpu.sem_alloc : memref<!tpu.dma_semaphore, #tpu.memory_space<semaphore_mem>>
      tpu.enqueue_dma source(%arg5 : memref<32x128xf32, #tpu.memory_space<hbm>>) target(%arg9 : memref<32x128xf32, #tpu.memory_space<vmem>>) target_semaphore(%run_scoped3A : memref<!tpu.dma_semaphore, #tpu.memory_space<semaphore_mem>>)
      tpu.wait_dma2 semaphore(%run_scoped3A : memref<!tpu.dma_semaphore, #tpu.memory_space<semaphore_mem>>) src(%arg5 : memref<32x128xf32, #tpu.memory_space<hbm>>) dst(%arg9 : memref<32x128xf32, #tpu.memory_space<vmem>>)
      tpu.yield
    }) : () -> ()
    %scan3A = arith.constant 0 : i32
    %scan3A_1 = arith.constant 0 : i32
    %scan3A_2 = arith.constant 20 : i32
    %scan3A_3 = arith.addi %scan3A_1, %scan3A_2 : i32
    %scan3A_4 = arith.constant 1 : i32
    scf.for %scan3A_44 = %scan3A_1 to %scan3A_3 step %scan3A_4  : i32 {
      %mul3A_45 = arith.constant 640 : i32
      %mul3A_46 = arith.muli %arg1, %mul3A_45 : i32
      %mul3A_47 = arith.constant 32 : i32
      %mul3A_48 = arith.muli %scan3A_44, %mul3A_47 : i32
      %add3A_49 = arith.addi %mul3A_46, %mul3A_48 : i32
      "tpu.region"() ({
        %run_scoped3A = tpu.sem_alloc : memref<!tpu.dma_semaphore, #tpu.memory_space<semaphore_mem>>
        %dma_start3A_50 = arith.constant 0 : i32
        %dma_start3A_51 = tpu.memref_slice %arg13[%add3A_49, %dma_start3A_50] : memref<10240x128xf32, #tpu.memory_space<vmem_shared>> -> memref<32x128xf32, #tpu.memory_space<vmem_shared>>
        %dma_start3A_52 = arith.constant 0 : i32
        %dma_start3A_53 = tpu.memref_slice %arg13[%add3A_49, %dma_start3A_52] : memref<10240x128xf32, #tpu.memory_space<vmem_shared>> -> memref<32x128xf32, #tpu.memory_space<vmem_shared>>
        tpu.enqueue_dma source(%arg9 : memref<32x128xf32, #tpu.memory_space<vmem>>) target(%dma_start3A_53 : memref<32x128xf32, #tpu.memory_space<vmem_shared>>) target_semaphore(%run_scoped3A : memref<!tpu.dma_semaphore, #tpu.memory_space<semaphore_mem>>)
        %dma_wait3A = arith.constant 0 : i32
        %dma_wait3A_54 = tpu.memref_slice %arg13[%add3A_49, %dma_wait3A] : memref<10240x128xf32, #tpu.memory_space<vmem_shared>> -> memref<32x128xf32, #tpu.memory_space<vmem_shared>>
        %dma_wait3A_55 = arith.constant 0 : i32
        %dma_wait3A_56 = tpu.memref_slice %arg13[%add3A_49, %dma_wait3A_55] : memref<10240x128xf32, #tpu.memory_space<vmem_shared>> -> memref<32x128xf32, #tpu.memory_space<vmem_shared>>
        tpu.wait_dma2 semaphore(%run_scoped3A : memref<!tpu.dma_semaphore, #tpu.memory_space<semaphore_mem>>) src(%arg9 : memref<32x128xf32, #tpu.memory_space<vmem>>) dst(%dma_wait3A_56 : memref<32x128xf32, #tpu.memory_space<vmem_shared>>)
        tpu.yield
      }) : () -> ()
    }
    %scan3A_5 = arith.constant 20 : i32
    "tpu.region"() ({
      %run_scoped3A = tpu.sem_alloc : memref<!tpu.dma_semaphore, #tpu.memory_space<semaphore_mem>>
      %dma_start3A_44 = arith.constant 0 : i32
      %dma_start3A_45 = arith.constant 0 : i32
      %dma_start3A_46 = tpu.memref_slice %arg3[%add3A, %dma_start3A_44, %dma_start3A_45] : memref<32x80x128xi32, #tpu.memory_space<hbm>> -> memref<1x80x128xi32, #tpu.memory_space<hbm>>
      %dma_start3A_47 = tpu.memref_squeeze %dma_start3A_46 : memref<1x80x128xi32, #tpu.memory_space<hbm>> -> memref<80x128xi32, #tpu.memory_space<hbm>>
      %dma_start3A_48 = arith.constant 0 : i32
      %dma_start3A_49 = arith.constant 0 : i32
      %dma_start3A_50 = tpu.memref_slice %arg3[%add3A, %dma_start3A_48, %dma_start3A_49] : memref<32x80x128xi32, #tpu.memory_space<hbm>> -> memref<1x80x128xi32, #tpu.memory_space<hbm>>
      %dma_start3A_51 = tpu.memref_squeeze %dma_start3A_50 : memref<1x80x128xi32, #tpu.memory_space<hbm>> -> memref<80x128xi32, #tpu.memory_space<hbm>>
      tpu.enqueue_dma source(%dma_start3A_51 : memref<80x128xi32, #tpu.memory_space<hbm>>) target(%arg7 : memref<80x128xi32, #tpu.memory_space<vmem>>) target_semaphore(%run_scoped3A : memref<!tpu.dma_semaphore, #tpu.memory_space<semaphore_mem>>)
      %dma_wait3A = arith.constant 0 : i32
      %dma_wait3A_52 = arith.constant 0 : i32
      %dma_wait3A_53 = tpu.memref_slice %arg3[%add3A, %dma_wait3A, %dma_wait3A_52] : memref<32x80x128xi32, #tpu.memory_space<hbm>> -> memref<1x80x128xi32, #tpu.memory_space<hbm>>
      %dma_wait3A_54 = tpu.memref_squeeze %dma_wait3A_53 : memref<1x80x128xi32, #tpu.memory_space<hbm>> -> memref<80x128xi32, #tpu.memory_space<hbm>>
      %dma_wait3A_55 = arith.constant 0 : i32
      %dma_wait3A_56 = arith.constant 0 : i32
      %dma_wait3A_57 = tpu.memref_slice %arg3[%add3A, %dma_wait3A_55, %dma_wait3A_56] : memref<32x80x128xi32, #tpu.memory_space<hbm>> -> memref<1x80x128xi32, #tpu.memory_space<hbm>>
      %dma_wait3A_58 = tpu.memref_squeeze %dma_wait3A_57 : memref<1x80x128xi32, #tpu.memory_space<hbm>> -> memref<80x128xi32, #tpu.memory_space<hbm>>
      tpu.wait_dma2 semaphore(%run_scoped3A : memref<!tpu.dma_semaphore, #tpu.memory_space<semaphore_mem>>) src(%dma_wait3A_58 : memref<80x128xi32, #tpu.memory_space<hbm>>) dst(%arg7 : memref<80x128xi32, #tpu.memory_space<vmem>>)
      tpu.yield
    }) : () -> ()
    "tpu.region"() ({
      %run_scoped3A = tpu.sem_alloc : memref<!tpu.dma_semaphore, #tpu.memory_space<semaphore_mem>>
      %dma_start3A_44 = arith.constant 0 : i32
      %dma_start3A_45 = arith.constant 0 : i32
      %dma_start3A_46 = tpu.memref_slice %arg4[%add3A, %dma_start3A_44, %dma_start3A_45] : memref<32x80x128xi32, #tpu.memory_space<hbm>> -> memref<1x80x128xi32, #tpu.memory_space<hbm>>
      %dma_start3A_47 = tpu.memref_squeeze %dma_start3A_46 : memref<1x80x128xi32, #tpu.memory_space<hbm>> -> memref<80x128xi32, #tpu.memory_space<hbm>>
      %dma_start3A_48 = arith.constant 0 : i32
      %dma_start3A_49 = arith.constant 0 : i32
      %dma_start3A_50 = tpu.memref_slice %arg4[%add3A, %dma_start3A_48, %dma_start3A_49] : memref<32x80x128xi32, #tpu.memory_space<hbm>> -> memref<1x80x128xi32, #tpu.memory_space<hbm>>
      %dma_start3A_51 = tpu.memref_squeeze %dma_start3A_50 : memref<1x80x128xi32, #tpu.memory_space<hbm>> -> memref<80x128xi32, #tpu.memory_space<hbm>>
      tpu.enqueue_dma source(%dma_start3A_51 : memref<80x128xi32, #tpu.memory_space<hbm>>) target(%arg8 : memref<80x128xi32, #tpu.memory_space<vmem>>) target_semaphore(%run_scoped3A : memref<!tpu.dma_semaphore, #tpu.memory_space<semaphore_mem>>)
      %dma_wait3A = arith.constant 0 : i32
      %dma_wait3A_52 = arith.constant 0 : i32
      %dma_wait3A_53 = tpu.memref_slice %arg4[%add3A, %dma_wait3A, %dma_wait3A_52] : memref<32x80x128xi32, #tpu.memory_space<hbm>> -> memref<1x80x128xi32, #tpu.memory_space<hbm>>
      %dma_wait3A_54 = tpu.memref_squeeze %dma_wait3A_53 : memref<1x80x128xi32, #tpu.memory_space<hbm>> -> memref<80x128xi32, #tpu.memory_space<hbm>>
      %dma_wait3A_55 = arith.constant 0 : i32
      %dma_wait3A_56 = arith.constant 0 : i32
      %dma_wait3A_57 = tpu.memref_slice %arg4[%add3A, %dma_wait3A_55, %dma_wait3A_56] : memref<32x80x128xi32, #tpu.memory_space<hbm>> -> memref<1x80x128xi32, #tpu.memory_space<hbm>>
      %dma_wait3A_58 = tpu.memref_squeeze %dma_wait3A_57 : memref<1x80x128xi32, #tpu.memory_space<hbm>> -> memref<80x128xi32, #tpu.memory_space<hbm>>
      tpu.wait_dma2 semaphore(%run_scoped3A : memref<!tpu.dma_semaphore, #tpu.memory_space<semaphore_mem>>) src(%dma_wait3A_58 : memref<80x128xi32, #tpu.memory_space<hbm>>) dst(%arg8 : memref<80x128xi32, #tpu.memory_space<vmem>>)
      tpu.yield
    }) : () -> ()
    %dma_start3A = arith.constant 0 : i32
    %dma_start3A_6 = arith.constant 0 : i32
    %dma_start3A_7 = tpu.memref_slice %arg7[%dma_start3A, %dma_start3A_6] : memref<80x128xi32, #tpu.memory_space<vmem>> -> memref<1x32xi32, #tpu.memory_space<vmem>>
    %dma_start3A_8 = tpu.memref_squeeze %dma_start3A_7 : memref<1x32xi32, #tpu.memory_space<vmem>> -> memref<32xi32, #tpu.memory_space<vmem>>
    %dma_start3A_9 = arith.constant 0 : i32
    %dma_start3A_10 = arith.constant 0 : i32
    %dma_start3A_11 = tpu.memref_slice %arg2[%dma_start3A_9, %dma_start3A_10] : memref<10000x128xf32, #tpu.memory_space<hbm>> -> memref<10000x128xf32, #tpu.memory_space<hbm>>
    tpu.enqueue_indirect_dma source(%dma_start3A_11 : memref<10000x128xf32, #tpu.memory_space<hbm>>) target(%arg9 : memref<32x128xf32, #tpu.memory_space<vmem>>) offsets(%dma_start3A_8 : memref<32xi32, #tpu.memory_space<vmem>>) semaphore(%arg14 : memref<!tpu.dma_semaphore, #tpu.memory_space<semaphore_mem>>)
    %dma_start3A_12 = arith.constant 0 : i32
    %dma_start3A_13 = arith.constant 32 : i32
    %dma_start3A_14 = tpu.memref_slice %arg7[%dma_start3A_12, %dma_start3A_13] : memref<80x128xi32, #tpu.memory_space<vmem>> -> memref<1x32xi32, #tpu.memory_space<vmem>>
    %dma_start3A_15 = tpu.memref_squeeze %dma_start3A_14 : memref<1x32xi32, #tpu.memory_space<vmem>> -> memref<32xi32, #tpu.memory_space<vmem>>
    %dma_start3A_16 = arith.constant 0 : i32
    %dma_start3A_17 = arith.constant 0 : i32
    %dma_start3A_18 = tpu.memref_slice %arg2[%dma_start3A_16, %dma_start3A_17] : memref<10000x128xf32, #tpu.memory_space<hbm>> -> memref<10000x128xf32, #tpu.memory_space<hbm>>
    tpu.enqueue_indirect_dma source(%dma_start3A_18 : memref<10000x128xf32, #tpu.memory_space<hbm>>) target(%arg10 : memref<32x128xf32, #tpu.memory_space<vmem>>) offsets(%dma_start3A_15 : memref<32xi32, #tpu.memory_space<vmem>>) semaphore(%arg15 : memref<!tpu.dma_semaphore, #tpu.memory_space<semaphore_mem>>)
    %dma_start3A_19 = arith.constant 0 : i32
    %dma_start3A_20 = arith.constant 64 : i32
    %dma_start3A_21 = tpu.memref_slice %arg7[%dma_start3A_19, %dma_start3A_20] : memref<80x128xi32, #tpu.memory_space<vmem>> -> memref<1x32xi32, #tpu.memory_space<vmem>>
    %dma_start3A_22 = tpu.memref_squeeze %dma_start3A_21 : memref<1x32xi32, #tpu.memory_space<vmem>> -> memref<32xi32, #tpu.memory_space<vmem>>
    %dma_start3A_23 = arith.constant 0 : i32
    %dma_start3A_24 = arith.constant 0 : i32
    %dma_start3A_25 = tpu.memref_slice %arg2[%dma_start3A_23, %dma_start3A_24] : memref<10000x128xf32, #tpu.memory_space<hbm>> -> memref<10000x128xf32, #tpu.memory_space<hbm>>
    tpu.enqueue_indirect_dma source(%dma_start3A_25 : memref<10000x128xf32, #tpu.memory_space<hbm>>) target(%arg11 : memref<32x128xf32, #tpu.memory_space<vmem>>) offsets(%dma_start3A_22 : memref<32xi32, #tpu.memory_space<vmem>>) semaphore(%arg16 : memref<!tpu.dma_semaphore, #tpu.memory_space<semaphore_mem>>)
    %dma_start3A_26 = arith.constant 0 : i32
    %dma_start3A_27 = arith.constant 96 : i32
    %dma_start3A_28 = tpu.memref_slice %arg7[%dma_start3A_26, %dma_start3A_27] : memref<80x128xi32, #tpu.memory_space<vmem>> -> memref<1x32xi32, #tpu.memory_space<vmem>>
    %dma_start3A_29 = tpu.memref_squeeze %dma_start3A_28 : memref<1x32xi32, #tpu.memory_space<vmem>> -> memref<32xi32, #tpu.memory_space<vmem>>
    %dma_start3A_30 = arith.constant 0 : i32
    %dma_start3A_31 = arith.constant 0 : i32
    %dma_start3A_32 = tpu.memref_slice %arg2[%dma_start3A_30, %dma_start3A_31] : memref<10000x128xf32, #tpu.memory_space<hbm>> -> memref<10000x128xf32, #tpu.memory_space<hbm>>
    tpu.enqueue_indirect_dma source(%dma_start3A_32 : memref<10000x128xf32, #tpu.memory_space<hbm>>) target(%arg12 : memref<32x128xf32, #tpu.memory_space<vmem>>) offsets(%dma_start3A_29 : memref<32xi32, #tpu.memory_space<vmem>>) semaphore(%arg17 : memref<!tpu.dma_semaphore, #tpu.memory_space<semaphore_mem>>)
    %barrier3A = arith.constant 0 : index
    tpu.barrier barrier_id(%barrier3A)
    %scan3A_33 = arith.constant 0 : i32
    %scan3A_34 = arith.constant 0 : i32
    %scan3A_35 = arith.constant 80 : i32
    %scan3A_36 = arith.addi %scan3A_34, %scan3A_35 : i32
    %scan3A_37 = arith.constant 1 : i32
    scf.for %scan3A_44 = %scan3A_34 to %scan3A_36 step %scan3A_37  : i32 {
      %dma_wait3A = arith.constant 0 : i32
      %dma_wait3A_45 = tpu.memref_slice %arg7[%scan3A_44, %dma_wait3A] : memref<80x128xi32, #tpu.memory_space<vmem>> -> memref<1x32xi32, #tpu.memory_space<vmem>>
      %dma_wait3A_46 = tpu.memref_squeeze %dma_wait3A_45 : memref<1x32xi32, #tpu.memory_space<vmem>> -> memref<32xi32, #tpu.memory_space<vmem>>
      %dma_wait3A_47 = arith.constant 0 : i32
      %dma_wait3A_48 = arith.constant 0 : i32
      %dma_wait3A_49 = tpu.memref_slice %arg2[%dma_wait3A_47, %dma_wait3A_48] : memref<10000x128xf32, #tpu.memory_space<hbm>> -> memref<10000x128xf32, #tpu.memory_space<hbm>>
      tpu.wait_indirect_dma semaphore(%arg14 : memref<!tpu.dma_semaphore, #tpu.memory_space<semaphore_mem>>) src(%dma_wait3A_49 : memref<10000x128xf32, #tpu.memory_space<hbm>>) dst(%arg9 : memref<32x128xf32, #tpu.memory_space<vmem>>)
      "tpu.region"() ({
        %run_scoped3A = tpu.sem_alloc : memref<!tpu.dma_semaphore, #tpu.memory_space<semaphore_mem>>
        %dma_start3A_93 = arith.constant 0 : i32
        %dma_start3A_94 = tpu.memref_slice %arg8[%scan3A_44, %dma_start3A_93] : memref<80x128xi32, #tpu.memory_space<vmem>> -> memref<1x32xi32, #tpu.memory_space<vmem>>
        %dma_start3A_95 = tpu.memref_squeeze %dma_start3A_94 : memref<1x32xi32, #tpu.memory_space<vmem>> -> memref<32xi32, #tpu.memory_space<vmem>>
        %dma_start3A_96 = arith.constant 0 : i32
        %dma_start3A_97 = arith.constant 0 : i32
        %dma_start3A_98 = tpu.memref_slice %arg13[%dma_start3A_96, %dma_start3A_97] : memref<10240x128xf32, #tpu.memory_space<vmem_shared>> -> memref<10240x128xf32, #tpu.memory_space<vmem_shared>>
        tpu.enqueue_indirect_dma source(%arg9 : memref<32x128xf32, #tpu.memory_space<vmem>>) target(%dma_start3A_98 : memref<10240x128xf32, #tpu.memory_space<vmem_shared>>) offsets(%dma_start3A_95 : memref<32xi32, #tpu.memory_space<vmem>>) semaphore(%run_scoped3A : memref<!tpu.dma_semaphore, #tpu.memory_space<semaphore_mem>>) {add = true}
        %dma_wait3A_99 = arith.constant 0 : i32
        %dma_wait3A_100 = tpu.memref_slice %arg8[%scan3A_44, %dma_wait3A_99] : memref<80x128xi32, #tpu.memory_space<vmem>> -> memref<1x32xi32, #tpu.memory_space<vmem>>
        %dma_wait3A_101 = tpu.memref_squeeze %dma_wait3A_100 : memref<1x32xi32, #tpu.memory_space<vmem>> -> memref<32xi32, #tpu.memory_space<vmem>>
        %dma_wait3A_102 = arith.constant 0 : i32
        %dma_wait3A_103 = arith.constant 0 : i32
        %dma_wait3A_104 = tpu.memref_slice %arg13[%dma_wait3A_102, %dma_wait3A_103] : memref<10240x128xf32, #tpu.memory_space<vmem_shared>> -> memref<10240x128xf32, #tpu.memory_space<vmem_shared>>
        tpu.wait_indirect_dma semaphore(%run_scoped3A : memref<!tpu.dma_semaphore, #tpu.memory_space<semaphore_mem>>) src(%arg9 : memref<32x128xf32, #tpu.memory_space<vmem>>) dst(%dma_wait3A_104 : memref<10240x128xf32, #tpu.memory_space<vmem_shared>>)
        tpu.yield
      }) : () -> ()
      %add3A_50 = arith.constant 1 : i32
      %add3A_51 = arith.addi %scan3A_44, %add3A_50 : i32
      %lt3A = arith.constant 80 : i32
      %lt3A_52 = arith.cmpi slt, %add3A_51, %lt3A : i32
      %convert_element_type3A = arith.extui %lt3A_52 : i1 to i32
      %cond3A = arith.constant 0 : i32
      %cond3A_53 = arith.cmpi ne, %convert_element_type3A, %cond3A : i32
      scf.if %cond3A_53 {
        %add3A_93 = arith.constant 1 : i32
        %add3A_94 = arith.addi %scan3A_44, %add3A_93 : i32
        %dma_start3A_95 = arith.constant 0 : i32
        %dma_start3A_96 = tpu.memref_slice %arg7[%add3A_94, %dma_start3A_95] : memref<80x128xi32, #tpu.memory_space<vmem>> -> memref<1x32xi32, #tpu.memory_space<vmem>>
        %dma_start3A_97 = tpu.memref_squeeze %dma_start3A_96 : memref<1x32xi32, #tpu.memory_space<vmem>> -> memref<32xi32, #tpu.memory_space<vmem>>
        %dma_start3A_98 = arith.constant 0 : i32
        %dma_start3A_99 = arith.constant 0 : i32
        %dma_start3A_100 = tpu.memref_slice %arg2[%dma_start3A_98, %dma_start3A_99] : memref<10000x128xf32, #tpu.memory_space<hbm>> -> memref<10000x128xf32, #tpu.memory_space<hbm>>
        tpu.enqueue_indirect_dma source(%dma_start3A_100 : memref<10000x128xf32, #tpu.memory_space<hbm>>) target(%arg9 : memref<32x128xf32, #tpu.memory_space<vmem>>) offsets(%dma_start3A_97 : memref<32xi32, #tpu.memory_space<vmem>>) semaphore(%arg14 : memref<!tpu.dma_semaphore, #tpu.memory_space<semaphore_mem>>)
      } else {
      }
      %dma_wait3A_54 = arith.constant 32 : i32
      %dma_wait3A_55 = tpu.memref_slice %arg7[%scan3A_44, %dma_wait3A_54] : memref<80x128xi32, #tpu.memory_space<vmem>> -> memref<1x32xi32, #tpu.memory_space<vmem>>
      %dma_wait3A_56 = tpu.memref_squeeze %dma_wait3A_55 : memref<1x32xi32, #tpu.memory_space<vmem>> -> memref<32xi32, #tpu.memory_space<vmem>>
      %dma_wait3A_57 = arith.constant 0 : i32
      %dma_wait3A_58 = arith.constant 0 : i32
      %dma_wait3A_59 = tpu.memref_slice %arg2[%dma_wait3A_57, %dma_wait3A_58] : memref<10000x128xf32, #tpu.memory_space<hbm>> -> memref<10000x128xf32, #tpu.memory_space<hbm>>
      tpu.wait_indirect_dma semaphore(%arg15 : memref<!tpu.dma_semaphore, #tpu.memory_space<semaphore_mem>>) src(%dma_wait3A_59 : memref<10000x128xf32, #tpu.memory_space<hbm>>) dst(%arg10 : memref<32x128xf32, #tpu.memory_space<vmem>>)
      "tpu.region"() ({
        %run_scoped3A = tpu.sem_alloc : memref<!tpu.dma_semaphore, #tpu.memory_space<semaphore_mem>>
        %dma_start3A_93 = arith.constant 32 : i32
        %dma_start3A_94 = tpu.memref_slice %arg8[%scan3A_44, %dma_start3A_93] : memref<80x128xi32, #tpu.memory_space<vmem>> -> memref<1x32xi32, #tpu.memory_space<vmem>>
        %dma_start3A_95 = tpu.memref_squeeze %dma_start3A_94 : memref<1x32xi32, #tpu.memory_space<vmem>> -> memref<32xi32, #tpu.memory_space<vmem>>
        %dma_start3A_96 = arith.constant 0 : i32
        %dma_start3A_97 = arith.constant 0 : i32
        %dma_start3A_98 = tpu.memref_slice %arg13[%dma_start3A_96, %dma_start3A_97] : memref<10240x128xf32, #tpu.memory_space<vmem_shared>> -> memref<10240x128xf32, #tpu.memory_space<vmem_shared>>
        tpu.enqueue_indirect_dma source(%arg10 : memref<32x128xf32, #tpu.memory_space<vmem>>) target(%dma_start3A_98 : memref<10240x128xf32, #tpu.memory_space<vmem_shared>>) offsets(%dma_start3A_95 : memref<32xi32, #tpu.memory_space<vmem>>) semaphore(%run_scoped3A : memref<!tpu.dma_semaphore, #tpu.memory_space<semaphore_mem>>) {add = true}
        %dma_wait3A_99 = arith.constant 32 : i32
        %dma_wait3A_100 = tpu.memref_slice %arg8[%scan3A_44, %dma_wait3A_99] : memref<80x128xi32, #tpu.memory_space<vmem>> -> memref<1x32xi32, #tpu.memory_space<vmem>>
        %dma_wait3A_101 = tpu.memref_squeeze %dma_wait3A_100 : memref<1x32xi32, #tpu.memory_space<vmem>> -> memref<32xi32, #tpu.memory_space<vmem>>
        %dma_wait3A_102 = arith.constant 0 : i32
        %dma_wait3A_103 = arith.constant 0 : i32
        %dma_wait3A_104 = tpu.memref_slice %arg13[%dma_wait3A_102, %dma_wait3A_103] : memref<10240x128xf32, #tpu.memory_space<vmem_shared>> -> memref<10240x128xf32, #tpu.memory_space<vmem_shared>>
        tpu.wait_indirect_dma semaphore(%run_scoped3A : memref<!tpu.dma_semaphore, #tpu.memory_space<semaphore_mem>>) src(%arg10 : memref<32x128xf32, #tpu.memory_space<vmem>>) dst(%dma_wait3A_104 : memref<10240x128xf32, #tpu.memory_space<vmem_shared>>)
        tpu.yield
      }) : () -> ()
      %add3A_60 = arith.constant 1 : i32
      %add3A_61 = arith.addi %scan3A_44, %add3A_60 : i32
      %lt3A_62 = arith.constant 80 : i32
      %lt3A_63 = arith.cmpi slt, %add3A_61, %lt3A_62 : i32
      %convert_element_type3A_64 = arith.extui %lt3A_63 : i1 to i32
      %cond3A_65 = arith.constant 0 : i32
      %cond3A_66 = arith.cmpi ne, %convert_element_type3A_64, %cond3A_65 : i32
      scf.if %cond3A_66 {
        %add3A_93 = arith.constant 1 : i32
        %add3A_94 = arith.addi %scan3A_44, %add3A_93 : i32
        %dma_start3A_95 = arith.constant 32 : i32
        %dma_start3A_96 = tpu.memref_slice %arg7[%add3A_94, %dma_start3A_95] : memref<80x128xi32, #tpu.memory_space<vmem>> -> memref<1x32xi32, #tpu.memory_space<vmem>>
        %dma_start3A_97 = tpu.memref_squeeze %dma_start3A_96 : memref<1x32xi32, #tpu.memory_space<vmem>> -> memref<32xi32, #tpu.memory_space<vmem>>
        %dma_start3A_98 = arith.constant 0 : i32
        %dma_start3A_99 = arith.constant 0 : i32
        %dma_start3A_100 = tpu.memref_slice %arg2[%dma_start3A_98, %dma_start3A_99] : memref<10000x128xf32, #tpu.memory_space<hbm>> -> memref<10000x128xf32, #tpu.memory_space<hbm>>
        tpu.enqueue_indirect_dma source(%dma_start3A_100 : memref<10000x128xf32, #tpu.memory_space<hbm>>) target(%arg10 : memref<32x128xf32, #tpu.memory_space<vmem>>) offsets(%dma_start3A_97 : memref<32xi32, #tpu.memory_space<vmem>>) semaphore(%arg15 : memref<!tpu.dma_semaphore, #tpu.memory_space<semaphore_mem>>)
      } else {
      }
      %dma_wait3A_67 = arith.constant 64 : i32
      %dma_wait3A_68 = tpu.memref_slice %arg7[%scan3A_44, %dma_wait3A_67] : memref<80x128xi32, #tpu.memory_space<vmem>> -> memref<1x32xi32, #tpu.memory_space<vmem>>
      %dma_wait3A_69 = tpu.memref_squeeze %dma_wait3A_68 : memref<1x32xi32, #tpu.memory_space<vmem>> -> memref<32xi32, #tpu.memory_space<vmem>>
      %dma_wait3A_70 = arith.constant 0 : i32
      %dma_wait3A_71 = arith.constant 0 : i32
      %dma_wait3A_72 = tpu.memref_slice %arg2[%dma_wait3A_70, %dma_wait3A_71] : memref<10000x128xf32, #tpu.memory_space<hbm>> -> memref<10000x128xf32, #tpu.memory_space<hbm>>
      tpu.wait_indirect_dma semaphore(%arg16 : memref<!tpu.dma_semaphore, #tpu.memory_space<semaphore_mem>>) src(%dma_wait3A_72 : memref<10000x128xf32, #tpu.memory_space<hbm>>) dst(%arg11 : memref<32x128xf32, #tpu.memory_space<vmem>>)
      "tpu.region"() ({
        %run_scoped3A = tpu.sem_alloc : memref<!tpu.dma_semaphore, #tpu.memory_space<semaphore_mem>>
        %dma_start3A_93 = arith.constant 64 : i32
        %dma_start3A_94 = tpu.memref_slice %arg8[%scan3A_44, %dma_start3A_93] : memref<80x128xi32, #tpu.memory_space<vmem>> -> memref<1x32xi32, #tpu.memory_space<vmem>>
        %dma_start3A_95 = tpu.memref_squeeze %dma_start3A_94 : memref<1x32xi32, #tpu.memory_space<vmem>> -> memref<32xi32, #tpu.memory_space<vmem>>
        %dma_start3A_96 = arith.constant 0 : i32
        %dma_start3A_97 = arith.constant 0 : i32
        %dma_start3A_98 = tpu.memref_slice %arg13[%dma_start3A_96, %dma_start3A_97] : memref<10240x128xf32, #tpu.memory_space<vmem_shared>> -> memref<10240x128xf32, #tpu.memory_space<vmem_shared>>
        tpu.enqueue_indirect_dma source(%arg11 : memref<32x128xf32, #tpu.memory_space<vmem>>) target(%dma_start3A_98 : memref<10240x128xf32, #tpu.memory_space<vmem_shared>>) offsets(%dma_start3A_95 : memref<32xi32, #tpu.memory_space<vmem>>) semaphore(%run_scoped3A : memref<!tpu.dma_semaphore, #tpu.memory_space<semaphore_mem>>) {add = true}
        %dma_wait3A_99 = arith.constant 64 : i32
        %dma_wait3A_100 = tpu.memref_slice %arg8[%scan3A_44, %dma_wait3A_99] : memref<80x128xi32, #tpu.memory_space<vmem>> -> memref<1x32xi32, #tpu.memory_space<vmem>>
        %dma_wait3A_101 = tpu.memref_squeeze %dma_wait3A_100 : memref<1x32xi32, #tpu.memory_space<vmem>> -> memref<32xi32, #tpu.memory_space<vmem>>
        %dma_wait3A_102 = arith.constant 0 : i32
        %dma_wait3A_103 = arith.constant 0 : i32
        %dma_wait3A_104 = tpu.memref_slice %arg13[%dma_wait3A_102, %dma_wait3A_103] : memref<10240x128xf32, #tpu.memory_space<vmem_shared>> -> memref<10240x128xf32, #tpu.memory_space<vmem_shared>>
        tpu.wait_indirect_dma semaphore(%run_scoped3A : memref<!tpu.dma_semaphore, #tpu.memory_space<semaphore_mem>>) src(%arg11 : memref<32x128xf32, #tpu.memory_space<vmem>>) dst(%dma_wait3A_104 : memref<10240x128xf32, #tpu.memory_space<vmem_shared>>)
        tpu.yield
      }) : () -> ()
      %add3A_73 = arith.constant 1 : i32
      %add3A_74 = arith.addi %scan3A_44, %add3A_73 : i32
      %lt3A_75 = arith.constant 80 : i32
      %lt3A_76 = arith.cmpi slt, %add3A_74, %lt3A_75 : i32
      %convert_element_type3A_77 = arith.extui %lt3A_76 : i1 to i32
      %cond3A_78 = arith.constant 0 : i32
      %cond3A_79 = arith.cmpi ne, %convert_element_type3A_77, %cond3A_78 : i32
      scf.if %cond3A_79 {
        %add3A_93 = arith.constant 1 : i32
        %add3A_94 = arith.addi %scan3A_44, %add3A_93 : i32
        %dma_start3A_95 = arith.constant 64 : i32
        %dma_start3A_96 = tpu.memref_slice %arg7[%add3A_94, %dma_start3A_95] : memref<80x128xi32, #tpu.memory_space<vmem>> -> memref<1x32xi32, #tpu.memory_space<vmem>>
        %dma_start3A_97 = tpu.memref_squeeze %dma_start3A_96 : memref<1x32xi32, #tpu.memory_space<vmem>> -> memref<32xi32, #tpu.memory_space<vmem>>
        %dma_start3A_98 = arith.constant 0 : i32
        %dma_start3A_99 = arith.constant 0 : i32
        %dma_start3A_100 = tpu.memref_slice %arg2[%dma_start3A_98, %dma_start3A_99] : memref<10000x128xf32, #tpu.memory_space<hbm>> -> memref<10000x128xf32, #tpu.memory_space<hbm>>
        tpu.enqueue_indirect_dma source(%dma_start3A_100 : memref<10000x128xf32, #tpu.memory_space<hbm>>) target(%arg11 : memref<32x128xf32, #tpu.memory_space<vmem>>) offsets(%dma_start3A_97 : memref<32xi32, #tpu.memory_space<vmem>>) semaphore(%arg16 : memref<!tpu.dma_semaphore, #tpu.memory_space<semaphore_mem>>)
      } else {
      }
      %dma_wait3A_80 = arith.constant 96 : i32
      %dma_wait3A_81 = tpu.memref_slice %arg7[%scan3A_44, %dma_wait3A_80] : memref<80x128xi32, #tpu.memory_space<vmem>> -> memref<1x32xi32, #tpu.memory_space<vmem>>
      %dma_wait3A_82 = tpu.memref_squeeze %dma_wait3A_81 : memref<1x32xi32, #tpu.memory_space<vmem>> -> memref<32xi32, #tpu.memory_space<vmem>>
      %dma_wait3A_83 = arith.constant 0 : i32
      %dma_wait3A_84 = arith.constant 0 : i32
      %dma_wait3A_85 = tpu.memref_slice %arg2[%dma_wait3A_83, %dma_wait3A_84] : memref<10000x128xf32, #tpu.memory_space<hbm>> -> memref<10000x128xf32, #tpu.memory_space<hbm>>
      tpu.wait_indirect_dma semaphore(%arg17 : memref<!tpu.dma_semaphore, #tpu.memory_space<semaphore_mem>>) src(%dma_wait3A_85 : memref<10000x128xf32, #tpu.memory_space<hbm>>) dst(%arg12 : memref<32x128xf32, #tpu.memory_space<vmem>>)
      "tpu.region"() ({
        %run_scoped3A = tpu.sem_alloc : memref<!tpu.dma_semaphore, #tpu.memory_space<semaphore_mem>>
        %dma_start3A_93 = arith.constant 96 : i32
        %dma_start3A_94 = tpu.memref_slice %arg8[%scan3A_44, %dma_start3A_93] : memref<80x128xi32, #tpu.memory_space<vmem>> -> memref<1x32xi32, #tpu.memory_space<vmem>>
        %dma_start3A_95 = tpu.memref_squeeze %dma_start3A_94 : memref<1x32xi32, #tpu.memory_space<vmem>> -> memref<32xi32, #tpu.memory_space<vmem>>
        %dma_start3A_96 = arith.constant 0 : i32
        %dma_start3A_97 = arith.constant 0 : i32
        %dma_start3A_98 = tpu.memref_slice %arg13[%dma_start3A_96, %dma_start3A_97] : memref<10240x128xf32, #tpu.memory_space<vmem_shared>> -> memref<10240x128xf32, #tpu.memory_space<vmem_shared>>
        tpu.enqueue_indirect_dma source(%arg12 : memref<32x128xf32, #tpu.memory_space<vmem>>) target(%dma_start3A_98 : memref<10240x128xf32, #tpu.memory_space<vmem_shared>>) offsets(%dma_start3A_95 : memref<32xi32, #tpu.memory_space<vmem>>) semaphore(%run_scoped3A : memref<!tpu.dma_semaphore, #tpu.memory_space<semaphore_mem>>) {add = true}
        %dma_wait3A_99 = arith.constant 96 : i32
        %dma_wait3A_100 = tpu.memref_slice %arg8[%scan3A_44, %dma_wait3A_99] : memref<80x128xi32, #tpu.memory_space<vmem>> -> memref<1x32xi32, #tpu.memory_space<vmem>>
        %dma_wait3A_101 = tpu.memref_squeeze %dma_wait3A_100 : memref<1x32xi32, #tpu.memory_space<vmem>> -> memref<32xi32, #tpu.memory_space<vmem>>
        %dma_wait3A_102 = arith.constant 0 : i32
        %dma_wait3A_103 = arith.constant 0 : i32
        %dma_wait3A_104 = tpu.memref_slice %arg13[%dma_wait3A_102, %dma_wait3A_103] : memref<10240x128xf32, #tpu.memory_space<vmem_shared>> -> memref<10240x128xf32, #tpu.memory_space<vmem_shared>>
        tpu.wait_indirect_dma semaphore(%run_scoped3A : memref<!tpu.dma_semaphore, #tpu.memory_space<semaphore_mem>>) src(%arg12 : memref<32x128xf32, #tpu.memory_space<vmem>>) dst(%dma_wait3A_104 : memref<10240x128xf32, #tpu.memory_space<vmem_shared>>)
        tpu.yield
      }) : () -> ()
      %add3A_86 = arith.constant 1 : i32
      %add3A_87 = arith.addi %scan3A_44, %add3A_86 : i32
      %lt3A_88 = arith.constant 80 : i32
      %lt3A_89 = arith.cmpi slt, %add3A_87, %lt3A_88 : i32
      %convert_element_type3A_90 = arith.extui %lt3A_89 : i1 to i32
      %cond3A_91 = arith.constant 0 : i32
      %cond3A_92 = arith.cmpi ne, %convert_element_type3A_90, %cond3A_91 : i32
      scf.if %cond3A_92 {
        %add3A_93 = arith.constant 1 : i32
        %add3A_94 = arith.addi %scan3A_44, %add3A_93 : i32
        %dma_start3A_95 = arith.constant 96 : i32
        %dma_start3A_96 = tpu.memref_slice %arg7[%add3A_94, %dma_start3A_95] : memref<80x128xi32, #tpu.memory_space<vmem>> -> memref<1x32xi32, #tpu.memory_space<vmem>>
        %dma_start3A_97 = tpu.memref_squeeze %dma_start3A_96 : memref<1x32xi32, #tpu.memory_space<vmem>> -> memref<32xi32, #tpu.memory_space<vmem>>
        %dma_start3A_98 = arith.constant 0 : i32
        %dma_start3A_99 = arith.constant 0 : i32
        %dma_start3A_100 = tpu.memref_slice %arg2[%dma_start3A_98, %dma_start3A_99] : memref<10000x128xf32, #tpu.memory_space<hbm>> -> memref<10000x128xf32, #tpu.memory_space<hbm>>
        tpu.enqueue_indirect_dma source(%dma_start3A_100 : memref<10000x128xf32, #tpu.memory_space<hbm>>) target(%arg12 : memref<32x128xf32, #tpu.memory_space<vmem>>) offsets(%dma_start3A_97 : memref<32xi32, #tpu.memory_space<vmem>>) semaphore(%arg17 : memref<!tpu.dma_semaphore, #tpu.memory_space<semaphore_mem>>)
      } else {
      }
    }
    %scan3A_38 = arith.constant 80 : i32
    %barrier3A_39 = arith.constant 0 : index
    tpu.barrier barrier_id(%barrier3A_39)
    %mul3A_40 = arith.constant 632 : i32
    %mul3A_41 = arith.muli %arg1, %mul3A_40 : i32
    %mul3A_42 = arith.constant 632 : i32
    %mul3A_43 = arith.muli %arg1, %mul3A_42 : i32
    "tpu.region"() ({
      %run_scoped3A = tpu.sem_alloc : memref<!tpu.dma_semaphore, #tpu.memory_space<semaphore_mem>>
      %dma_start3A_44 = arith.constant 0 : i32
      %dma_start3A_45 = tpu.memref_slice %arg6[%arg0, %mul3A_43, %dma_start3A_44] : memref<2x10112x128xf32, #tpu.memory_space<hbm>> -> memref<1x632x128xf32, #tpu.memory_space<hbm>>
      %dma_start3A_46 = tpu.memref_squeeze %dma_start3A_45 : memref<1x632x128xf32, #tpu.memory_space<hbm>> -> memref<632x128xf32, #tpu.memory_space<hbm>>
      %dma_start3A_47 = arith.constant 0 : i32
      %dma_start3A_48 = tpu.memref_slice %arg13[%mul3A_41, %dma_start3A_47] : memref<10240x128xf32, #tpu.memory_space<vmem_shared>> -> memref<632x128xf32, #tpu.memory_space<vmem_shared>>
      tpu.enqueue_dma source(%dma_start3A_48 : memref<632x128xf32, #tpu.memory_space<vmem_shared>>) target(%dma_start3A_46 : memref<632x128xf32, #tpu.memory_space<hbm>>) target_semaphore(%run_scoped3A : memref<!tpu.dma_semaphore, #tpu.memory_space<semaphore_mem>>)
      %dma_wait3A = arith.constant 0 : i32
      %dma_wait3A_49 = tpu.memref_slice %arg6[%arg0, %mul3A_43, %dma_wait3A] : memref<2x10112x128xf32, #tpu.memory_space<hbm>> -> memref<1x632x128xf32, #tpu.memory_space<hbm>>
      %dma_wait3A_50 = tpu.memref_squeeze %dma_wait3A_49 : memref<1x632x128xf32, #tpu.memory_space<hbm>> -> memref<632x128xf32, #tpu.memory_space<hbm>>
      %dma_wait3A_51 = arith.constant 0 : i32
      %dma_wait3A_52 = tpu.memref_slice %arg13[%mul3A_41, %dma_wait3A_51] : memref<10240x128xf32, #tpu.memory_space<vmem_shared>> -> memref<632x128xf32, #tpu.memory_space<vmem_shared>>
      tpu.wait_dma2 semaphore(%run_scoped3A : memref<!tpu.dma_semaphore, #tpu.memory_space<semaphore_mem>>) src(%dma_wait3A_52 : memref<632x128xf32, #tpu.memory_space<vmem_shared>>) dst(%dma_wait3A_50 : memref<632x128xf32, #tpu.memory_space<hbm>>)
      tpu.yield
    }) : () -> ()
    return
  }
}

module attributes {stable_mosaic.version = 14 : i64} {
  func.func @_mlp_body(%arg0: memref<10000x128xf32, #tpu.memory_space<vmem>>, %arg1: memref<2x10112x128xf32, #tpu.memory_space<vmem>>, %arg2: memref<2x10112x128xf32, #tpu.memory_space<vmem>>, %arg3: memref<128x128xf32, #tpu.memory_space<vmem>>, %arg4: memref<1x128xf32, #tpu.memory_space<vmem>>, %arg5: memref<1x128xf32, #tpu.memory_space<vmem>>, %arg6: memref<1x128xf32, #tpu.memory_space<vmem>>, %arg7: memref<128x128xf32, #tpu.memory_space<vmem>>, %arg8: memref<1x128xf32, #tpu.memory_space<vmem>>, %arg9: memref<1x128xf32, #tpu.memory_space<vmem>>, %arg10: memref<1x128xf32, #tpu.memory_space<vmem>>, %arg11: memref<10000x128xf32, #tpu.memory_space<vmem>>) attributes {dimension_semantics = [], scalar_prefetch = 0 : i64, scratch_operands = 0 : i64, tpu.core_type = #tpu.core_type<tc>} {
    %get3A = arith.constant 0 : index
    %get3A_0 = arith.constant 0 : index
    %get3A_1 = arith.constant 0 : index
    %get3A_2 = vector.load %arg2[%get3A, %get3A_0, %get3A_1] : memref<2x10112x128xf32, #tpu.memory_space<vmem>>, vector<1x10000x1xf32>
    %get3A_3 = vector.shape_cast %get3A_2 : vector<1x10000x1xf32> to vector<10000x1xf32>
    %get3A_4 = arith.constant 1 : index
    %get3A_5 = arith.constant 0 : index
    %get3A_6 = arith.constant 0 : index
    %get3A_7 = vector.load %arg2[%get3A_4, %get3A_5, %get3A_6] : memref<2x10112x128xf32, #tpu.memory_space<vmem>>, vector<1x10000x1xf32>
    %get3A_8 = vector.shape_cast %get3A_7 : vector<1x10000x1xf32> to vector<10000x1xf32>
    %add3A = arith.addf %get3A_3, %get3A_8 : vector<10000x1xf32>
    %max3A = arith.constant 1.000000e+00 : f32
    %max3A_9 = vector.broadcast %max3A : f32 to vector<10000x1xf32>
    %max3A_10 = arith.maximumf %add3A, %max3A_9 : vector<10000x1xf32>
    %div3A = arith.constant 1.000000e+00 : f32
    %div3A_11 = vector.broadcast %div3A : f32 to vector<10000x1xf32>
    %div3A_12 = arith.divf %div3A_11, %max3A_10 : vector<10000x1xf32>
    %get3A_13 = arith.constant 0 : index
    %get3A_14 = arith.constant 0 : index
    %get3A_15 = vector.load %arg0[%get3A_13, %get3A_14] : memref<10000x128xf32, #tpu.memory_space<vmem>>, vector<10000x128xf32>
    %get3A_16 = arith.constant 0 : index
    %get3A_17 = arith.constant 0 : index
    %get3A_18 = arith.constant 0 : index
    %get3A_19 = vector.load %arg1[%get3A_16, %get3A_17, %get3A_18] : memref<2x10112x128xf32, #tpu.memory_space<vmem>>, vector<1x10000x128xf32>
    %get3A_20 = vector.shape_cast %get3A_19 : vector<1x10000x128xf32> to vector<10000x128xf32>
    %get3A_21 = arith.constant 1 : index
    %get3A_22 = arith.constant 0 : index
    %get3A_23 = arith.constant 0 : index
    %get3A_24 = vector.load %arg1[%get3A_21, %get3A_22, %get3A_23] : memref<2x10112x128xf32, #tpu.memory_space<vmem>>, vector<1x10000x128xf32>
    %get3A_25 = vector.shape_cast %get3A_24 : vector<1x10000x128xf32> to vector<10000x128xf32>
    %add3A_26 = arith.addf %get3A_20, %get3A_25 : vector<10000x128xf32>
    %mul3A = vector.broadcast %div3A_12 : vector<10000x1xf32> to vector<10000x128xf32>
    %mul3A_27 = arith.mulf %add3A_26, %mul3A : vector<10000x128xf32>
    %add3A_28 = arith.addf %get3A_15, %mul3A_27 : vector<10000x128xf32>
    %get3A_29 = arith.constant 0 : index
    %get3A_30 = arith.constant 0 : index
    %get3A_31 = vector.load %arg3[%get3A_29, %get3A_30] : memref<128x128xf32, #tpu.memory_space<vmem>>, vector<128x128xf32>
    %dot_general3A = arith.constant dense<0.000000e+00> : vector<10000x128xf32>
    %dot_general3A_32 = tpu.matmul %add3A_28, %get3A_31, %dot_general3A {dimension_numbers = #tpu.dot_dimension_numbers<[1], [0], [0], [1], [0, 0, 1, 1], [], []>, transpose_lhs_hint = false} : vector<10000x128xf32>, vector<128x128xf32>, vector<10000x128xf32> -> vector<10000x128xf32>
    %get3A_33 = arith.constant 0 : index
    %get3A_34 = arith.constant 0 : index
    %get3A_35 = vector.load %arg4[%get3A_33, %get3A_34] : memref<1x128xf32, #tpu.memory_space<vmem>>, vector<1x128xf32>
    %add3A_36 = vector.broadcast %get3A_35 : vector<1x128xf32> to vector<10000x128xf32>
    %add3A_37 = arith.addf %dot_general3A_32, %add3A_36 : vector<10000x128xf32>
    %get3A_38 = arith.constant 0 : index
    %get3A_39 = arith.constant 0 : index
    %get3A_40 = vector.load %arg5[%get3A_38, %get3A_39] : memref<1x128xf32, #tpu.memory_space<vmem>>, vector<1x128xf32>
    %get3A_41 = arith.constant 0 : index
    %get3A_42 = arith.constant 0 : index
    %get3A_43 = vector.load %arg6[%get3A_41, %get3A_42] : memref<1x128xf32, #tpu.memory_space<vmem>>, vector<1x128xf32>
    %reduce_sum3A = arith.constant dense<0.000000e+00> : vector<128xf32>
    %reduce_sum3A_44 = vector.multi_reduction <add>, %add3A_37, %reduce_sum3A [0] : vector<10000x128xf32> to vector<128xf32>
    %broadcast_in_dim3A = vector.shape_cast %reduce_sum3A_44 : vector<128xf32> to vector<1x128xf32>
    %div3A_45 = arith.constant 1.000000e+04 : f32
    %div3A_46 = vector.broadcast %div3A_45 : f32 to vector<1x128xf32>
    %div3A_47 = arith.divf %broadcast_in_dim3A, %div3A_46 : vector<1x128xf32>
    %sub3A = vector.broadcast %div3A_47 : vector<1x128xf32> to vector<10000x128xf32>
    %sub3A_48 = arith.subf %add3A_37, %sub3A : vector<10000x128xf32>
    %integer_pow3A = arith.mulf %sub3A_48, %sub3A_48 : vector<10000x128xf32>
    %reduce_sum3A_49 = arith.constant dense<0.000000e+00> : vector<128xf32>
    %reduce_sum3A_50 = vector.multi_reduction <add>, %integer_pow3A, %reduce_sum3A_49 [0] : vector<10000x128xf32> to vector<128xf32>
    %broadcast_in_dim3A_51 = vector.shape_cast %reduce_sum3A_50 : vector<128xf32> to vector<1x128xf32>
    %div3A_52 = arith.constant 1.000000e+04 : f32
    %div3A_53 = vector.broadcast %div3A_52 : f32 to vector<1x128xf32>
    %div3A_54 = arith.divf %broadcast_in_dim3A_51, %div3A_53 : vector<1x128xf32>
    %sub3A_55 = vector.broadcast %div3A_47 : vector<1x128xf32> to vector<10000x128xf32>
    %sub3A_56 = arith.subf %add3A_37, %sub3A_55 : vector<10000x128xf32>
    %add3A_57 = arith.constant 9.99999974E-6 : f32
    %add3A_58 = vector.broadcast %add3A_57 : f32 to vector<1x128xf32>
    %add3A_59 = arith.addf %div3A_54, %add3A_58 : vector<1x128xf32>
    %sqrt3A = math.sqrt %add3A_59 : vector<1x128xf32>
    %div3A_60 = vector.broadcast %sqrt3A : vector<1x128xf32> to vector<10000x128xf32>
    %div3A_61 = arith.divf %sub3A_56, %div3A_60 : vector<10000x128xf32>
    %mul3A_62 = vector.broadcast %get3A_40 : vector<1x128xf32> to vector<10000x128xf32>
    %mul3A_63 = arith.mulf %div3A_61, %mul3A_62 : vector<10000x128xf32>
    %add3A_64 = vector.broadcast %get3A_43 : vector<1x128xf32> to vector<10000x128xf32>
    %add3A_65 = arith.addf %mul3A_63, %add3A_64 : vector<10000x128xf32>
    %max3A_66 = arith.constant 0.000000e+00 : f32
    %max3A_67 = vector.broadcast %max3A_66 : f32 to vector<10000x128xf32>
    %max3A_68 = arith.maximumf %add3A_65, %max3A_67 : vector<10000x128xf32>
    %get3A_69 = arith.constant 0 : index
    %get3A_70 = arith.constant 0 : index
    %get3A_71 = vector.load %arg7[%get3A_69, %get3A_70] : memref<128x128xf32, #tpu.memory_space<vmem>>, vector<128x128xf32>
    %dot_general3A_72 = arith.constant dense<0.000000e+00> : vector<10000x128xf32>
    %dot_general3A_73 = tpu.matmul %max3A_68, %get3A_71, %dot_general3A_72 {dimension_numbers = #tpu.dot_dimension_numbers<[1], [0], [0], [1], [0, 0, 1, 1], [], []>, transpose_lhs_hint = false} : vector<10000x128xf32>, vector<128x128xf32>, vector<10000x128xf32> -> vector<10000x128xf32>
    %get3A_74 = arith.constant 0 : index
    %get3A_75 = arith.constant 0 : index
    %get3A_76 = vector.load %arg8[%get3A_74, %get3A_75] : memref<1x128xf32, #tpu.memory_space<vmem>>, vector<1x128xf32>
    %add3A_77 = vector.broadcast %get3A_76 : vector<1x128xf32> to vector<10000x128xf32>
    %add3A_78 = arith.addf %dot_general3A_73, %add3A_77 : vector<10000x128xf32>
    %get3A_79 = arith.constant 0 : index
    %get3A_80 = arith.constant 0 : index
    %get3A_81 = vector.load %arg9[%get3A_79, %get3A_80] : memref<1x128xf32, #tpu.memory_space<vmem>>, vector<1x128xf32>
    %get3A_82 = arith.constant 0 : index
    %get3A_83 = arith.constant 0 : index
    %get3A_84 = vector.load %arg10[%get3A_82, %get3A_83] : memref<1x128xf32, #tpu.memory_space<vmem>>, vector<1x128xf32>
    %reduce_sum3A_85 = arith.constant dense<0.000000e+00> : vector<128xf32>
    %reduce_sum3A_86 = vector.multi_reduction <add>, %add3A_78, %reduce_sum3A_85 [0] : vector<10000x128xf32> to vector<128xf32>
    %broadcast_in_dim3A_87 = vector.shape_cast %reduce_sum3A_86 : vector<128xf32> to vector<1x128xf32>
    %div3A_88 = arith.constant 1.000000e+04 : f32
    %div3A_89 = vector.broadcast %div3A_88 : f32 to vector<1x128xf32>
    %div3A_90 = arith.divf %broadcast_in_dim3A_87, %div3A_89 : vector<1x128xf32>
    %sub3A_91 = vector.broadcast %div3A_90 : vector<1x128xf32> to vector<10000x128xf32>
    %sub3A_92 = arith.subf %add3A_78, %sub3A_91 : vector<10000x128xf32>
    %integer_pow3A_93 = arith.mulf %sub3A_92, %sub3A_92 : vector<10000x128xf32>
    %reduce_sum3A_94 = arith.constant dense<0.000000e+00> : vector<128xf32>
    %reduce_sum3A_95 = vector.multi_reduction <add>, %integer_pow3A_93, %reduce_sum3A_94 [0] : vector<10000x128xf32> to vector<128xf32>
    %broadcast_in_dim3A_96 = vector.shape_cast %reduce_sum3A_95 : vector<128xf32> to vector<1x128xf32>
    %div3A_97 = arith.constant 1.000000e+04 : f32
    %div3A_98 = vector.broadcast %div3A_97 : f32 to vector<1x128xf32>
    %div3A_99 = arith.divf %broadcast_in_dim3A_96, %div3A_98 : vector<1x128xf32>
    %sub3A_100 = vector.broadcast %div3A_90 : vector<1x128xf32> to vector<10000x128xf32>
    %sub3A_101 = arith.subf %add3A_78, %sub3A_100 : vector<10000x128xf32>
    %add3A_102 = arith.constant 9.99999974E-6 : f32
    %add3A_103 = vector.broadcast %add3A_102 : f32 to vector<1x128xf32>
    %add3A_104 = arith.addf %div3A_99, %add3A_103 : vector<1x128xf32>
    %sqrt3A_105 = math.sqrt %add3A_104 : vector<1x128xf32>
    %div3A_106 = vector.broadcast %sqrt3A_105 : vector<1x128xf32> to vector<10000x128xf32>
    %div3A_107 = arith.divf %sub3A_101, %div3A_106 : vector<10000x128xf32>
    %mul3A_108 = vector.broadcast %get3A_81 : vector<1x128xf32> to vector<10000x128xf32>
    %mul3A_109 = arith.mulf %div3A_107, %mul3A_108 : vector<10000x128xf32>
    %add3A_110 = vector.broadcast %get3A_84 : vector<1x128xf32> to vector<10000x128xf32>
    %add3A_111 = arith.addf %mul3A_109, %add3A_110 : vector<10000x128xf32>
    %max3A_112 = arith.constant 0.000000e+00 : f32
    %max3A_113 = vector.broadcast %max3A_112 : f32 to vector<10000x128xf32>
    %max3A_114 = arith.maximumf %add3A_111, %max3A_113 : vector<10000x128xf32>
    %swap3A = arith.constant 0 : index
    %swap3A_115 = arith.constant 0 : index
    %swap3A_116 = vector.load %arg11[%swap3A, %swap3A_115] : memref<10000x128xf32, #tpu.memory_space<vmem>>, vector<10000x128xf32>
    tpu.vector_store %arg11[%swap3A, %swap3A_115], %max3A_114 {strides = array<i32>} : memref<10000x128xf32, #tpu.memory_space<vmem>>, vector<10000x128xf32>,
    return
  }
}

module attributes {stable_mosaic.version = 14 : i64} {
  func.func @_mlp_body(%arg0: memref<10000x128xf32, #tpu.memory_space<vmem>>, %arg1: memref<2x10112x128xf32, #tpu.memory_space<vmem>>, %arg2: memref<2x10112x128xf32, #tpu.memory_space<vmem>>, %arg3: memref<128x128xf32, #tpu.memory_space<vmem>>, %arg4: memref<1x128xf32, #tpu.memory_space<vmem>>, %arg5: memref<1x128xf32, #tpu.memory_space<vmem>>, %arg6: memref<1x128xf32, #tpu.memory_space<vmem>>, %arg7: memref<128x128xf32, #tpu.memory_space<vmem>>, %arg8: memref<1x128xf32, #tpu.memory_space<vmem>>, %arg9: memref<1x128xf32, #tpu.memory_space<vmem>>, %arg10: memref<1x128xf32, #tpu.memory_space<vmem>>, %arg11: memref<10000x128xf32, #tpu.memory_space<vmem>>) attributes {dimension_semantics = [], scalar_prefetch = 0 : i64, scratch_operands = 0 : i64, tpu.core_type = #tpu.core_type<tc>} {
    %get3A = arith.constant 0 : index
    %get3A_0 = arith.constant 0 : index
    %get3A_1 = arith.constant 0 : index
    %get3A_2 = vector.load %arg2[%get3A, %get3A_0, %get3A_1] : memref<2x10112x128xf32, #tpu.memory_space<vmem>>, vector<1x10000x1xf32>
    %get3A_3 = vector.shape_cast %get3A_2 : vector<1x10000x1xf32> to vector<10000x1xf32>
    %get3A_4 = arith.constant 1 : index
    %get3A_5 = arith.constant 0 : index
    %get3A_6 = arith.constant 0 : index
    %get3A_7 = vector.load %arg2[%get3A_4, %get3A_5, %get3A_6] : memref<2x10112x128xf32, #tpu.memory_space<vmem>>, vector<1x10000x1xf32>
    %get3A_8 = vector.shape_cast %get3A_7 : vector<1x10000x1xf32> to vector<10000x1xf32>
    %add3A = arith.addf %get3A_3, %get3A_8 : vector<10000x1xf32>
    %max3A = arith.constant 1.000000e+00 : f32
    %max3A_9 = vector.broadcast %max3A : f32 to vector<10000x1xf32>
    %max3A_10 = arith.maximumf %add3A, %max3A_9 : vector<10000x1xf32>
    %div3A = arith.constant 1.000000e+00 : f32
    %div3A_11 = vector.broadcast %div3A : f32 to vector<10000x1xf32>
    %div3A_12 = arith.divf %div3A_11, %max3A_10 : vector<10000x1xf32>
    %get3A_13 = arith.constant 0 : index
    %get3A_14 = arith.constant 0 : index
    %get3A_15 = vector.load %arg0[%get3A_13, %get3A_14] : memref<10000x128xf32, #tpu.memory_space<vmem>>, vector<10000x128xf32>
    %get3A_16 = arith.constant 0 : index
    %get3A_17 = arith.constant 0 : index
    %get3A_18 = arith.constant 0 : index
    %get3A_19 = vector.load %arg1[%get3A_16, %get3A_17, %get3A_18] : memref<2x10112x128xf32, #tpu.memory_space<vmem>>, vector<1x10000x128xf32>
    %get3A_20 = vector.shape_cast %get3A_19 : vector<1x10000x128xf32> to vector<10000x128xf32>
    %get3A_21 = arith.constant 1 : index
    %get3A_22 = arith.constant 0 : index
    %get3A_23 = arith.constant 0 : index
    %get3A_24 = vector.load %arg1[%get3A_21, %get3A_22, %get3A_23] : memref<2x10112x128xf32, #tpu.memory_space<vmem>>, vector<1x10000x128xf32>
    %get3A_25 = vector.shape_cast %get3A_24 : vector<1x10000x128xf32> to vector<10000x128xf32>
    %add3A_26 = arith.addf %get3A_20, %get3A_25 : vector<10000x128xf32>
    %mul3A = vector.broadcast %div3A_12 : vector<10000x1xf32> to vector<10000x128xf32>
    %mul3A_27 = arith.mulf %add3A_26, %mul3A : vector<10000x128xf32>
    %add3A_28 = arith.addf %get3A_15, %mul3A_27 : vector<10000x128xf32>
    %get3A_29 = arith.constant 0 : index
    %get3A_30 = arith.constant 0 : index
    %get3A_31 = vector.load %arg3[%get3A_29, %get3A_30] : memref<128x128xf32, #tpu.memory_space<vmem>>, vector<128x128xf32>
    %dot_general3A = arith.constant dense<0.000000e+00> : vector<10000x128xf32>
    %dot_general3A_32 = tpu.matmul %add3A_28, %get3A_31, %dot_general3A {dimension_numbers = #tpu.dot_dimension_numbers<[1], [0], [0], [1], [0, 0, 1, 1], [], []>, transpose_lhs_hint = false} : vector<10000x128xf32>, vector<128x128xf32>, vector<10000x128xf32> -> vector<10000x128xf32>
    %get3A_33 = arith.constant 0 : index
    %get3A_34 = arith.constant 0 : index
    %get3A_35 = vector.load %arg4[%get3A_33, %get3A_34] : memref<1x128xf32, #tpu.memory_space<vmem>>, vector<1x128xf32>
    %add3A_36 = vector.broadcast %get3A_35 : vector<1x128xf32> to vector<10000x128xf32>
    %add3A_37 = arith.addf %dot_general3A_32, %add3A_36 : vector<10000x128xf32>
    %get3A_38 = arith.constant 0 : index
    %get3A_39 = arith.constant 0 : index
    %get3A_40 = vector.load %arg5[%get3A_38, %get3A_39] : memref<1x128xf32, #tpu.memory_space<vmem>>, vector<1x128xf32>
    %get3A_41 = arith.constant 0 : index
    %get3A_42 = arith.constant 0 : index
    %get3A_43 = vector.load %arg6[%get3A_41, %get3A_42] : memref<1x128xf32, #tpu.memory_space<vmem>>, vector<1x128xf32>
    %reduce_sum3A = arith.constant dense<0.000000e+00> : vector<128xf32>
    %reduce_sum3A_44 = vector.multi_reduction <add>, %add3A_37, %reduce_sum3A [0] : vector<10000x128xf32> to vector<128xf32>
    %broadcast_in_dim3A = vector.shape_cast %reduce_sum3A_44 : vector<128xf32> to vector<1x128xf32>
    %div3A_45 = arith.constant 1.000000e+04 : f32
    %div3A_46 = vector.broadcast %div3A_45 : f32 to vector<1x128xf32>
    %div3A_47 = arith.divf %broadcast_in_dim3A, %div3A_46 : vector<1x128xf32>
    %sub3A = vector.broadcast %div3A_47 : vector<1x128xf32> to vector<10000x128xf32>
    %sub3A_48 = arith.subf %add3A_37, %sub3A : vector<10000x128xf32>
    %integer_pow3A = arith.mulf %sub3A_48, %sub3A_48 : vector<10000x128xf32>
    %reduce_sum3A_49 = arith.constant dense<0.000000e+00> : vector<128xf32>
    %reduce_sum3A_50 = vector.multi_reduction <add>, %integer_pow3A, %reduce_sum3A_49 [0] : vector<10000x128xf32> to vector<128xf32>
    %broadcast_in_dim3A_51 = vector.shape_cast %reduce_sum3A_50 : vector<128xf32> to vector<1x128xf32>
    %div3A_52 = arith.constant 1.000000e+04 : f32
    %div3A_53 = vector.broadcast %div3A_52 : f32 to vector<1x128xf32>
    %div3A_54 = arith.divf %broadcast_in_dim3A_51, %div3A_53 : vector<1x128xf32>
    %sub3A_55 = vector.broadcast %div3A_47 : vector<1x128xf32> to vector<10000x128xf32>
    %sub3A_56 = arith.subf %add3A_37, %sub3A_55 : vector<10000x128xf32>
    %add3A_57 = arith.constant 9.99999974E-6 : f32
    %add3A_58 = vector.broadcast %add3A_57 : f32 to vector<1x128xf32>
    %add3A_59 = arith.addf %div3A_54, %add3A_58 : vector<1x128xf32>
    %sqrt3A = math.sqrt %add3A_59 : vector<1x128xf32>
    %div3A_60 = vector.broadcast %sqrt3A : vector<1x128xf32> to vector<10000x128xf32>
    %div3A_61 = arith.divf %sub3A_56, %div3A_60 : vector<10000x128xf32>
    %mul3A_62 = vector.broadcast %get3A_40 : vector<1x128xf32> to vector<10000x128xf32>
    %mul3A_63 = arith.mulf %div3A_61, %mul3A_62 : vector<10000x128xf32>
    %add3A_64 = vector.broadcast %get3A_43 : vector<1x128xf32> to vector<10000x128xf32>
    %add3A_65 = arith.addf %mul3A_63, %add3A_64 : vector<10000x128xf32>
    %max3A_66 = arith.constant 0.000000e+00 : f32
    %max3A_67 = vector.broadcast %max3A_66 : f32 to vector<10000x128xf32>
    %max3A_68 = arith.maximumf %add3A_65, %max3A_67 : vector<10000x128xf32>
    %get3A_69 = arith.constant 0 : index
    %get3A_70 = arith.constant 0 : index
    %get3A_71 = vector.load %arg7[%get3A_69, %get3A_70] : memref<128x128xf32, #tpu.memory_space<vmem>>, vector<128x128xf32>
    %dot_general3A_72 = arith.constant dense<0.000000e+00> : vector<10000x128xf32>
    %dot_general3A_73 = tpu.matmul %max3A_68, %get3A_71, %dot_general3A_72 {dimension_numbers = #tpu.dot_dimension_numbers<[1], [0], [0], [1], [0, 0, 1, 1], [], []>, transpose_lhs_hint = false} : vector<10000x128xf32>, vector<128x128xf32>, vector<10000x128xf32> -> vector<10000x128xf32>
    %get3A_74 = arith.constant 0 : index
    %get3A_75 = arith.constant 0 : index
    %get3A_76 = vector.load %arg8[%get3A_74, %get3A_75] : memref<1x128xf32, #tpu.memory_space<vmem>>, vector<1x128xf32>
    %add3A_77 = vector.broadcast %get3A_76 : vector<1x128xf32> to vector<10000x128xf32>
    %add3A_78 = arith.addf %dot_general3A_73, %add3A_77 : vector<10000x128xf32>
    %get3A_79 = arith.constant 0 : index
    %get3A_80 = arith.constant 0 : index
    %get3A_81 = vector.load %arg9[%get3A_79, %get3A_80] : memref<1x128xf32, #tpu.memory_space<vmem>>, vector<1x128xf32>
    %get3A_82 = arith.constant 0 : index
    %get3A_83 = arith.constant 0 : index
    %get3A_84 = vector.load %arg10[%get3A_82, %get3A_83] : memref<1x128xf32, #tpu.memory_space<vmem>>, vector<1x128xf32>
    %reduce_sum3A_85 = arith.constant dense<0.000000e+00> : vector<128xf32>
    %reduce_sum3A_86 = vector.multi_reduction <add>, %add3A_78, %reduce_sum3A_85 [0] : vector<10000x128xf32> to vector<128xf32>
    %broadcast_in_dim3A_87 = vector.shape_cast %reduce_sum3A_86 : vector<128xf32> to vector<1x128xf32>
    %div3A_88 = arith.constant 1.000000e+04 : f32
    %div3A_89 = vector.broadcast %div3A_88 : f32 to vector<1x128xf32>
    %div3A_90 = arith.divf %broadcast_in_dim3A_87, %div3A_89 : vector<1x128xf32>
    %sub3A_91 = vector.broadcast %div3A_90 : vector<1x128xf32> to vector<10000x128xf32>
    %sub3A_92 = arith.subf %add3A_78, %sub3A_91 : vector<10000x128xf32>
    %integer_pow3A_93 = arith.mulf %sub3A_92, %sub3A_92 : vector<10000x128xf32>
    %reduce_sum3A_94 = arith.constant dense<0.000000e+00> : vector<128xf32>
    %reduce_sum3A_95 = vector.multi_reduction <add>, %integer_pow3A_93, %reduce_sum3A_94 [0] : vector<10000x128xf32> to vector<128xf32>
    %broadcast_in_dim3A_96 = vector.shape_cast %reduce_sum3A_95 : vector<128xf32> to vector<1x128xf32>
    %div3A_97 = arith.constant 1.000000e+04 : f32
    %div3A_98 = vector.broadcast %div3A_97 : f32 to vector<1x128xf32>
    %div3A_99 = arith.divf %broadcast_in_dim3A_96, %div3A_98 : vector<1x128xf32>
    %sub3A_100 = vector.broadcast %div3A_90 : vector<1x128xf32> to vector<10000x128xf32>
    %sub3A_101 = arith.subf %add3A_78, %sub3A_100 : vector<10000x128xf32>
    %add3A_102 = arith.constant 9.99999974E-6 : f32
    %add3A_103 = vector.broadcast %add3A_102 : f32 to vector<1x128xf32>
    %add3A_104 = arith.addf %div3A_99, %add3A_103 : vector<1x128xf32>
    %sqrt3A_105 = math.sqrt %add3A_104 : vector<1x128xf32>
    %div3A_106 = vector.broadcast %sqrt3A_105 : vector<1x128xf32> to vector<10000x128xf32>
    %div3A_107 = arith.divf %sub3A_101, %div3A_106 : vector<10000x128xf32>
    %mul3A_108 = vector.broadcast %get3A_81 : vector<1x128xf32> to vector<10000x128xf32>
    %mul3A_109 = arith.mulf %div3A_107, %mul3A_108 : vector<10000x128xf32>
    %add3A_110 = vector.broadcast %get3A_84 : vector<1x128xf32> to vector<10000x128xf32>
    %add3A_111 = arith.addf %mul3A_109, %add3A_110 : vector<10000x128xf32>
    %max3A_112 = arith.constant 0.000000e+00 : f32
    %max3A_113 = vector.broadcast %max3A_112 : f32 to vector<10000x128xf32>
    %max3A_114 = arith.maximumf %add3A_111, %max3A_113 : vector<10000x128xf32>
    %swap3A = arith.constant 0 : index
    %swap3A_115 = arith.constant 0 : index
    %swap3A_116 = vector.load %arg11[%swap3A, %swap3A_115] : memref<10000x128xf32, #tpu.memory_space<vmem>>, vector<10000x128xf32>
    tpu.vector_store %arg11[%swap3A, %swap3A_115], %max3A_114 {strides = array<i32>} : memref<10000x128xf32, #tpu.memory_space<vmem>>, vector<10000x128xf32>,
    return
  }
}

</mosaic_0001>

<sc_bundles>
// kernel: kernel.12.cloned.1.call-start
scs
__scs_entry_jumppad:
0x0: {  	(pc) =	sbr.rel $0x88, $3  }
0x1: {  	(tag) =	ssettag $0x0;
	lr =	simm.s32 $0x1  }
0x2: {  	[smem:$0x3F97] =	sst lr;
	_ =	strace $0xD0000000  }
0x3: {  	_ = 	snop  }
0x4: {  	_ = 	snop  }
0x5: {  	_ = 	snop  }
0x6: {  	_ = 	snop  }
0x7: {  	_ = 	snop  }
__scs_overlays_trampoline_lowered:
0x8: {  	[smem:$0x3FA6] =	sst s0  }
0x9: {  	[smem:$0x3FA7] =	sst s1  }
0xa: {  	[smem:$0x3FA8] =	sst s2  }
0xb: {  	[smem:$0x3FA9] =	sst s3  }
0xc: {  	[smem:$0x3FAA] =	sst s4  }
0xd: {  	[smem:$0x3FAB] =	sst s5  }
0xe: {  	[smem:$0x3FAC] =	sst s6  }
0xf: {  	[smem:$0x3FAD] =	sst s7  }
0x10: {  	[smem:$0x3FAE] =	sst s8  }
0x11: {  	[smem:$0x3FAF] =	sst s9;
	s0 =	simm.s32 @!p0 $0x0  }
0x12: {  	s1 =	sld [smem:$0x3F95];
	s0 =	simm.s32 @p0 $0x1  }
0x13: {  	[smem:$0x3FB0] =	sst s0;
	s0 =	simm.s32 @!p1 $0x0  }
0x14: {  	s2 =	sld [smem:$0x3F94];
	s0 =	simm.s32 @p1 $0x1  }
0x15: {  	[smem:$0x3FB1] =	sst s0;
	s0 =	simm.s32 @!p2 $0x0  }
0x16: {  	s3 =	sld [smem:$0x3FDB];
	s0 =	simm.s32 @p2 $0x1  }
0x17: {  	s4 =	simm.s32 $0x1BF5;
	[smem:$0x3FB3] =	sst s0  }
0x18: {  	s0 =	sld [smem:$0x3F96];
	_ =	swait.ge [sflag:s4], $0x0  }
0x19: {  	s7 =	sld [smem:$0x3F97]  }
0x1a: {  	s8 =	sadd.s32 $0xFFFFE003, lr  }
0x1b: {  	s9 =	sadd.s32 $0xFFFFFEF7, lr;
	s5 =	simm.s32 $0xFFFFFFFF;
	p2 =	slt.u32 s8, $0xFFFFF086  }
0x1c: {  	p1 =	slt.u32 s9, $0xF7A;
	s5 =	simm.s32 @!p2 $0x0  }
0x1d: {  	s5 =	simm.s32 @p1 $0x1;
	p0 =	seq.s32 s7, s2  }
0x1e: {  	s7 =	smul.u32 @!p0 $0xF7A, s2;
	p2 =	seq.s32 @!p0 s5, $0x0  }
0x1f: {  	s9 =	smul.u32 $0xF7A, s1;
	s8 =	simm.s32 @!p0 $0x1BF5;
	p2 =	por !p2, p0  }
0x20: {  	[sflag:s8] =	ssyncset.s32 @!p0 $0xFFFFF086;
	s6 =	sadd.s32 @!p0 s3, s7;
	s7 =	simm.s32 @!p0 $0x108  }
0x21: {  	s3 =	sadd.s32 s3, s9;
	s6 =	sadd.s32 @!p0 $0x88, s6;
	s7 =	simm.s32 @p2 $0x1082  }
0x22: {  	[simem:s7], [sflag:s8] =	dma.local @!p0 [hbm:s6], $0xF7A  }
0x23: {  	s9 =	sor.u32 $0xD0000000, s2;
	s6 =	simm.s32 $0x108;
	_ =	swait.ge @!p0 [sflag:s8], $0x0  }
0x24: {  	s3 =	sadd.s32 $0x88, s3;
	s6 =	simm.s32 @!p1 $0x1082;
	[sflag:s4] =	ssyncset.s32 $0xFFFFF086  }
0x25: {  	[simem:s6], [sflag:s4] =	dma.local [hbm:s3], $0xF7A  }
0x26: {  	[smem:$0x3F97] =	sst s1;
	(tag) =	ssettag s2;
	_ =	strace s9  }
0x27: {  	s1 =	sld [smem:$0x3FA7]  }
0x28: {  	s2 =	sld [smem:$0x3FA8]  }
0x29: {  	s4 =	sld [smem:$0x3FAA]  }
0x2a: {  	p0 =	seq.s32 s5, $0x0;
	s5 =	sld [smem:$0x3FAB]  }
0x2b: {  	s6 =	sld [smem:$0x3FAC]  }
0x2c: {  	s7 =	sld [smem:$0x3FAD]  }
0x2d: {  	s3 =	simm.s32 $0x108;
	s8 =	sld [smem:$0x3FAE]  }
0x2e: {  	s3 =	simm.s32 @!p0 $0x1082;
	s9 =	sld [smem:$0x3FAF]  }
0x2f: {  	lr =	sadd.s32 s0, s3;
	s0 =	sld [smem:$0x3FA6]  }
0x30: {  	s3 =	sld [smem:$0x3FA9]  }
0x31: {  	[smem:$0x3FB2] =	sst s10  }
0x32: {  	s10 =	sld [smem:$0x3FB0];
	_ =	sdelay $0x3  }
0x33: {  	p0 =	seq.s32 s10, $0x1;
	s10 =	sld [smem:$0x3FB2];
	_ =	sdelay $0x3  }
0x34: {  	[smem:$0x3FB2] =	sst s10  }
0x35: {  	s10 =	sld [smem:$0x3FB1];
	_ =	sdelay $0x3  }
0x36: {  	p1 =	seq.s32 s10, $0x1;
	s10 =	sld [smem:$0x3FB2];
	_ =	sdelay $0x3  }
0x37: {  	[smem:$0x3FB2] =	sst s10  }
0x38: {  	s10 =	sld [smem:$0x3FB3]  }
0x39: {  	_ = 	snop;
	(pc) =	sbr.ind lr, $3  }
0x3a: {  	_ = 	snop  }
0x3b: {  	_ = 	snop  }
0x3c: {  	p2 =	seq.s32 s10, $0x1;
	s10 =	sld [smem:$0x3FB2]  }
0x3d: {  	_ =	shalt  }
0x3e: {  	_ =	shalt  }
0x3f: {  	_ =	shalt  }
0x40: {  	_ =	shalt  }
0x41: {  	_ =	shalt  }
0x42: {  	_ =	shalt  }
0x43: {  	_ =	shalt  }
0x44: {  	_ =	shalt  }
0x45: {  	_ =	shalt  }
0x46: {  	_ =	shalt  }
0x47: {  	_ =	shalt  }
0x48: {  	_ =	shalt  }
0x49: {  	_ =	shalt  }
0x4a: {  	_ =	shalt  }
0x4b: {  	_ =	shalt  }
0x4c: {  	_ =	shalt  }
0x4d: {  	_ =	shalt  }
0x4e: {  	_ =	shalt  }
0x4f: {  	_ =	shalt  }
0x50: {  	_ =	shalt  }
0x51: {  	_ =	shalt  }
0x52: {  	_ =	shalt  }
0x53: {  	_ =	shalt  }
0x54: {  	_ =	shalt  }
0x55: {  	_ =	shalt  }
0x56: {  	_ =	shalt  }
0x57: {  	_ =	shalt  }
0x58: {  	_ =	shalt  }
0x59: {  	_ =	shalt  }
0x5a: {  	_ =	shalt  }
0x5b: {  	_ =	shalt  }
0x5c: {  	_ =	shalt  }
0x5d: {  	_ =	shalt  }
0x5e: {  	_ =	shalt  }
0x5f: {  	_ =	shalt  }
0x60: {  	_ =	shalt  }
0x61: {  	_ =	shalt  }
0x62: {  	_ =	shalt  }
0x63: {  	_ =	shalt  }
0x64: {  	_ =	shalt  }
0x65: {  	_ =	shalt  }
0x66: {  	_ =	shalt  }
0x67: {  	_ =	shalt  }
0x68: {  	_ =	shalt  }
0x69: {  	_ =	shalt  }
0x6a: {  	_ =	shalt  }
0x6b: {  	_ =	shalt  }
0x6c: {  	_ =	shalt  }
0x6d: {  	_ =	shalt  }
0x6e: {  	_ =	shalt  }
0x6f: {  	_ =	shalt  }
0x70: {  	_ =	shalt  }
0x71: {  	_ =	shalt  }
0x72: {  	_ =	shalt  }
0x73: {  	_ =	shalt  }
0x74: {  	_ =	shalt  }
0x75: {  	_ =	shalt  }
0x76: {  	_ =	shalt  }
0x77: {  	_ =	shalt  }
0x78: {  	_ =	shalt  }
0x79: {  	_ =	shalt  }
0x7a: {  	_ =	shalt  }
0x7b: {  	_ =	shalt  }
0x7c: {  	_ =	shalt  }
0x7d: {  	_ =	shalt  }
0x7e: {  	_ =	shalt  }
0x7f: {  	_ =	shalt  }
0x80: {  	_ =	shalt  }
0x81: {  	_ =	shalt  }
0x82: {  	_ =	shalt  }
0x83: {  	_ =	shalt  }
0x84: {  	_ =	shalt  }
0x85: {  	_ =	shalt  }
0x86: {  	_ =	shalt  }
0x87: {  	_ =	shalt  }
.Lfunc_end0:
.L_simem_size_0:
called_computation.1_lowered:
.L_overlay_start_0:
0x88: {  	s2 =	sld [smem:$0x3FD9]  }
0x89: {  	s3 =	sld [smem:$0x3FFE];
	_ =	sdelay $0x1  }
0x8a: {  	s1 =	srdreg.scid  }
0x8b: {  	s0 =	sand.u32 $0x1, s1  }
0x8c: {  	s17 =	sshll.u32 s0, $0xA;
	s2 =	sadd.s32 s3, s2  }
0x8d: {  	s2 =	sadd.s32 s2, s17  }
0x8e: {  	[smem:$0x3FBE] =	sst s2  }
0x8f: {  	_ = 	snop  }
0x90: {  	s18 =	sld [smem:$0x3FC9];
	(tm) =	ssettm $0x1  }
0x91: {  	s19 =	sld [smem:$0x3FFB];
	_ =	sdelay $0x3  }
0x92: {  	_ =	strace s19  }
0x93: {  	s2 =	sld [smem:$0x3FFC];
	_ =	sdelay $0x3  }
0x94: {  	_ =	strace s2  }
0x95: {  	s2 =	sld [smem:$0x3FFD];
	_ =	sdelay $0x3  }
0x96: {  	_ =	strace s2  }
0x97: {  	_ =	strace $0x8FFFFFFF  }
0x98: {  	s20 =	sld [smem:$0x3FDB];
	_ =	sdelay $0x1  }
0x99: {  	s4 =	simm.s32 $_scs_section_size  }
0x9a: {  	s5 =	simm.s32 $_size__tile_overlayer_lowered;
	s6 =	simm.s32 $_tile_overlayer_lowered  }
0x9b: {  	s7 =	simm.s32 $0x1BFF;
	s21 =	sshll.u32 s6, $0x1;
	s4 =	sadd.s32 s4, s20  }
0x9c: {  	s22 =	simm.s32 $0x0;
	s5 =	sshll.u32 s5, $0x1;
	s6 =	sadd.s32 s21, s4  }
0x9d: {  	[timem:s22], [sflag:s7] =	dma.local [hbm:s6], s5  }
0x9e: {  	_ =	swait.ge [sflag:s7], s5  }
0x9f: {  	s5 =	ssub.s32 $0x0, s5;
	[sflag:s7] =	ssyncset.done $0x0  }
0xa0: {  	[sflag:s7] =	ssyncadd.s32 s5;
	_ =	sdelay $0x1  }
0xa1: {  	s23 =	simm.s32 $0x1B8B  }
0xa2: {  	_ =	swait.ge [sflag:s23], $0x1  }
0xa3: {  	[sflag:s23] =	ssyncset.done $0x0  }
0xa4: {  	[sflag:s23] =	ssyncadd.s32 $0xFFFFFFFF  }
0xa5: {  	s5 =	sld [smem:$0x0]  }
0xa6: {  	s6 =	sand.u32 $0xFFFFFFFE, s1  }
0xa7: {  	p0 =	sne.s32 s1, s6  }
0xa8: {  	s6 =	sshll.u32 @p0 s6, $0xE  }
0xa9: {  	s6 =	sadd.s32 @p0 $0x11B8D, s6;
	s7 =	sshll.u32 @p0 s5, $0x11  }
0xaa: {  	s6 =	sor.u32 @p0 s7, s6  }
0xab: {  	[sflag:s6] =	ssyncadd.remote.s32 @p0 $0x1;
	_ =	sdelay $0x1  }
0xac: {  	s6 =	simm.s32 @p0 $0x1B8D  }
0xad: {  	_ =	swait.eq @p0 [sflag:s6], $0x1  }
0xae: {  	[sflag:s6] =	ssyncadd.s32 @p0 $0xFFFFFFFF  }
0xaf: {  	s7 =	sshll.u32 @!p0 s1, $0xE  }
0xb0: {  	s7 =	sor.u32 @!p0 $0x4000, s7;
	s6 =	simm.s32 @!p0 $0x1B8D  }
0xb1: {  	s5 =	sshll.u32 @!p0 s5, $0x11;
	s7 =	sadd.s32 @!p0 $0x11B8D, s7;
	_ =	swait.eq @!p0 [sflag:s6], $0x1  }
0xb2: {  	s5 =	sor.u32 @!p0 s5, s7;
	[sflag:s6] =	ssyncadd.s32 @!p0 $0xFFFFFFFF  }
0xb3: {  	s25 =	simm.s32 $0x1B8E;
	s24 =	sld [smem:$0x3FFE];
	[sflag:s5] =	ssyncadd.remote.s32 @!p0 $0x1  }
0xb4: {  	s26 =	simm.s32 $execute0_lowered;
	[smem:$0x3FD2] =	sst s25  }
0xb5: {  	s6 =	sshll.u32 s26, $0x1;
	_ =	strace $0x80000049;
	[dreg:$0x1] =	wrdreg $0xFFFFFFFF  }
0xb6: {  	s28 =	simm.s32 $_size_execute0_lowered;
	s4 =	sadd.s32 s4, s6;
	[dreg:$0x0] =	wrdreg $0x0  }
0xb7: {  	s6 =	sshll.u32 s28, $0x1;
	[dreg:$0x2] =	wrdreg s4  }
0xb8: {  	[dreg:$0x3] =	wrdreg s6  }
0xb9: {  	[dreg:$0x4] =	wrdreg $0xC0  }
0xba: {  	_ =	task [dreg:s22], $0x5FFFF  }
0xbb: {  	[dreg:$0x1] =	wrdreg $0xFFFFFFFF  }
0xbc: {  	[dreg:$0x0] =	wrdreg $0x60  }
0xbd: {  	[dreg:$0x2] =	wrdreg s18  }
0xbe: {  	[dreg:$0x3] =	wrdreg s24  }
0xbf: {  	[dreg:$0x4] =	wrdreg $0x90000  }
0xc0: {  	[dreg:$0x5] =	wrdreg $0xA  }
0xc1: {  	_ =	task.clear_ibuf [dreg:s22], $0x6FFFF;
	_ =	strace $0x90000049  }
0xc2: {  	s29 =	simm.s32 $0xA;
	_ =	strace $0x8000004B  }
0xc3: {  	_ =	swait.ge [sflag:s29], $0x1  }
0xc4: {  	[sflag:s29] =	ssyncadd.s32 $0xFFFFFFFF  }
0xc5: {  	_ =	strace $0x9000004B  }
0xc6: {  	_ =	sfence  }
0xc7: {  	s30 =	sld [smem:$0x0];
	_ =	sdelay $0x2  }
0xc8: {  	s31 =	sshll.u32 s1, $0xD;
	s1 =	sshrl.u32 s1, $0x2  }
0xc9: {  	s4 =	sand.u32 $0x4000, s31;
	s1 =	sadd.s32 s1, s30  }
0xca: {  	s0 =	sor.u32 s4, s0;
	s1 =	sshll.u32 s1, $0x11  }
0xcb: {  	s0 =	sor.u32 s1, s0  }
0xcc: {  	s0 =	sadd.s32 $0x8F2B, s0  }
0xcd: {  	[sflag:s0] =	ssyncadd.remote.s32 $0x1  }
0xce: {  	_ =	sfence.sel $0xFFFF  }
0xcf: {  	[dreg:$0x0] =	wrdreg $0xFFFFFFFF;
	(pc) =	sbr.abs _section_cstart, $3  }
0xd0: {  	[dreg:$0x1] =	wrdreg $0xFFFFFFFF  }
0xd1: {  	_ =	task.clear_ibuf [dreg:s22], $0x2FFFF;
	_ =	strace $0x9FFFFFFF  }
0xd2: {  	(tm) =	ssettm $0x7FFFFFFF  }
0xd3: {  	_ =	shalt  }
tec
execute0_lowered:
.L_overlay_start_1:
0x0: {  	(tag) =	ssettag $0x1  }
0x1: {  	s1 =	rddreg [dreg:$0x0]  }
0x2: {  	s0 =	srdreg.scid;
	s5 =	rddreg [dreg:$0x1]  }
0x3: {  	s9 =	stileid.u32;
	s3 =	rddreg [dreg:$0x2];
	s4 =	simm.s32 $0x0  }
0x4: {  	s10 =	simm.s32 $0x1;
	s0 =	sand.u32 $0x1, s0;
	s7 =	smul.u32 $0x13C00, s9  }
0x5: {  	s2 =	sshll.u32 s9, $0x1;
	[smem:$0x7FF] =	sst s4;
	s11 =	smul.u32 $0x50000, s9  }
0x6: {  	s8 =	sadd.s32 $0x67000, s5;
	s9 =	smul.u32 $0x4F000, s9;
	s2 =	sor.u32 s0, s2  }
0x7: {  	s6 =	smul.u32 $0x13C000, s0;
	_ =	strace $0x8000004A;
	[dreg:$0x4] =	wrdreg s8  }
0x8: {  	s0 =	ssub.s32 $0x2, s0;
	s8 =	simm.s32 $0x7000;
	s2 =	smul.u32 $0x500, s2  }
0x9: {  	s12 =	sshrl.u32 s0, $0x1;
	s13 =	sshrl.u32 s11, $0x2;
	s15 =	sshrl.u32 s9, $0x2  }
0xa: {  	s9 =	simm.s32 $0x8000;
	s11 =	simm.s32 $0x2;
	s6 =	sadd.s32 s7, s6  }
0xb: {  	s0 =	ssub.s32 s0, s12;
	s17 =	sadd.s32 s15, s3;
	s7 =	simm.s32 $0x6000  }
0xc: {  	s12 =	simm.s32 $0x3;
	s2 =	sadd.s32 s2, s5;
	s6 =	sshrl.u32 s6, $0x3  }
0xd: {  	s0 =	smax.u32 s0, $0x1;
	s5 =	sadd.s32 s6, s5;
	s6 =	sadd.s32 s13, s3  }
0xe: {  	s14 =	sadd.s32 $0x5D000, s2;
	s2 =	sadd.s32 $0x3800, s2;
	[dreg:$0x8] =	wrdreg s0  }
0xf: {  	s0 =	simm.s32 $0x5;
	s13 =	simm.s32 $0x4;
	[dreg:$0x5] =	wrdreg s14  }
0x10: {  	[dreg:$0x6] =	wrdreg s2;
	s16 =	sadd.s32 $0x67200, s5;
	s20 =	sadd.s32 $0x1000, s6  }
0x11: {  	s21 =	sadd.s32 $0x2000, s6;
	s22 =	sadd.s32 $0x3000, s6;
	[dreg:$0x7] =	wrdreg s16  }
0x12: {  	s23 =	sadd.s32 $0x4000, s6;
	s24 =	sadd.s32 $0x5000, s6;
	[dreg:$0x9] =	wrdreg s20  }
0x13: {  	s25 =	sadd.s32 $0x6000, s6;
	s26 =	sadd.s32 $0x7000, s6;
	[dreg:$0xa] =	wrdreg s21  }
0x14: {  	s18 =	sadd.s32 $0x8000, s6;
	s19 =	sadd.s32 $0x9000, s6;
	[dreg:$0xb] =	wrdreg s22  }
0x15: {  	s28 =	sadd.s32 $0x10000, s6;
	s29 =	sadd.s32 $0x11000, s6;
	[dreg:$0xc] =	wrdreg s23  }
0x16: {  	s30 =	sadd.s32 $0x12000, s6;
	s31 =	sadd.s32 $0x13000, s6;
	[dreg:$0xd] =	wrdreg s24  }
0x17: {  	s2 =	simm.s32 $0x5000;
	s5 =	simm.s32 $0x20;
	[dreg:$0xe] =	wrdreg s25  }
0x18: {  	s14 =	simm.s32 $0x0;
	[dreg:$0xf] =	wrdreg s26;
	s20 =	sadd.s32 $0xA000, s6  }
0x19: {  	s21 =	sadd.s32 $0xB000, s6;
	s22 =	sadd.s32 $0xC000, s6;
	s23 =	sadd.s32 $0xD000, s6  }
0x1a: {  	s24 =	sadd.s32 $0xE000, s6;
	s25 =	sshrl.u32 s17, $0x3;
	s26 =	sadd.s32 $0xF000, s6  }
.LBB2_1:
0x1b: {  	s15 =	rddreg [dreg:$0x4]  }
0x1c: {  	[tilespmem:s2], [sflag:$0x5] =	stream.linear.gather [hbm4b:s15+s4], $0x1000, $0x38;
	[tilespmem:$0x1D000] =	vst v63  }
0x1d: {  	_ =	swait.ge [sflag:s0], $0x1000  }
0x1e: {  	[sflag:s0] =	ssyncset.done $0x0  }
0x1f: {  	[sflag:s0] =	ssyncadd.s32 $0xFFFFF000  }
0x20: {  	[spmem:s6] =	stream.linear.scatter [tilespmem:s2], [sflag:$0x5], $0x1000, $0x38;
	[tilespmem:$0x1D000] =	vst v63  }
0x21: {  	_ =	swait.ge [sflag:s0], $0x1000  }
0x22: {  	[sflag:s0] =	ssyncset.done $0x0  }
0x23: {  	s17 =	rddreg [dreg:$0x9];
	[sflag:s0] =	ssyncadd.s32 $0xFFFFF000  }
0x24: {  	[spmem:s17] =	stream.linear.scatter [tilespmem:s2], [sflag:$0x5], $0x1000, $0x38;
	[tilespmem:$0x1D000] =	vst v63  }
0x25: {  	_ =	swait.ge [sflag:s0], $0x1000  }
0x26: {  	[sflag:s0] =	ssyncset.done $0x0  }
0x27: {  	s16 =	rddreg [dreg:$0xa];
	[sflag:s0] =	ssyncadd.s32 $0xFFFFF000  }
0x28: {  	[spmem:s16] =	stream.linear.scatter [tilespmem:s2], [sflag:$0x5], $0x1000, $0x38;
	[tilespmem:$0x1D000] =	vst v63  }
0x29: {  	_ =	swait.ge [sflag:s0], $0x1000  }
0x2a: {  	[sflag:s0] =	ssyncset.done $0x0  }
0x2b: {  	s17 =	rddreg [dreg:$0xb];
	[sflag:s0] =	ssyncadd.s32 $0xFFFFF000  }
0x2c: {  	[spmem:s17] =	stream.linear.scatter [tilespmem:s2], [sflag:$0x5], $0x1000, $0x38;
	[tilespmem:$0x1D000] =	vst v63  }
0x2d: {  	_ =	swait.ge [sflag:s0], $0x1000  }
0x2e: {  	[sflag:s0] =	ssyncset.done $0x0  }
0x2f: {  	s16 =	rddreg [dreg:$0xc];
	[sflag:s0] =	ssyncadd.s32 $0xFFFFF000  }
0x30: {  	[spmem:s16] =	stream.linear.scatter [tilespmem:s2], [sflag:$0x5], $0x1000, $0x38;
	[tilespmem:$0x1D000] =	vst v63  }
0x31: {  	_ =	swait.ge [sflag:s0], $0x1000  }
0x32: {  	[sflag:s0] =	ssyncset.done $0x0  }
0x33: {  	s17 =	rddreg [dreg:$0xd];
	[sflag:s0] =	ssyncadd.s32 $0xFFFFF000  }
0x34: {  	[spmem:s17] =	stream.linear.scatter [tilespmem:s2], [sflag:$0x5], $0x1000, $0x38;
	[tilespmem:$0x1D000] =	vst v63  }
0x35: {  	_ =	swait.ge [sflag:s0], $0x1000  }
0x36: {  	[sflag:s0] =	ssyncset.done $0x0  }
0x37: {  	s16 =	rddreg [dreg:$0xe];
	[sflag:s0] =	ssyncadd.s32 $0xFFFFF000  }
0x38: {  	[spmem:s16] =	stream.linear.scatter [tilespmem:s2], [sflag:$0x5], $0x1000, $0x38;
	[tilespmem:$0x1D000] =	vst v63  }
0x39: {  	_ =	swait.ge [sflag:s0], $0x1000  }
0x3a: {  	[sflag:s0] =	ssyncset.done $0x0  }
0x3b: {  	s17 =	rddreg [dreg:$0xf];
	[sflag:s0] =	ssyncadd.s32 $0xFFFFF000  }
0x3c: {  	[spmem:s17] =	stream.linear.scatter [tilespmem:s2], [sflag:$0x5], $0x1000, $0x38;
	[tilespmem:$0x1D000] =	vst v63  }
0x3d: {  	_ =	swait.ge [sflag:s0], $0x1000  }
0x3e: {  	[sflag:s0] =	ssyncset.done $0x0  }
0x3f: {  	[sflag:s0] =	ssyncadd.s32 $0xFFFFF000  }
0x40: {  	[spmem:s18] =	stream.linear.scatter [tilespmem:s2], [sflag:$0x5], $0x1000, $0x38;
	[tilespmem:$0x1D000] =	vst v63  }
0x41: {  	_ =	swait.ge [sflag:s0], $0x1000  }
0x42: {  	[sflag:s0] =	ssyncset.done $0x0  }
0x43: {  	[sflag:s0] =	ssyncadd.s32 $0xFFFFF000  }
0x44: {  	[spmem:s19] =	stream.linear.scatter [tilespmem:s2], [sflag:$0x5], $0x1000, $0x38;
	[tilespmem:$0x1D000] =	vst v63  }
0x45: {  	_ =	swait.ge [sflag:s0], $0x1000  }
0x46: {  	[sflag:s0] =	ssyncset.done $0x0  }
0x47: {  	[sflag:s0] =	ssyncadd.s32 $0xFFFFF000  }
0x48: {  	[spmem:s20] =	stream.linear.scatter [tilespmem:s2], [sflag:$0x5], $0x1000, $0x38;
	[tilespmem:$0x1D000] =	vst v63  }
0x49: {  	_ =	swait.ge [sflag:s0], $0x1000  }
0x4a: {  	[sflag:s0] =	ssyncset.done $0x0  }
0x4b: {  	[sflag:s0] =	ssyncadd.s32 $0xFFFFF000  }
0x4c: {  	[spmem:s21] =	stream.linear.scatter [tilespmem:s2], [sflag:$0x5], $0x1000, $0x38;
	[tilespmem:$0x1D000] =	vst v63  }
0x4d: {  	_ =	swait.ge [sflag:s0], $0x1000  }
0x4e: {  	[sflag:s0] =	ssyncset.done $0x0  }
0x4f: {  	[sflag:s0] =	ssyncadd.s32 $0xFFFFF000  }
0x50: {  	[spmem:s22] =	stream.linear.scatter [tilespmem:s2], [sflag:$0x5], $0x1000, $0x38;
	[tilespmem:$0x1D000] =	vst v63  }
0x51: {  	_ =	swait.ge [sflag:s0], $0x1000  }
0x52: {  	[sflag:s0] =	ssyncset.done $0x0  }
0x53: {  	[sflag:s0] =	ssyncadd.s32 $0xFFFFF000  }
0x54: {  	[spmem:s23] =	stream.linear.scatter [tilespmem:s2], [sflag:$0x5], $0x1000, $0x38;
	[tilespmem:$0x1D000] =	vst v63  }
0x55: {  	_ =	swait.ge [sflag:s0], $0x1000  }
0x56: {  	[sflag:s0] =	ssyncset.done $0x0  }
0x57: {  	[sflag:s0] =	ssyncadd.s32 $0xFFFFF000  }
0x58: {  	[spmem:s24] =	stream.linear.scatter [tilespmem:s2], [sflag:$0x5], $0x1000, $0x38;
	[tilespmem:$0x1D000] =	vst v63  }
0x59: {  	_ =	swait.ge [sflag:s0], $0x1000  }
0x5a: {  	[sflag:s0] =	ssyncset.done $0x0  }
0x5b: {  	[sflag:s0] =	ssyncadd.s32 $0xFFFFF000  }
0x5c: {  	[spmem:s26] =	stream.linear.scatter [tilespmem:s2], [sflag:$0x5], $0x1000, $0x38;
	[tilespmem:$0x1D000] =	vst v63  }
0x5d: {  	_ =	swait.ge [sflag:s0], $0x1000  }
0x5e: {  	[sflag:s0] =	ssyncset.done $0x0  }
0x5f: {  	[sflag:s0] =	ssyncadd.s32 $0xFFFFF000  }
0x60: {  	[spmem:s28] =	stream.linear.scatter [tilespmem:s2], [sflag:$0x5], $0x1000, $0x38;
	[tilespmem:$0x1D000] =	vst v63  }
0x61: {  	_ =	swait.ge [sflag:s0], $0x1000  }
0x62: {  	[sflag:s0] =	ssyncset.done $0x0  }
0x63: {  	[sflag:s0] =	ssyncadd.s32 $0xFFFFF000  }
0x64: {  	[spmem:s29] =	stream.linear.scatter [tilespmem:s2], [sflag:$0x5], $0x1000, $0x38;
	[tilespmem:$0x1D000] =	vst v63  }
0x65: {  	_ =	swait.ge [sflag:s0], $0x1000  }
0x66: {  	[sflag:s0] =	ssyncset.done $0x0  }
0x67: {  	[sflag:s0] =	ssyncadd.s32 $0xFFFFF000  }
0x68: {  	[spmem:s30] =	stream.linear.scatter [tilespmem:s2], [sflag:$0x5], $0x1000, $0x38;
	[tilespmem:$0x1D000] =	vst v63  }
0x69: {  	_ =	swait.ge [sflag:s0], $0x1000  }
0x6a: {  	[sflag:s0] =	ssyncset.done $0x0  }
0x6b: {  	[sflag:s0] =	ssyncadd.s32 $0xFFFFF000  }
0x6c: {  	[spmem:s31] =	stream.linear.scatter [tilespmem:s2], [sflag:$0x5], $0x1000, $0x38;
	[tilespmem:$0x1D000] =	vst v63  }
0x6d: {  	_ =	swait.ge [sflag:s0], $0x1000  }
0x6e: {  	[sflag:s0] =	ssyncset.done $0x0  }
0x6f: {  	s16 =	rddreg [dreg:$0x5];
	[sflag:s0] =	ssyncadd.s32 $0xFFFFF000  }
0x70: {  	[tilespmem:s4], [sflag:$0x5] =	stream.linear.gather [hbm4b:s16+s4], $0x2800, $0x38;
	[tilespmem:$0x1D000] =	vst v63  }
0x71: {  	_ =	swait.ge [sflag:s0], $0x2800  }
0x72: {  	[sflag:s0] =	ssyncset.done $0x0  }
0x73: {  	s16 =	simm.s32 $0x2800;
	s17 =	rddreg [dreg:$0x6];
	[sflag:s0] =	ssyncadd.s32 $0xFFFFD800  }
0x74: {  	[tilespmem:s16], [sflag:$0x5] =	stream.linear.gather [hbm4b:s17+s4], $0x2800, $0x38;
	[tilespmem:$0x1D000] =	vst v63  }
0x75: {  	_ =	swait.ge [sflag:s0], $0x2800  }
0x76: {  	[sflag:s0] =	ssyncset.done $0x0  }
0x77: {  	[sflag:s0] =	ssyncadd.s32 $0xFFFFD800  }
0x78: {  	[tilespmem:s2], [sflag:$0x1] =	stream.indirect.gather [hbm4b:s1+s5], $0x80, s4, s5, $0xb8;
	[tilespmem:$0x1D000] =	vst v63  }
0x79: {  	_ = 	snop  }
0x7a: {  	[tilespmem:s7], [sflag:$0x2] =	stream.indirect.gather [hbm4b:s1+s5], $0x80, s5, s5, $0xb8;
	[tilespmem:$0x1D000] =	vst v63  }
0x7b: {  	s17 =	simm.s32 $0x40  }
0x7c: {  	[tilespmem:s8], [sflag:$0x3] =	stream.indirect.gather [hbm4b:s1+s5], $0x80, s17, s5, $0xb8;
	[tilespmem:$0x1D000] =	vst v63  }
0x7d: {  	s16 =	simm.s32 $0x60  }
0x7e: {  	[tilespmem:s9], [sflag:$0x4] =	stream.indirect.gather [hbm4b:s1+s5], $0x80, s16, s5, $0xb8;
	[tilespmem:$0x1D000] =	vst v63  }
0x7f: {  	[bflag:$0x0] =	sbarrier.arrive $0xFFFF  }
0x80: {  	_ =	swait.ge [sflag:s10], $0x1000  }
0x81: {  	[sflag:s10] =	ssyncset.done $0x0  }
0x82: {  	s17 =	simm.s32 $0x2800;
	[sflag:s10] =	ssyncadd.s32 $0xFFFFF000  }
0x83: {  	[spmem:s3] =	stream.indirect.scatter.add.f32 [tilespmem:s2], [sflag:$0x5], $0x80, s17, s5, $0xb8;
	[tilespmem:$0x1D000] =	vst v63  }
0x84: {  	_ =	swait.ge [sflag:s0], $0x1000  }
0x85: {  	[sflag:s0] =	ssyncset.done $0x0  }
0x86: {  	s16 =	simm.s32 $0x80;
	[sflag:s0] =	ssyncadd.s32 $0xFFFFF000  }
0x87: {  	[tilespmem:s2], [sflag:$0x1] =	stream.indirect.gather [hbm4b:s1+s5], $0x80, s16, s5, $0xb8;
	[tilespmem:$0x1D000] =	vst v63  }
0x88: {  	_ =	swait.ge [sflag:s11], $0x1000  }
0x89: {  	[sflag:s11] =	ssyncset.done $0x0  }
0x8a: {  	s17 =	simm.s32 $0x2820;
	[sflag:s11] =	ssyncadd.s32 $0xFFFFF000  }
0x8b: {  	[spmem:s3] =	stream.indirect.scatter.add.f32 [tilespmem:s7], [sflag:$0x5], $0x80, s17, s5, $0xb8;
	[tilespmem:$0x1D000] =	vst v63  }
0x8c: {  	_ =	swait.ge [sflag:s0], $0x1000  }
0x8d: {  	[sflag:s0] =	ssyncset.done $0x0  }
0x8e: {  	s16 =	simm.s32 $0xA0;
	[sflag:s0] =	ssyncadd.s32 $0xFFFFF000  }
0x8f: {  	[tilespmem:s7], [sflag:$0x2] =	stream.indirect.gather [hbm4b:s1+s5], $0x80, s16, s5, $0xb8;
	[tilespmem:$0x1D000] =	vst v63  }
0x90: {  	_ =	swait.ge [sflag:s12], $0x1000  }
0x91: {  	[sflag:s12] =	ssyncset.done $0x0  }
0x92: {  	s17 =	simm.s32 $0x2840;
	[sflag:s12] =	ssyncadd.s32 $0xFFFFF000  }
0x93: {  	[spmem:s3] =	stream.indirect.scatter.add.f32 [tilespmem:s8], [sflag:$0x5], $0x80, s17, s5, $0xb8;
	[tilespmem:$0x1D000] =	vst v63  }
0x94: {  	_ =	swait.ge [sflag:s0], $0x1000  }
0x95: {  	[sflag:s0] =	ssyncset.done $0x0  }
0x96: {  	s16 =	simm.s32 $0xC0;
	[sflag:s0] =	ssyncadd.s32 $0xFFFFF000  }
0x97: {  	[tilespmem:s8], [sflag:$0x3] =	stream.indirect.gather [hbm4b:s1+s5], $0x80, s16, s5, $0xb8;
	[tilespmem:$0x1D000] =	vst v63  }
0x98: {  	_ =	swait.ge [sflag:s13], $0x1000  }
0x99: {  	[sflag:s13] =	ssyncset.done $0x0  }
0x9a: {  	s17 =	simm.s32 $0x2860;
	[sflag:s13] =	ssyncadd.s32 $0xFFFFF000  }
0x9b: {  	[spmem:s3] =	stream.indirect.scatter.add.f32 [tilespmem:s9], [sflag:$0x5], $0x80, s17, s5, $0xb8;
	[tilespmem:$0x1D000] =	vst v63  }
0x9c: {  	_ =	swait.ge [sflag:s0], $0x1000  }
0x9d: {  	[sflag:s0] =	ssyncset.done $0x0  }
0x9e: {  	s15 =	simm.s32 $0x200;
	s16 =	simm.s32 $0xE0;
	[sflag:s0] =	ssyncadd.s32 $0xFFFFF000  }
.LBB2_2:
0x9f: {  	[tilespmem:s9], [sflag:$0x4] =	stream.indirect.gather [hbm4b:s1+s5], $0x80, s16, s5, $0xb8;
	[tilespmem:$0x1D000] =	vst v63  }
0xa0: {  	s16 =	smov.u32 s15  }
0xa1: {  	p0 =	sne.s32 s15, $0x9C00;
	s15 =	sadd.s32 $0x200, s15;
	_ =	swait.ge [sflag:s10], $0x1000  }
0xa2: {  	s16 =	sshra.s32 s16, $0x2;
	[sflag:s10] =	ssyncset.done $0x0  }
0xa3: {  	s17 =	sadd.s32 $0x2800, s16;
	[sflag:s10] =	ssyncadd.s32 $0xFFFFF000  }
0xa4: {  	[spmem:s3] =	stream.indirect.scatter.add.f32 [tilespmem:s2], [sflag:$0x5], $0x80, s17, s5, $0xb8;
	[tilespmem:$0x1D000] =	vst v63  }
0xa5: {  	_ =	swait.ge [sflag:s0], $0x1000  }
0xa6: {  	[sflag:s0] =	ssyncset.done $0x0  }
0xa7: {  	s17 =	sadd.s32 $0x80, s16;
	[sflag:s0] =	ssyncadd.s32 $0xFFFFF000  }
0xa8: {  	[tilespmem:s2], [sflag:$0x1] =	stream.indirect.gather [hbm4b:s1+s5], $0x80, s17, s5, $0xb8;
	[tilespmem:$0x1D000] =	vst v63  }
0xa9: {  	_ =	swait.ge [sflag:s11], $0x1000  }
0xaa: {  	[sflag:s11] =	ssyncset.done $0x0  }
0xab: {  	s17 =	sadd.s32 $0x2820, s16;
	[sflag:s11] =	ssyncadd.s32 $0xFFFFF000  }
0xac: {  	[spmem:s3] =	stream.indirect.scatter.add.f32 [tilespmem:s7], [sflag:$0x5], $0x80, s17, s5, $0xb8;
	[tilespmem:$0x1D000] =	vst v63  }
0xad: {  	_ =	swait.ge [sflag:s0], $0x1000  }
0xae: {  	[sflag:s0] =	ssyncset.done $0x0  }
0xaf: {  	s17 =	sadd.s32 $0xA0, s16;
	[sflag:s0] =	ssyncadd.s32 $0xFFFFF000  }
0xb0: {  	[tilespmem:s7], [sflag:$0x2] =	stream.indirect.gather [hbm4b:s1+s5], $0x80, s17, s5, $0xb8;
	[tilespmem:$0x1D000] =	vst v63  }
0xb1: {  	_ =	swait.ge [sflag:s12], $0x1000  }
0xb2: {  	[sflag:s12] =	ssyncset.done $0x0  }
0xb3: {  	s17 =	sadd.s32 $0x2840, s16;
	[sflag:s12] =	ssyncadd.s32 $0xFFFFF000  }
0xb4: {  	[spmem:s3] =	stream.indirect.scatter.add.f32 [tilespmem:s8], [sflag:$0x5], $0x80, s17, s5, $0xb8;
	[tilespmem:$0x1D000] =	vst v63  }
0xb5: {  	_ =	swait.ge [sflag:s0], $0x1000  }
0xb6: {  	[sflag:s0] =	ssyncset.done $0x0  }
0xb7: {  	s17 =	sadd.s32 $0xC0, s16;
	[sflag:s0] =	ssyncadd.s32 $0xFFFFF000  }
0xb8: {  	[tilespmem:s8], [sflag:$0x3] =	stream.indirect.gather [hbm4b:s1+s5], $0x80, s17, s5, $0xb8;
	[tilespmem:$0x1D000] =	vst v63  }
0xb9: {  	_ =	swait.ge [sflag:s13], $0x1000  }
0xba: {  	[sflag:s13] =	ssyncset.done $0x0  }
.Ltmp0:
0xbb: {  	s17 =	sadd.s32 $0x2860, s16;
	[sflag:s13] =	ssyncadd.s32 $0xFFFFF000;
	(pc) =	sbr.rel @p0 .LBB2_2-.Ltmp0, $4  }
0xbc: {  	[spmem:s3] =	stream.indirect.scatter.add.f32 [tilespmem:s9], [sflag:$0x5], $0x80, s17, s5, $0xb8;
	[tilespmem:$0x1D000] =	vst v63  }
0xbd: {  	_ =	swait.ge [sflag:s0], $0x1000  }
0xbe: {  	[sflag:s0] =	ssyncset.done $0x0  }
0xbf: {  	s16 =	sadd.s32 $0xE0, s16;
	[sflag:s0] =	ssyncadd.s32 $0xFFFFF000  }
0xc0: {  	[tilespmem:s9], [sflag:$0x4] =	stream.indirect.gather [hbm4b:s1+s5], $0x80, s16, s5, $0xb8;
	[tilespmem:$0x1D000] =	vst v63  }
0xc1: {  	_ =	swait.ge [sflag:s10], $0x1000  }
0xc2: {  	[sflag:s10] =	ssyncset.done $0x0  }
0xc3: {  	s15 =	simm.s32 $0x4F80;
	[sflag:s10] =	ssyncadd.s32 $0xFFFFF000  }
0xc4: {  	[spmem:s3] =	stream.indirect.scatter.add.f32 [tilespmem:s2], [sflag:$0x5], $0x80, s15, s5, $0xb8;
	[tilespmem:$0x1D000] =	vst v63  }
0xc5: {  	_ =	swait.ge [sflag:s0], $0x1000  }
0xc6: {  	[sflag:s0] =	ssyncset.done $0x0  }
0xc7: {  	[sflag:s0] =	ssyncadd.s32 $0xFFFFF000  }
0xc8: {  	_ =	swait.ge [sflag:s11], $0x1000  }
0xc9: {  	[sflag:s11] =	ssyncset.done $0x0  }
0xca: {  	s17 =	simm.s32 $0x4FA0;
	[sflag:s11] =	ssyncadd.s32 $0xFFFFF000  }
0xcb: {  	[spmem:s3] =	stream.indirect.scatter.add.f32 [tilespmem:s7], [sflag:$0x5], $0x80, s17, s5, $0xb8;
	[tilespmem:$0x1D000] =	vst v63  }
0xcc: {  	_ =	swait.ge [sflag:s0], $0x1000  }
0xcd: {  	[sflag:s0] =	ssyncset.done $0x0  }
0xce: {  	[sflag:s0] =	ssyncadd.s32 $0xFFFFF000  }
0xcf: {  	_ =	swait.ge [sflag:s12], $0x1000  }
0xd0: {  	[sflag:s12] =	ssyncset.done $0x0  }
0xd1: {  	s16 =	simm.s32 $0x4FC0;
	[sflag:s12] =	ssyncadd.s32 $0xFFFFF000  }
0xd2: {  	[spmem:s3] =	stream.indirect.scatter.add.f32 [tilespmem:s8], [sflag:$0x5], $0x80, s16, s5, $0xb8;
	[tilespmem:$0x1D000] =	vst v63  }
0xd3: {  	_ =	swait.ge [sflag:s0], $0x1000  }
0xd4: {  	[sflag:s0] =	ssyncset.done $0x0  }
0xd5: {  	[sflag:s0] =	ssyncadd.s32 $0xFFFFF000  }
0xd6: {  	_ =	swait.ge [sflag:s13], $0x1000  }
0xd7: {  	[sflag:s13] =	ssyncset.done $0x0  }
0xd8: {  	s17 =	simm.s32 $0x4FE0;
	[sflag:s13] =	ssyncadd.s32 $0xFFFFF000  }
0xd9: {  	[spmem:s3] =	stream.indirect.scatter.add.f32 [tilespmem:s9], [sflag:$0x5], $0x80, s17, s5, $0xb8;
	[tilespmem:$0x1D000] =	vst v63  }
0xda: {  	_ =	swait.ge [sflag:s0], $0x1000  }
0xdb: {  	[sflag:s0] =	ssyncset.done $0x0  }
0xdc: {  	s16 =	stileid.u32;
	[sflag:s0] =	ssyncadd.s32 $0xFFFFF000  }
0xdd: {  	s15 =	sshll.u32 s16, $0x6;
	[bflag:$0x0] =	sbarrier.arrive $0xFFFF  }
0xde: {  	s15 =	sor.u32 $0x1C05, s15;
	s17 =	rddreg [dreg:$0x7]  }
0xdf: {  	[hbm:s17], [sflag:s15] =	dma.local [spmem:s25], $0x2780  }
0xe0: {  	_ =	swait.ge [sflag:s0], $0x2780  }
0xe1: {  	s14 =	sadd.s32 $0x1, s14;
	s17 =	rddreg [dreg:$0x8]  }
0xe2: {  	p0 =	sne.s32 s14, s17  }
.Ltmp1:
0xe3: {  	_ = 	snop;
	(pc) =	sbr.rel @p0 .LBB2_1-.Ltmp1, $3  }
0xe4: {  	_ =	sdelay $0x1  }
0xe5: {  	[sflag:s0] =	ssyncset.done $0x0  }
0xe6: {  	[sflag:s0] =	ssyncadd.s32 $0xFFFFD880  }
0xe7: {  	_ =	sfence.sel $0x180000  }
0xe8: {  	[bflag:$0x0] =	sbarrier.arrive $0xFFFF  }
0xe9: {  	_ =	strace $0x9000004A  }
0xea: {  	s0 =	stileid.u32;
	[bflag:$0x2] =	sbarrier.arrive $0xFFFF  }
0xeb: {  	p0 =	sne.s32 s0, $0x0;
	s0 =	rddreg [dreg:$0x3]  }
0xec: {  	s0 =	sadd.s32 @!p0 $0x100000, s0  }
0xed: {  	[sflag:s0] =	ssyncadd.tile.s32 @!p0 $0x1;
	_ =	shalt  }
.Lfunc_end2:
_tile_overlayer_lowered:
.L_overlay_start_2:
0xee: {  	(tag) =	ssettag $0x2  }
0xef: {  	s0 =	rddreg [dreg:$0x0];
	s2 =	stileid.u32  }
0xf0: {  	s1 =	rddreg [dreg:$0x1];
	p0 =	sne.s32 s2, $0x0  }
0xf1: {  	s3 =	rddreg [dreg:$0x2];
	[bflag:$0x3] =	sbarrier.arrive $0xFFFF;
	s2 =	simm.s32 @!p0 $0x1C05  }
0xf2: {  	[timem:s3], [sflag:s2] =	dma.local @!p0 [hbm:s0], s1  }
0xf3: {  	s0 =	simm.s32 @!p0 $0x5  }
0xf4: {  	_ =	swait.ge @!p0 [sflag:s0], s1  }
0xf5: {  	s1 =	ssub.s32 @!p0 $0x0, s1;
	[sflag:s0] =	ssyncset.done @!p0 $0x0  }
0xf6: {  	[sflag:s0] =	ssyncadd.s32 @!p0 s1  }
0xf7: {  	[bflag:$0x3] =	sbarrier.arrive $0xFFFF  }
0xf8: {  	_ =	shalt  }

// kernel: kernel.15.cloned.1.call-start
scs
__scs_entry_jumppad:
0x0: {  	(pc) =	sbr.rel $0x88, $3  }
0x1: {  	(tag) =	ssettag $0x0;
	lr =	simm.s32 $0x1  }
0x2: {  	[smem:$0x3F97] =	sst lr;
	_ =	strace $0xD0000000  }
0x3: {  	_ = 	snop  }
0x4: {  	_ = 	snop  }
0x5: {  	_ = 	snop  }
0x6: {  	_ = 	snop  }
0x7: {  	_ = 	snop  }
__scs_overlays_trampoline_lowered:
0x8: {  	[smem:$0x3FA6] =	sst s0  }
0x9: {  	[smem:$0x3FA7] =	sst s1  }
0xa: {  	[smem:$0x3FA8] =	sst s2  }
0xb: {  	[smem:$0x3FA9] =	sst s3  }
0xc: {  	[smem:$0x3FAA] =	sst s4  }
0xd: {  	[smem:$0x3FAB] =	sst s5  }
0xe: {  	[smem:$0x3FAC] =	sst s6  }
0xf: {  	[smem:$0x3FAD] =	sst s7  }
0x10: {  	[smem:$0x3FAE] =	sst s8  }
0x11: {  	[smem:$0x3FAF] =	sst s9;
	s0 =	simm.s32 @!p0 $0x0  }
0x12: {  	s1 =	sld [smem:$0x3F95];
	s0 =	simm.s32 @p0 $0x1  }
0x13: {  	[smem:$0x3FB0] =	sst s0;
	s0 =	simm.s32 @!p1 $0x0  }
0x14: {  	s2 =	sld [smem:$0x3F94];
	s0 =	simm.s32 @p1 $0x1  }
0x15: {  	[smem:$0x3FB1] =	sst s0;
	s0 =	simm.s32 @!p2 $0x0  }
0x16: {  	s3 =	sld [smem:$0x3FDB];
	s0 =	simm.s32 @p2 $0x1  }
0x17: {  	s4 =	simm.s32 $0x1BF5;
	[smem:$0x3FB3] =	sst s0  }
0x18: {  	s0 =	sld [smem:$0x3F96];
	_ =	swait.ge [sflag:s4], $0x0  }
0x19: {  	s7 =	sld [smem:$0x3F97]  }
0x1a: {  	s8 =	sadd.s32 $0xFFFFE003, lr  }
0x1b: {  	s9 =	sadd.s32 $0xFFFFFEF7, lr;
	s5 =	simm.s32 $0xFFFFFFFF;
	p2 =	slt.u32 s8, $0xFFFFF086  }
0x1c: {  	p1 =	slt.u32 s9, $0xF7A;
	s5 =	simm.s32 @!p2 $0x0  }
0x1d: {  	s5 =	simm.s32 @p1 $0x1;
	p0 =	seq.s32 s7, s2  }
0x1e: {  	s7 =	smul.u32 @!p0 $0xF7A, s2;
	p2 =	seq.s32 @!p0 s5, $0x0  }
0x1f: {  	s9 =	smul.u32 $0xF7A, s1;
	s8 =	simm.s32 @!p0 $0x1BF5;
	p2 =	por !p2, p0  }
0x20: {  	[sflag:s8] =	ssyncset.s32 @!p0 $0xFFFFF086;
	s6 =	sadd.s32 @!p0 s3, s7;
	s7 =	simm.s32 @!p0 $0x108  }
0x21: {  	s3 =	sadd.s32 s3, s9;
	s6 =	sadd.s32 @!p0 $0x88, s6;
	s7 =	simm.s32 @p2 $0x1082  }
0x22: {  	[simem:s7], [sflag:s8] =	dma.local @!p0 [hbm:s6], $0xF7A  }
0x23: {  	s9 =	sor.u32 $0xD0000000, s2;
	s6 =	simm.s32 $0x108;
	_ =	swait.ge @!p0 [sflag:s8], $0x0  }
0x24: {  	s3 =	sadd.s32 $0x88, s3;
	s6 =	simm.s32 @!p1 $0x1082;
	[sflag:s4] =	ssyncset.s32 $0xFFFFF086  }
0x25: {  	[simem:s6], [sflag:s4] =	dma.local [hbm:s3], $0xF7A  }
0x26: {  	[smem:$0x3F97] =	sst s1;
	(tag) =	ssettag s2;
	_ =	strace s9  }
0x27: {  	s1 =	sld [smem:$0x3FA7]  }
0x28: {  	s2 =	sld [smem:$0x3FA8]  }
0x29: {  	s4 =	sld [smem:$0x3FAA]  }
0x2a: {  	p0 =	seq.s32 s5, $0x0;
	s5 =	sld [smem:$0x3FAB]  }
0x2b: {  	s6 =	sld [smem:$0x3FAC]  }
0x2c: {  	s7 =	sld [smem:$0x3FAD]  }
0x2d: {  	s3 =	simm.s32 $0x108;
	s8 =	sld [smem:$0x3FAE]  }
0x2e: {  	s3 =	simm.s32 @!p0 $0x1082;
	s9 =	sld [smem:$0x3FAF]  }
0x2f: {  	lr =	sadd.s32 s0, s3;
	s0 =	sld [smem:$0x3FA6]  }
0x30: {  	s3 =	sld [smem:$0x3FA9]  }
0x31: {  	[smem:$0x3FB2] =	sst s10  }
0x32: {  	s10 =	sld [smem:$0x3FB0];
	_ =	sdelay $0x3  }
0x33: {  	p0 =	seq.s32 s10, $0x1;
	s10 =	sld [smem:$0x3FB2];
	_ =	sdelay $0x3  }
0x34: {  	[smem:$0x3FB2] =	sst s10  }
0x35: {  	s10 =	sld [smem:$0x3FB1];
	_ =	sdelay $0x3  }
0x36: {  	p1 =	seq.s32 s10, $0x1;
	s10 =	sld [smem:$0x3FB2];
	_ =	sdelay $0x3  }
0x37: {  	[smem:$0x3FB2] =	sst s10  }
0x38: {  	s10 =	sld [smem:$0x3FB3]  }
0x39: {  	_ = 	snop;
	(pc) =	sbr.ind lr, $3  }
0x3a: {  	_ = 	snop  }
0x3b: {  	_ = 	snop  }
0x3c: {  	p2 =	seq.s32 s10, $0x1;
	s10 =	sld [smem:$0x3FB2]  }
0x3d: {  	_ =	shalt  }
0x3e: {  	_ =	shalt  }
0x3f: {  	_ =	shalt  }
0x40: {  	_ =	shalt  }
0x41: {  	_ =	shalt  }
0x42: {  	_ =	shalt  }
0x43: {  	_ =	shalt  }
0x44: {  	_ =	shalt  }
0x45: {  	_ =	shalt  }
0x46: {  	_ =	shalt  }
0x47: {  	_ =	shalt  }
0x48: {  	_ =	shalt  }
0x49: {  	_ =	shalt  }
0x4a: {  	_ =	shalt  }
0x4b: {  	_ =	shalt  }
0x4c: {  	_ =	shalt  }
0x4d: {  	_ =	shalt  }
0x4e: {  	_ =	shalt  }
0x4f: {  	_ =	shalt  }
0x50: {  	_ =	shalt  }
0x51: {  	_ =	shalt  }
0x52: {  	_ =	shalt  }
0x53: {  	_ =	shalt  }
0x54: {  	_ =	shalt  }
0x55: {  	_ =	shalt  }
0x56: {  	_ =	shalt  }
0x57: {  	_ =	shalt  }
0x58: {  	_ =	shalt  }
0x59: {  	_ =	shalt  }
0x5a: {  	_ =	shalt  }
0x5b: {  	_ =	shalt  }
0x5c: {  	_ =	shalt  }
0x5d: {  	_ =	shalt  }
0x5e: {  	_ =	shalt  }
0x5f: {  	_ =	shalt  }
0x60: {  	_ =	shalt  }
0x61: {  	_ =	shalt  }
0x62: {  	_ =	shalt  }
0x63: {  	_ =	shalt  }
0x64: {  	_ =	shalt  }
0x65: {  	_ =	shalt  }
0x66: {  	_ =	shalt  }
0x67: {  	_ =	shalt  }
0x68: {  	_ =	shalt  }
0x69: {  	_ =	shalt  }
0x6a: {  	_ =	shalt  }
0x6b: {  	_ =	shalt  }
0x6c: {  	_ =	shalt  }
0x6d: {  	_ =	shalt  }
0x6e: {  	_ =	shalt  }
0x6f: {  	_ =	shalt  }
0x70: {  	_ =	shalt  }
0x71: {  	_ =	shalt  }
0x72: {  	_ =	shalt  }
0x73: {  	_ =	shalt  }
0x74: {  	_ =	shalt  }
0x75: {  	_ =	shalt  }
0x76: {  	_ =	shalt  }
0x77: {  	_ =	shalt  }
0x78: {  	_ =	shalt  }
0x79: {  	_ =	shalt  }
0x7a: {  	_ =	shalt  }
0x7b: {  	_ =	shalt  }
0x7c: {  	_ =	shalt  }
0x7d: {  	_ =	shalt  }
0x7e: {  	_ =	shalt  }
0x7f: {  	_ =	shalt  }
0x80: {  	_ =	shalt  }
0x81: {  	_ =	shalt  }
0x82: {  	_ =	shalt  }
0x83: {  	_ =	shalt  }
0x84: {  	_ =	shalt  }
0x85: {  	_ =	shalt  }
0x86: {  	_ =	shalt  }
0x87: {  	_ =	shalt  }
.Lfunc_end0:
.L_simem_size_0:
called_computation.2_lowered:
.L_overlay_start_0:
0x88: {  	s2 =	sld [smem:$0x3FD9]  }
0x89: {  	s3 =	sld [smem:$0x3FFE];
	_ =	sdelay $0x1  }
0x8a: {  	s1 =	srdreg.scid  }
0x8b: {  	s0 =	sand.u32 $0x1, s1  }
0x8c: {  	s17 =	sshll.u32 s0, $0xA;
	s2 =	sadd.s32 s3, s2  }
0x8d: {  	s2 =	sadd.s32 s2, s17  }
0x8e: {  	[smem:$0x3FBE] =	sst s2  }
0x8f: {  	_ = 	snop  }
0x90: {  	s2 =	sld [smem:$0x3FD0];
	(tm) =	ssettm $0x1  }
0x91: {  	s18 =	sld [smem:$0x3FFB];
	_ =	sdelay $0x3  }
0x92: {  	_ =	strace s18  }
0x93: {  	s3 =	sld [smem:$0x3FFC];
	_ =	sdelay $0x3  }
0x94: {  	_ =	strace s3  }
0x95: {  	s3 =	sld [smem:$0x3FFD];
	_ =	sdelay $0x3  }
0x96: {  	_ =	strace s3  }
0x97: {  	_ =	strace $0x8FFFFFFF  }
0x98: {  	s19 =	sld [smem:$0x3FDB];
	_ =	sdelay $0x1  }
0x99: {  	s4 =	simm.s32 $_scs_section_size  }
0x9a: {  	s5 =	simm.s32 $_size__tile_overlayer_lowered;
	s6 =	simm.s32 $_tile_overlayer_lowered  }
0x9b: {  	s22 =	simm.s32 $0x1BFF;
	s21 =	sshll.u32 s6, $0x1;
	s3 =	sadd.s32 s4, s19  }
0x9c: {  	s7 =	simm.s32 $0x0;
	s20 =	sshll.u32 s5, $0x1;
	s5 =	sadd.s32 s21, s3  }
0x9d: {  	[timem:s7], [sflag:s22] =	dma.local [hbm:s5], s20  }
0x9e: {  	_ =	swait.ge [sflag:s22], s20  }
0x9f: {  	s4 =	ssub.s32 $0x0, s20;
	[sflag:s22] =	ssyncset.done $0x0  }
0xa0: {  	[sflag:s22] =	ssyncadd.s32 s4;
	_ =	sdelay $0x1  }
0xa1: {  	s23 =	simm.s32 $0x1B8B  }
0xa2: {  	_ =	swait.ge [sflag:s23], $0x1  }
0xa3: {  	[sflag:s23] =	ssyncset.done $0x0  }
0xa4: {  	s25 =	simm.s32 $0x1B8E;
	s24 =	sld [smem:$0x3FFE];
	[sflag:s23] =	ssyncadd.s32 $0xFFFFFFFF  }
0xa5: {  	s26 =	simm.s32 $execute0_lowered;
	[smem:$0x3FD2] =	sst s25  }
0xa6: {  	s5 =	sshll.u32 s26, $0x1;
	_ =	strace $0x8000004C;
	[dreg:$0x1] =	wrdreg $0xFFFFFFFF  }
0xa7: {  	s28 =	simm.s32 $_size_execute0_lowered;
	s3 =	sadd.s32 s3, s5;
	[dreg:$0x0] =	wrdreg $0x0  }
0xa8: {  	s5 =	sshll.u32 s28, $0x1;
	[dreg:$0x2] =	wrdreg s3  }
0xa9: {  	[dreg:$0x3] =	wrdreg s5  }
0xaa: {  	[dreg:$0x4] =	wrdreg $0xC0  }
0xab: {  	_ =	task [dreg:s7], $0x5FFFF  }
0xac: {  	[dreg:$0x1] =	wrdreg $0xFFFFFFFF  }
0xad: {  	[dreg:$0x0] =	wrdreg $0x60  }
0xae: {  	[dreg:$0x2] =	wrdreg s2  }
0xaf: {  	[dreg:$0x3] =	wrdreg s24  }
0xb0: {  	[dreg:$0x4] =	wrdreg $0x90000  }
0xb1: {  	[dreg:$0x5] =	wrdreg $0x9  }
0xb2: {  	_ =	task.clear_ibuf [dreg:s7], $0x6FFFF;
	_ =	strace $0x9000004C  }
0xb3: {  	s29 =	simm.s32 $0x9;
	_ =	strace $0x8000004E  }
0xb4: {  	_ =	swait.ge [sflag:s29], $0x1  }
0xb5: {  	[sflag:s29] =	ssyncadd.s32 $0xFFFFFFFF  }
0xb6: {  	_ =	strace $0x9000004E  }
0xb7: {  	_ =	sfence  }
0xb8: {  	s30 =	sld [smem:$0x0];
	_ =	sdelay $0x2  }
0xb9: {  	s31 =	sshll.u32 s1, $0xD;
	s1 =	sshrl.u32 s1, $0x2  }
0xba: {  	s3 =	sand.u32 $0x4000, s31;
	s1 =	sadd.s32 s1, s30  }
0xbb: {  	s0 =	sor.u32 s3, s0;
	s1 =	sshll.u32 s1, $0x11  }
0xbc: {  	s0 =	sor.u32 s1, s0  }
0xbd: {  	s0 =	sadd.s32 $0x8F2B, s0  }
0xbe: {  	[sflag:s0] =	ssyncadd.remote.s32 $0x1  }
0xbf: {  	_ =	sfence.sel $0xFFFF  }
0xc0: {  	[dreg:$0x0] =	wrdreg $0xFFFFFFFF;
	(pc) =	sbr.abs _section_cstart, $3  }
0xc1: {  	[dreg:$0x1] =	wrdreg $0xFFFFFFFF  }
0xc2: {  	_ =	task.clear_ibuf [dreg:s7], $0x2FFFF;
	_ =	strace $0x9FFFFFFF  }
0xc3: {  	(tm) =	ssettm $0x7FFFFFFF  }
tec
execute0_lowered:
.L_overlay_start_1:
0x0: {  	(tag) =	ssettag $0x1  }
0x1: {  	s1 =	rddreg [dreg:$0x0]  }
0x2: {  	s0 =	srdreg.scid;
	s5 =	rddreg [dreg:$0x1]  }
0x3: {  	s9 =	stileid.u32;
	s3 =	rddreg [dreg:$0x2];
	s4 =	simm.s32 $0x0  }
0x4: {  	s10 =	simm.s32 $0x1;
	s0 =	sand.u32 $0x1, s0;
	s7 =	smul.u32 $0x13C00, s9  }
0x5: {  	s2 =	sshll.u32 s9, $0x1;
	[smem:$0x7FF] =	sst s4;
	s11 =	smul.u32 $0x50000, s9  }
0x6: {  	s8 =	sadd.s32 $0x67000, s5;
	s9 =	smul.u32 $0x4F000, s9;
	s2 =	sor.u32 s0, s2  }
0x7: {  	s6 =	smul.u32 $0x13C000, s0;
	_ =	strace $0x8000004D;
	[dreg:$0x4] =	wrdreg s8  }
0x8: {  	s0 =	ssub.s32 $0x2, s0;
	s8 =	simm.s32 $0x7000;
	s2 =	smul.u32 $0x500, s2  }
0x9: {  	s12 =	sshrl.u32 s0, $0x1;
	s13 =	sshrl.u32 s11, $0x2;
	s15 =	sshrl.u32 s9, $0x2  }
0xa: {  	s9 =	simm.s32 $0x8000;
	s11 =	simm.s32 $0x2;
	s6 =	sadd.s32 s7, s6  }
0xb: {  	s0 =	ssub.s32 s0, s12;
	s17 =	sadd.s32 s15, s3;
	s7 =	simm.s32 $0x6000  }
0xc: {  	s12 =	simm.s32 $0x3;
	s2 =	sadd.s32 s2, s5;
	s6 =	sshrl.u32 s6, $0x3  }
0xd: {  	s0 =	smax.u32 s0, $0x1;
	s5 =	sadd.s32 s6, s5;
	s6 =	sadd.s32 s13, s3  }
0xe: {  	s14 =	sadd.s32 $0x5D000, s2;
	s2 =	sadd.s32 $0x3800, s2;
	[dreg:$0x8] =	wrdreg s0  }
0xf: {  	s0 =	simm.s32 $0x5;
	s13 =	simm.s32 $0x4;
	[dreg:$0x5] =	wrdreg s14  }
0x10: {  	[dreg:$0x6] =	wrdreg s2;
	s16 =	sadd.s32 $0x67200, s5;
	s20 =	sadd.s32 $0x1000, s6  }
0x11: {  	s21 =	sadd.s32 $0x2000, s6;
	s22 =	sadd.s32 $0x3000, s6;
	[dreg:$0x7] =	wrdreg s16  }
0x12: {  	s23 =	sadd.s32 $0x4000, s6;
	s24 =	sadd.s32 $0x5000, s6;
	[dreg:$0x9] =	wrdreg s20  }
0x13: {  	s25 =	sadd.s32 $0x6000, s6;
	s26 =	sadd.s32 $0x7000, s6;
	[dreg:$0xa] =	wrdreg s21  }
0x14: {  	s18 =	sadd.s32 $0x8000, s6;
	s19 =	sadd.s32 $0x9000, s6;
	[dreg:$0xb] =	wrdreg s22  }
0x15: {  	s28 =	sadd.s32 $0x10000, s6;
	s29 =	sadd.s32 $0x11000, s6;
	[dreg:$0xc] =	wrdreg s23  }
0x16: {  	s30 =	sadd.s32 $0x12000, s6;
	s31 =	sadd.s32 $0x13000, s6;
	[dreg:$0xd] =	wrdreg s24  }
0x17: {  	s2 =	simm.s32 $0x5000;
	s5 =	simm.s32 $0x20;
	[dreg:$0xe] =	wrdreg s25  }
0x18: {  	s14 =	simm.s32 $0x0;
	[dreg:$0xf] =	wrdreg s26;
	s20 =	sadd.s32 $0xA000, s6  }
0x19: {  	s21 =	sadd.s32 $0xB000, s6;
	s22 =	sadd.s32 $0xC000, s6;
	s23 =	sadd.s32 $0xD000, s6  }
0x1a: {  	s24 =	sadd.s32 $0xE000, s6;
	s25 =	sshrl.u32 s17, $0x3;
	s26 =	sadd.s32 $0xF000, s6  }
.LBB2_1:
0x1b: {  	s15 =	rddreg [dreg:$0x4]  }
0x1c: {  	[tilespmem:s2], [sflag:$0x5] =	stream.linear.gather [hbm4b:s15+s4], $0x1000, $0x38;
	[tilespmem:$0x1D000] =	vst v63  }
0x1d: {  	_ =	swait.ge [sflag:s0], $0x1000  }
0x1e: {  	[sflag:s0] =	ssyncset.done $0x0  }
0x1f: {  	[sflag:s0] =	ssyncadd.s32 $0xFFFFF000  }
0x20: {  	[spmem:s6] =	stream.linear.scatter [tilespmem:s2], [sflag:$0x5], $0x1000, $0x38;
	[tilespmem:$0x1D000] =	vst v63  }
0x21: {  	_ =	swait.ge [sflag:s0], $0x1000  }
0x22: {  	[sflag:s0] =	ssyncset.done $0x0  }
0x23: {  	s17 =	rddreg [dreg:$0x9];
	[sflag:s0] =	ssyncadd.s32 $0xFFFFF000  }
0x24: {  	[spmem:s17] =	stream.linear.scatter [tilespmem:s2], [sflag:$0x5], $0x1000, $0x38;
	[tilespmem:$0x1D000] =	vst v63  }
0x25: {  	_ =	swait.ge [sflag:s0], $0x1000  }
0x26: {  	[sflag:s0] =	ssyncset.done $0x0  }
0x27: {  	s16 =	rddreg [dreg:$0xa];
	[sflag:s0] =	ssyncadd.s32 $0xFFFFF000  }
0x28: {  	[spmem:s16] =	stream.linear.scatter [tilespmem:s2], [sflag:$0x5], $0x1000, $0x38;
	[tilespmem:$0x1D000] =	vst v63  }
0x29: {  	_ =	swait.ge [sflag:s0], $0x1000  }
0x2a: {  	[sflag:s0] =	ssyncset.done $0x0  }
0x2b: {  	s17 =	rddreg [dreg:$0xb];
	[sflag:s0] =	ssyncadd.s32 $0xFFFFF000  }
0x2c: {  	[spmem:s17] =	stream.linear.scatter [tilespmem:s2], [sflag:$0x5], $0x1000, $0x38;
	[tilespmem:$0x1D000] =	vst v63  }
0x2d: {  	_ =	swait.ge [sflag:s0], $0x1000  }
0x2e: {  	[sflag:s0] =	ssyncset.done $0x0  }
0x2f: {  	s16 =	rddreg [dreg:$0xc];
	[sflag:s0] =	ssyncadd.s32 $0xFFFFF000  }
0x30: {  	[spmem:s16] =	stream.linear.scatter [tilespmem:s2], [sflag:$0x5], $0x1000, $0x38;
	[tilespmem:$0x1D000] =	vst v63  }
0x31: {  	_ =	swait.ge [sflag:s0], $0x1000  }
0x32: {  	[sflag:s0] =	ssyncset.done $0x0  }
0x33: {  	s17 =	rddreg [dreg:$0xd];
	[sflag:s0] =	ssyncadd.s32 $0xFFFFF000  }
0x34: {  	[spmem:s17] =	stream.linear.scatter [tilespmem:s2], [sflag:$0x5], $0x1000, $0x38;
	[tilespmem:$0x1D000] =	vst v63  }
0x35: {  	_ =	swait.ge [sflag:s0], $0x1000  }
0x36: {  	[sflag:s0] =	ssyncset.done $0x0  }
0x37: {  	s16 =	rddreg [dreg:$0xe];
	[sflag:s0] =	ssyncadd.s32 $0xFFFFF000  }
0x38: {  	[spmem:s16] =	stream.linear.scatter [tilespmem:s2], [sflag:$0x5], $0x1000, $0x38;
	[tilespmem:$0x1D000] =	vst v63  }
0x39: {  	_ =	swait.ge [sflag:s0], $0x1000  }
0x3a: {  	[sflag:s0] =	ssyncset.done $0x0  }
0x3b: {  	s17 =	rddreg [dreg:$0xf];
	[sflag:s0] =	ssyncadd.s32 $0xFFFFF000  }
0x3c: {  	[spmem:s17] =	stream.linear.scatter [tilespmem:s2], [sflag:$0x5], $0x1000, $0x38;
	[tilespmem:$0x1D000] =	vst v63  }
0x3d: {  	_ =	swait.ge [sflag:s0], $0x1000  }
0x3e: {  	[sflag:s0] =	ssyncset.done $0x0  }
0x3f: {  	[sflag:s0] =	ssyncadd.s32 $0xFFFFF000  }
0x40: {  	[spmem:s18] =	stream.linear.scatter [tilespmem:s2], [sflag:$0x5], $0x1000, $0x38;
	[tilespmem:$0x1D000] =	vst v63  }
0x41: {  	_ =	swait.ge [sflag:s0], $0x1000  }
0x42: {  	[sflag:s0] =	ssyncset.done $0x0  }
0x43: {  	[sflag:s0] =	ssyncadd.s32 $0xFFFFF000  }
0x44: {  	[spmem:s19] =	stream.linear.scatter [tilespmem:s2], [sflag:$0x5], $0x1000, $0x38;
	[tilespmem:$0x1D000] =	vst v63  }
0x45: {  	_ =	swait.ge [sflag:s0], $0x1000  }
0x46: {  	[sflag:s0] =	ssyncset.done $0x0  }
0x47: {  	[sflag:s0] =	ssyncadd.s32 $0xFFFFF000  }
0x48: {  	[spmem:s20] =	stream.linear.scatter [tilespmem:s2], [sflag:$0x5], $0x1000, $0x38;
	[tilespmem:$0x1D000] =	vst v63  }
0x49: {  	_ =	swait.ge [sflag:s0], $0x1000  }
0x4a: {  	[sflag:s0] =	ssyncset.done $0x0  }
0x4b: {  	[sflag:s0] =	ssyncadd.s32 $0xFFFFF000  }
0x4c: {  	[spmem:s21] =	stream.linear.scatter [tilespmem:s2], [sflag:$0x5], $0x1000, $0x38;
	[tilespmem:$0x1D000] =	vst v63  }
0x4d: {  	_ =	swait.ge [sflag:s0], $0x1000  }
0x4e: {  	[sflag:s0] =	ssyncset.done $0x0  }
0x4f: {  	[sflag:s0] =	ssyncadd.s32 $0xFFFFF000  }
0x50: {  	[spmem:s22] =	stream.linear.scatter [tilespmem:s2], [sflag:$0x5], $0x1000, $0x38;
	[tilespmem:$0x1D000] =	vst v63  }
0x51: {  	_ =	swait.ge [sflag:s0], $0x1000  }
0x52: {  	[sflag:s0] =	ssyncset.done $0x0  }
0x53: {  	[sflag:s0] =	ssyncadd.s32 $0xFFFFF000  }
0x54: {  	[spmem:s23] =	stream.linear.scatter [tilespmem:s2], [sflag:$0x5], $0x1000, $0x38;
	[tilespmem:$0x1D000] =	vst v63  }
0x55: {  	_ =	swait.ge [sflag:s0], $0x1000  }
0x56: {  	[sflag:s0] =	ssyncset.done $0x0  }
0x57: {  	[sflag:s0] =	ssyncadd.s32 $0xFFFFF000  }
0x58: {  	[spmem:s24] =	stream.linear.scatter [tilespmem:s2], [sflag:$0x5], $0x1000, $0x38;
	[tilespmem:$0x1D000] =	vst v63  }
0x59: {  	_ =	swait.ge [sflag:s0], $0x1000  }
0x5a: {  	[sflag:s0] =	ssyncset.done $0x0  }
0x5b: {  	[sflag:s0] =	ssyncadd.s32 $0xFFFFF000  }
0x5c: {  	[spmem:s26] =	stream.linear.scatter [tilespmem:s2], [sflag:$0x5], $0x1000, $0x38;
	[tilespmem:$0x1D000] =	vst v63  }
0x5d: {  	_ =	swait.ge [sflag:s0], $0x1000  }
0x5e: {  	[sflag:s0] =	ssyncset.done $0x0  }
0x5f: {  	[sflag:s0] =	ssyncadd.s32 $0xFFFFF000  }
0x60: {  	[spmem:s28] =	stream.linear.scatter [tilespmem:s2], [sflag:$0x5], $0x1000, $0x38;
	[tilespmem:$0x1D000] =	vst v63  }
0x61: {  	_ =	swait.ge [sflag:s0], $0x1000  }
0x62: {  	[sflag:s0] =	ssyncset.done $0x0  }
0x63: {  	[sflag:s0] =	ssyncadd.s32 $0xFFFFF000  }
0x64: {  	[spmem:s29] =	stream.linear.scatter [tilespmem:s2], [sflag:$0x5], $0x1000, $0x38;
	[tilespmem:$0x1D000] =	vst v63  }
0x65: {  	_ =	swait.ge [sflag:s0], $0x1000  }
0x66: {  	[sflag:s0] =	ssyncset.done $0x0  }
0x67: {  	[sflag:s0] =	ssyncadd.s32 $0xFFFFF000  }
0x68: {  	[spmem:s30] =	stream.linear.scatter [tilespmem:s2], [sflag:$0x5], $0x1000, $0x38;
	[tilespmem:$0x1D000] =	vst v63  }
0x69: {  	_ =	swait.ge [sflag:s0], $0x1000  }
0x6a: {  	[sflag:s0] =	ssyncset.done $0x0  }
0x6b: {  	[sflag:s0] =	ssyncadd.s32 $0xFFFFF000  }
0x6c: {  	[spmem:s31] =	stream.linear.scatter [tilespmem:s2], [sflag:$0x5], $0x1000, $0x38;
	[tilespmem:$0x1D000] =	vst v63  }
0x6d: {  	_ =	swait.ge [sflag:s0], $0x1000  }
0x6e: {  	[sflag:s0] =	ssyncset.done $0x0  }
0x6f: {  	s16 =	rddreg [dreg:$0x5];
	[sflag:s0] =	ssyncadd.s32 $0xFFFFF000  }
0x70: {  	[tilespmem:s4], [sflag:$0x5] =	stream.linear.gather [hbm4b:s16+s4], $0x2800, $0x38;
	[tilespmem:$0x1D000] =	vst v63  }
0x71: {  	_ =	swait.ge [sflag:s0], $0x2800  }
0x72: {  	[sflag:s0] =	ssyncset.done $0x0  }
0x73: {  	s16 =	simm.s32 $0x2800;
	s17 =	rddreg [dreg:$0x6];
	[sflag:s0] =	ssyncadd.s32 $0xFFFFD800  }
0x74: {  	[tilespmem:s16], [sflag:$0x5] =	stream.linear.gather [hbm4b:s17+s4], $0x2800, $0x38;
	[tilespmem:$0x1D000] =	vst v63  }
0x75: {  	_ =	swait.ge [sflag:s0], $0x2800  }
0x76: {  	[sflag:s0] =	ssyncset.done $0x0  }
0x77: {  	[sflag:s0] =	ssyncadd.s32 $0xFFFFD800  }
0x78: {  	[tilespmem:s2], [sflag:$0x1] =	stream.indirect.gather [hbm4b:s1+s5], $0x80, s4, s5, $0xb8;
	[tilespmem:$0x1D000] =	vst v63  }
0x79: {  	_ = 	snop  }
0x7a: {  	[tilespmem:s7], [sflag:$0x2] =	stream.indirect.gather [hbm4b:s1+s5], $0x80, s5, s5, $0xb8;
	[tilespmem:$0x1D000] =	vst v63  }
0x7b: {  	s17 =	simm.s32 $0x40  }
0x7c: {  	[tilespmem:s8], [sflag:$0x3] =	stream.indirect.gather [hbm4b:s1+s5], $0x80, s17, s5, $0xb8;
	[tilespmem:$0x1D000] =	vst v63  }
0x7d: {  	s16 =	simm.s32 $0x60  }
0x7e: {  	[tilespmem:s9], [sflag:$0x4] =	stream.indirect.gather [hbm4b:s1+s5], $0x80, s16, s5, $0xb8;
	[tilespmem:$0x1D000] =	vst v63  }
0x7f: {  	[bflag:$0x0] =	sbarrier.arrive $0xFFFF  }
0x80: {  	_ =	swait.ge [sflag:s10], $0x1000  }
0x81: {  	[sflag:s10] =	ssyncset.done $0x0  }
0x82: {  	s17 =	simm.s32 $0x2800;
	[sflag:s10] =	ssyncadd.s32 $0xFFFFF000  }
0x83: {  	[spmem:s3] =	stream.indirect.scatter.add.f32 [tilespmem:s2], [sflag:$0x5], $0x80, s17, s5, $0xb8;
	[tilespmem:$0x1D000] =	vst v63  }
0x84: {  	_ =	swait.ge [sflag:s0], $0x1000  }
0x85: {  	[sflag:s0] =	ssyncset.done $0x0  }
0x86: {  	s16 =	simm.s32 $0x80;
	[sflag:s0] =	ssyncadd.s32 $0xFFFFF000  }
0x87: {  	[tilespmem:s2], [sflag:$0x1] =	stream.indirect.gather [hbm4b:s1+s5], $0x80, s16, s5, $0xb8;
	[tilespmem:$0x1D000] =	vst v63  }
0x88: {  	_ =	swait.ge [sflag:s11], $0x1000  }
0x89: {  	[sflag:s11] =	ssyncset.done $0x0  }
0x8a: {  	s17 =	simm.s32 $0x2820;
	[sflag:s11] =	ssyncadd.s32 $0xFFFFF000  }
0x8b: {  	[spmem:s3] =	stream.indirect.scatter.add.f32 [tilespmem:s7], [sflag:$0x5], $0x80, s17, s5, $0xb8;
	[tilespmem:$0x1D000] =	vst v63  }
0x8c: {  	_ =	swait.ge [sflag:s0], $0x1000  }
0x8d: {  	[sflag:s0] =	ssyncset.done $0x0  }
0x8e: {  	s16 =	simm.s32 $0xA0;
	[sflag:s0] =	ssyncadd.s32 $0xFFFFF000  }
0x8f: {  	[tilespmem:s7], [sflag:$0x2] =	stream.indirect.gather [hbm4b:s1+s5], $0x80, s16, s5, $0xb8;
	[tilespmem:$0x1D000] =	vst v63  }
0x90: {  	_ =	swait.ge [sflag:s12], $0x1000  }
0x91: {  	[sflag:s12] =	ssyncset.done $0x0  }
0x92: {  	s17 =	simm.s32 $0x2840;
	[sflag:s12] =	ssyncadd.s32 $0xFFFFF000  }
0x93: {  	[spmem:s3] =	stream.indirect.scatter.add.f32 [tilespmem:s8], [sflag:$0x5], $0x80, s17, s5, $0xb8;
	[tilespmem:$0x1D000] =	vst v63  }
0x94: {  	_ =	swait.ge [sflag:s0], $0x1000  }
0x95: {  	[sflag:s0] =	ssyncset.done $0x0  }
0x96: {  	s16 =	simm.s32 $0xC0;
	[sflag:s0] =	ssyncadd.s32 $0xFFFFF000  }
0x97: {  	[tilespmem:s8], [sflag:$0x3] =	stream.indirect.gather [hbm4b:s1+s5], $0x80, s16, s5, $0xb8;
	[tilespmem:$0x1D000] =	vst v63  }
0x98: {  	_ =	swait.ge [sflag:s13], $0x1000  }
0x99: {  	[sflag:s13] =	ssyncset.done $0x0  }
0x9a: {  	s17 =	simm.s32 $0x2860;
	[sflag:s13] =	ssyncadd.s32 $0xFFFFF000  }
0x9b: {  	[spmem:s3] =	stream.indirect.scatter.add.f32 [tilespmem:s9], [sflag:$0x5], $0x80, s17, s5, $0xb8;
	[tilespmem:$0x1D000] =	vst v63  }
0x9c: {  	_ =	swait.ge [sflag:s0], $0x1000  }
0x9d: {  	[sflag:s0] =	ssyncset.done $0x0  }
0x9e: {  	s15 =	simm.s32 $0x200;
	s16 =	simm.s32 $0xE0;
	[sflag:s0] =	ssyncadd.s32 $0xFFFFF000  }
.LBB2_2:
0x9f: {  	[tilespmem:s9], [sflag:$0x4] =	stream.indirect.gather [hbm4b:s1+s5], $0x80, s16, s5, $0xb8;
	[tilespmem:$0x1D000] =	vst v63  }
0xa0: {  	s16 =	smov.u32 s15  }
0xa1: {  	p0 =	sne.s32 s15, $0x9C00;
	s15 =	sadd.s32 $0x200, s15;
	_ =	swait.ge [sflag:s10], $0x1000  }
0xa2: {  	s16 =	sshra.s32 s16, $0x2;
	[sflag:s10] =	ssyncset.done $0x0  }
0xa3: {  	s17 =	sadd.s32 $0x2800, s16;
	[sflag:s10] =	ssyncadd.s32 $0xFFFFF000  }
0xa4: {  	[spmem:s3] =	stream.indirect.scatter.add.f32 [tilespmem:s2], [sflag:$0x5], $0x80, s17, s5, $0xb8;
	[tilespmem:$0x1D000] =	vst v63  }
0xa5: {  	_ =	swait.ge [sflag:s0], $0x1000  }
0xa6: {  	[sflag:s0] =	ssyncset.done $0x0  }
0xa7: {  	s17 =	sadd.s32 $0x80, s16;
	[sflag:s0] =	ssyncadd.s32 $0xFFFFF000  }
0xa8: {  	[tilespmem:s2], [sflag:$0x1] =	stream.indirect.gather [hbm4b:s1+s5], $0x80, s17, s5, $0xb8;
	[tilespmem:$0x1D000] =	vst v63  }
0xa9: {  	_ =	swait.ge [sflag:s11], $0x1000  }
0xaa: {  	[sflag:s11] =	ssyncset.done $0x0  }
0xab: {  	s17 =	sadd.s32 $0x2820, s16;
	[sflag:s11] =	ssyncadd.s32 $0xFFFFF000  }
0xac: {  	[spmem:s3] =	stream.indirect.scatter.add.f32 [tilespmem:s7], [sflag:$0x5], $0x80, s17, s5, $0xb8;
	[tilespmem:$0x1D000] =	vst v63  }
0xad: {  	_ =	swait.ge [sflag:s0], $0x1000  }
0xae: {  	[sflag:s0] =	ssyncset.done $0x0  }
0xaf: {  	s17 =	sadd.s32 $0xA0, s16;
	[sflag:s0] =	ssyncadd.s32 $0xFFFFF000  }
0xb0: {  	[tilespmem:s7], [sflag:$0x2] =	stream.indirect.gather [hbm4b:s1+s5], $0x80, s17, s5, $0xb8;
	[tilespmem:$0x1D000] =	vst v63  }
0xb1: {  	_ =	swait.ge [sflag:s12], $0x1000  }
0xb2: {  	[sflag:s12] =	ssyncset.done $0x0  }
0xb3: {  	s17 =	sadd.s32 $0x2840, s16;
	[sflag:s12] =	ssyncadd.s32 $0xFFFFF000  }
0xb4: {  	[spmem:s3] =	stream.indirect.scatter.add.f32 [tilespmem:s8], [sflag:$0x5], $0x80, s17, s5, $0xb8;
	[tilespmem:$0x1D000] =	vst v63  }
0xb5: {  	_ =	swait.ge [sflag:s0], $0x1000  }
0xb6: {  	[sflag:s0] =	ssyncset.done $0x0  }
0xb7: {  	s17 =	sadd.s32 $0xC0, s16;
	[sflag:s0] =	ssyncadd.s32 $0xFFFFF000  }
0xb8: {  	[tilespmem:s8], [sflag:$0x3] =	stream.indirect.gather [hbm4b:s1+s5], $0x80, s17, s5, $0xb8;
	[tilespmem:$0x1D000] =	vst v63  }
0xb9: {  	_ =	swait.ge [sflag:s13], $0x1000  }
0xba: {  	[sflag:s13] =	ssyncset.done $0x0  }
.Ltmp0:
0xbb: {  	s17 =	sadd.s32 $0x2860, s16;
	[sflag:s13] =	ssyncadd.s32 $0xFFFFF000;
	(pc) =	sbr.rel @p0 .LBB2_2-.Ltmp0, $4  }
0xbc: {  	[spmem:s3] =	stream.indirect.scatter.add.f32 [tilespmem:s9], [sflag:$0x5], $0x80, s17, s5, $0xb8;
	[tilespmem:$0x1D000] =	vst v63  }
0xbd: {  	_ =	swait.ge [sflag:s0], $0x1000  }
0xbe: {  	[sflag:s0] =	ssyncset.done $0x0  }
0xbf: {  	s16 =	sadd.s32 $0xE0, s16;
	[sflag:s0] =	ssyncadd.s32 $0xFFFFF000  }
0xc0: {  	[tilespmem:s9], [sflag:$0x4] =	stream.indirect.gather [hbm4b:s1+s5], $0x80, s16, s5, $0xb8;
	[tilespmem:$0x1D000] =	vst v63  }
0xc1: {  	_ =	swait.ge [sflag:s10], $0x1000  }
0xc2: {  	[sflag:s10] =	ssyncset.done $0x0  }
0xc3: {  	s15 =	simm.s32 $0x4F80;
	[sflag:s10] =	ssyncadd.s32 $0xFFFFF000  }
0xc4: {  	[spmem:s3] =	stream.indirect.scatter.add.f32 [tilespmem:s2], [sflag:$0x5], $0x80, s15, s5, $0xb8;
	[tilespmem:$0x1D000] =	vst v63  }
0xc5: {  	_ =	swait.ge [sflag:s0], $0x1000  }
0xc6: {  	[sflag:s0] =	ssyncset.done $0x0  }
0xc7: {  	[sflag:s0] =	ssyncadd.s32 $0xFFFFF000  }
0xc8: {  	_ =	swait.ge [sflag:s11], $0x1000  }
0xc9: {  	[sflag:s11] =	ssyncset.done $0x0  }
0xca: {  	s17 =	simm.s32 $0x4FA0;
	[sflag:s11] =	ssyncadd.s32 $0xFFFFF000  }
0xcb: {  	[spmem:s3] =	stream.indirect.scatter.add.f32 [tilespmem:s7], [sflag:$0x5], $0x80, s17, s5, $0xb8;
	[tilespmem:$0x1D000] =	vst v63  }
0xcc: {  	_ =	swait.ge [sflag:s0], $0x1000  }
0xcd: {  	[sflag:s0] =	ssyncset.done $0x0  }
0xce: {  	[sflag:s0] =	ssyncadd.s32 $0xFFFFF000  }
0xcf: {  	_ =	swait.ge [sflag:s12], $0x1000  }
0xd0: {  	[sflag:s12] =	ssyncset.done $0x0  }
0xd1: {  	s16 =	simm.s32 $0x4FC0;
	[sflag:s12] =	ssyncadd.s32 $0xFFFFF000  }
0xd2: {  	[spmem:s3] =	stream.indirect.scatter.add.f32 [tilespmem:s8], [sflag:$0x5], $0x80, s16, s5, $0xb8;
	[tilespmem:$0x1D000] =	vst v63  }
0xd3: {  	_ =	swait.ge [sflag:s0], $0x1000  }
0xd4: {  	[sflag:s0] =	ssyncset.done $0x0  }
0xd5: {  	[sflag:s0] =	ssyncadd.s32 $0xFFFFF000  }
0xd6: {  	_ =	swait.ge [sflag:s13], $0x1000  }
0xd7: {  	[sflag:s13] =	ssyncset.done $0x0  }
0xd8: {  	s17 =	simm.s32 $0x4FE0;
	[sflag:s13] =	ssyncadd.s32 $0xFFFFF000  }
0xd9: {  	[spmem:s3] =	stream.indirect.scatter.add.f32 [tilespmem:s9], [sflag:$0x5], $0x80, s17, s5, $0xb8;
	[tilespmem:$0x1D000] =	vst v63  }
0xda: {  	_ =	swait.ge [sflag:s0], $0x1000  }
0xdb: {  	[sflag:s0] =	ssyncset.done $0x0  }
0xdc: {  	s16 =	stileid.u32;
	[sflag:s0] =	ssyncadd.s32 $0xFFFFF000  }
0xdd: {  	s15 =	sshll.u32 s16, $0x6;
	[bflag:$0x0] =	sbarrier.arrive $0xFFFF  }
0xde: {  	s15 =	sor.u32 $0x1C05, s15;
	s17 =	rddreg [dreg:$0x7]  }
0xdf: {  	[hbm:s17], [sflag:s15] =	dma.local [spmem:s25], $0x2780  }
0xe0: {  	_ =	swait.ge [sflag:s0], $0x2780  }
0xe1: {  	s14 =	sadd.s32 $0x1, s14;
	s17 =	rddreg [dreg:$0x8]  }
0xe2: {  	p0 =	sne.s32 s14, s17  }
.Ltmp1:
0xe3: {  	_ = 	snop;
	(pc) =	sbr.rel @p0 .LBB2_1-.Ltmp1, $3  }
0xe4: {  	_ =	sdelay $0x1  }
0xe5: {  	[sflag:s0] =	ssyncset.done $0x0  }
0xe6: {  	[sflag:s0] =	ssyncadd.s32 $0xFFFFD880  }
0xe7: {  	_ =	sfence.sel $0x180000  }
0xe8: {  	[bflag:$0x0] =	sbarrier.arrive $0xFFFF  }
0xe9: {  	_ =	strace $0x9000004D  }
0xea: {  	s0 =	stileid.u32;
	[bflag:$0x2] =	sbarrier.arrive $0xFFFF  }
0xeb: {  	p0 =	sne.s32 s0, $0x0;
	s0 =	rddreg [dreg:$0x3]  }
0xec: {  	s0 =	sadd.s32 @!p0 $0x100000, s0  }
0xed: {  	[sflag:s0] =	ssyncadd.tile.s32 @!p0 $0x1;
	_ =	shalt  }
.Lfunc_end2:
_tile_overlayer_lowered:
.L_overlay_start_2:
0xee: {  	(tag) =	ssettag $0x2  }
0xef: {  	s0 =	rddreg [dreg:$0x0];
	s2 =	stileid.u32  }
0xf0: {  	s1 =	rddreg [dreg:$0x1];
	p0 =	sne.s32 s2, $0x0  }
0xf1: {  	s3 =	rddreg [dreg:$0x2];
	[bflag:$0x3] =	sbarrier.arrive $0xFFFF;
	s2 =	simm.s32 @!p0 $0x1C05  }
0xf2: {  	[timem:s3], [sflag:s2] =	dma.local @!p0 [hbm:s0], s1  }
0xf3: {  	s0 =	simm.s32 @!p0 $0x5  }
0xf4: {  	_ =	swait.ge @!p0 [sflag:s0], s1  }
0xf5: {  	s1 =	ssub.s32 @!p0 $0x0, s1;
	[sflag:s0] =	ssyncset.done @!p0 $0x0  }
0xf6: {  	[sflag:s0] =	ssyncadd.s32 @!p0 s1  }
0xf7: {  	[bflag:$0x3] =	sbarrier.arrive $0xFFFF  }
0xf8: {  	_ =	shalt  }

// kernel: kernel.18.cloned.1.call-start
scs
__scs_entry_jumppad:
0x0: {  	(pc) =	sbr.rel $0x88, $3  }
0x1: {  	(tag) =	ssettag $0x0;
	lr =	simm.s32 $0x1  }
0x2: {  	[smem:$0x3F97] =	sst lr;
	_ =	strace $0xD0000000  }
0x3: {  	_ = 	snop  }
0x4: {  	_ = 	snop  }
0x5: {  	_ = 	snop  }
0x6: {  	_ = 	snop  }
0x7: {  	_ = 	snop  }
__scs_overlays_trampoline_lowered:
0x8: {  	[smem:$0x3FA6] =	sst s0  }
0x9: {  	[smem:$0x3FA7] =	sst s1  }
0xa: {  	[smem:$0x3FA8] =	sst s2  }
0xb: {  	[smem:$0x3FA9] =	sst s3  }
0xc: {  	[smem:$0x3FAA] =	sst s4  }
0xd: {  	[smem:$0x3FAB] =	sst s5  }
0xe: {  	[smem:$0x3FAC] =	sst s6  }
0xf: {  	[smem:$0x3FAD] =	sst s7  }
0x10: {  	[smem:$0x3FAE] =	sst s8  }
0x11: {  	[smem:$0x3FAF] =	sst s9;
	s0 =	simm.s32 @!p0 $0x0  }
0x12: {  	s1 =	sld [smem:$0x3F95];
	s0 =	simm.s32 @p0 $0x1  }
0x13: {  	[smem:$0x3FB0] =	sst s0;
	s0 =	simm.s32 @!p1 $0x0  }
0x14: {  	s2 =	sld [smem:$0x3F94];
	s0 =	simm.s32 @p1 $0x1  }
0x15: {  	[smem:$0x3FB1] =	sst s0;
	s0 =	simm.s32 @!p2 $0x0  }
0x16: {  	s3 =	sld [smem:$0x3FDB];
	s0 =	simm.s32 @p2 $0x1  }
0x17: {  	s4 =	simm.s32 $0x1BF5;
	[smem:$0x3FB3] =	sst s0  }
0x18: {  	s0 =	sld [smem:$0x3F96];
	_ =	swait.ge [sflag:s4], $0x0  }
0x19: {  	s7 =	sld [smem:$0x3F97]  }
0x1a: {  	s8 =	sadd.s32 $0xFFFFE003, lr  }
0x1b: {  	s9 =	sadd.s32 $0xFFFFFEF7, lr;
	s5 =	simm.s32 $0xFFFFFFFF;
	p2 =	slt.u32 s8, $0xFFFFF086  }
0x1c: {  	p1 =	slt.u32 s9, $0xF7A;
	s5 =	simm.s32 @!p2 $0x0  }
0x1d: {  	s5 =	simm.s32 @p1 $0x1;
	p0 =	seq.s32 s7, s2  }
0x1e: {  	s7 =	smul.u32 @!p0 $0xF7A, s2;
	p2 =	seq.s32 @!p0 s5, $0x0  }
0x1f: {  	s9 =	smul.u32 $0xF7A, s1;
	s8 =	simm.s32 @!p0 $0x1BF5;
	p2 =	por !p2, p0  }
0x20: {  	[sflag:s8] =	ssyncset.s32 @!p0 $0xFFFFF086;
	s6 =	sadd.s32 @!p0 s3, s7;
	s7 =	simm.s32 @!p0 $0x108  }
0x21: {  	s3 =	sadd.s32 s3, s9;
	s6 =	sadd.s32 @!p0 $0x88, s6;
	s7 =	simm.s32 @p2 $0x1082  }
0x22: {  	[simem:s7], [sflag:s8] =	dma.local @!p0 [hbm:s6], $0xF7A  }
0x23: {  	s9 =	sor.u32 $0xD0000000, s2;
	s6 =	simm.s32 $0x108;
	_ =	swait.ge @!p0 [sflag:s8], $0x0  }
0x24: {  	s3 =	sadd.s32 $0x88, s3;
	s6 =	simm.s32 @!p1 $0x1082;
	[sflag:s4] =	ssyncset.s32 $0xFFFFF086  }
0x25: {  	[simem:s6], [sflag:s4] =	dma.local [hbm:s3], $0xF7A  }
0x26: {  	[smem:$0x3F97] =	sst s1;
	(tag) =	ssettag s2;
	_ =	strace s9  }
0x27: {  	s1 =	sld [smem:$0x3FA7]  }
0x28: {  	s2 =	sld [smem:$0x3FA8]  }
0x29: {  	s4 =	sld [smem:$0x3FAA]  }
0x2a: {  	p0 =	seq.s32 s5, $0x0;
	s5 =	sld [smem:$0x3FAB]  }
0x2b: {  	s6 =	sld [smem:$0x3FAC]  }
0x2c: {  	s7 =	sld [smem:$0x3FAD]  }
0x2d: {  	s3 =	simm.s32 $0x108;
	s8 =	sld [smem:$0x3FAE]  }
0x2e: {  	s3 =	simm.s32 @!p0 $0x1082;
	s9 =	sld [smem:$0x3FAF]  }
0x2f: {  	lr =	sadd.s32 s0, s3;
	s0 =	sld [smem:$0x3FA6]  }
0x30: {  	s3 =	sld [smem:$0x3FA9]  }
0x31: {  	[smem:$0x3FB2] =	sst s10  }
0x32: {  	s10 =	sld [smem:$0x3FB0];
	_ =	sdelay $0x3  }
0x33: {  	p0 =	seq.s32 s10, $0x1;
	s10 =	sld [smem:$0x3FB2];
	_ =	sdelay $0x3  }
0x34: {  	[smem:$0x3FB2] =	sst s10  }
0x35: {  	s10 =	sld [smem:$0x3FB1];
	_ =	sdelay $0x3  }
0x36: {  	p1 =	seq.s32 s10, $0x1;
	s10 =	sld [smem:$0x3FB2];
	_ =	sdelay $0x3  }
0x37: {  	[smem:$0x3FB2] =	sst s10  }
0x38: {  	s10 =	sld [smem:$0x3FB3]  }
0x39: {  	_ = 	snop;
	(pc) =	sbr.ind lr, $3  }
0x3a: {  	_ = 	snop  }
0x3b: {  	_ = 	snop  }
0x3c: {  	p2 =	seq.s32 s10, $0x1;
	s10 =	sld [smem:$0x3FB2]  }
0x3d: {  	_ =	shalt  }
0x3e: {  	_ =	shalt  }
0x3f: {  	_ =	shalt  }
0x40: {  	_ =	shalt  }
0x41: {  	_ =	shalt  }
0x42: {  	_ =	shalt  }
0x43: {  	_ =	shalt  }
0x44: {  	_ =	shalt  }
0x45: {  	_ =	shalt  }
0x46: {  	_ =	shalt  }
0x47: {  	_ =	shalt  }
0x48: {  	_ =	shalt  }
0x49: {  	_ =	shalt  }
0x4a: {  	_ =	shalt  }
0x4b: {  	_ =	shalt  }
0x4c: {  	_ =	shalt  }
0x4d: {  	_ =	shalt  }
0x4e: {  	_ =	shalt  }
0x4f: {  	_ =	shalt  }
0x50: {  	_ =	shalt  }
0x51: {  	_ =	shalt  }
0x52: {  	_ =	shalt  }
0x53: {  	_ =	shalt  }
0x54: {  	_ =	shalt  }
0x55: {  	_ =	shalt  }
0x56: {  	_ =	shalt  }
0x57: {  	_ =	shalt  }
0x58: {  	_ =	shalt  }
0x59: {  	_ =	shalt  }
0x5a: {  	_ =	shalt  }
0x5b: {  	_ =	shalt  }
0x5c: {  	_ =	shalt  }
0x5d: {  	_ =	shalt  }
0x5e: {  	_ =	shalt  }
0x5f: {  	_ =	shalt  }
0x60: {  	_ =	shalt  }
0x61: {  	_ =	shalt  }
0x62: {  	_ =	shalt  }
0x63: {  	_ =	shalt  }
0x64: {  	_ =	shalt  }
0x65: {  	_ =	shalt  }
0x66: {  	_ =	shalt  }
0x67: {  	_ =	shalt  }
0x68: {  	_ =	shalt  }
0x69: {  	_ =	shalt  }
0x6a: {  	_ =	shalt  }
0x6b: {  	_ =	shalt  }
0x6c: {  	_ =	shalt  }
0x6d: {  	_ =	shalt  }
0x6e: {  	_ =	shalt  }
0x6f: {  	_ =	shalt  }
0x70: {  	_ =	shalt  }
0x71: {  	_ =	shalt  }
0x72: {  	_ =	shalt  }
0x73: {  	_ =	shalt  }
0x74: {  	_ =	shalt  }
0x75: {  	_ =	shalt  }
0x76: {  	_ =	shalt  }
0x77: {  	_ =	shalt  }
0x78: {  	_ =	shalt  }
0x79: {  	_ =	shalt  }
0x7a: {  	_ =	shalt  }
0x7b: {  	_ =	shalt  }
0x7c: {  	_ =	shalt  }
0x7d: {  	_ =	shalt  }
0x7e: {  	_ =	shalt  }
0x7f: {  	_ =	shalt  }
0x80: {  	_ =	shalt  }
0x81: {  	_ =	shalt  }
0x82: {  	_ =	shalt  }
0x83: {  	_ =	shalt  }
0x84: {  	_ =	shalt  }
0x85: {  	_ =	shalt  }
0x86: {  	_ =	shalt  }
0x87: {  	_ =	shalt  }
.Lfunc_end0:
.L_simem_size_0:
called_computation.3_lowered:
.L_overlay_start_0:
0x88: {  	s2 =	sld [smem:$0x3FD9]  }
0x89: {  	s3 =	sld [smem:$0x3FFE];
	_ =	sdelay $0x1  }
0x8a: {  	s1 =	srdreg.scid  }
0x8b: {  	s0 =	sand.u32 $0x1, s1  }
0x8c: {  	s17 =	sshll.u32 s0, $0xA;
	s2 =	sadd.s32 s3, s2  }
0x8d: {  	s2 =	sadd.s32 s2, s17  }
0x8e: {  	[smem:$0x3FBE] =	sst s2  }
0x8f: {  	_ = 	snop  }
0x90: {  	s2 =	sld [smem:$0x3FD0];
	(tm) =	ssettm $0x1  }
0x91: {  	s18 =	sld [smem:$0x3FFB];
	_ =	sdelay $0x3  }
0x92: {  	_ =	strace s18  }
0x93: {  	s3 =	sld [smem:$0x3FFC];
	_ =	sdelay $0x3  }
0x94: {  	_ =	strace s3  }
0x95: {  	s3 =	sld [smem:$0x3FFD];
	_ =	sdelay $0x3  }
0x96: {  	_ =	strace s3  }
0x97: {  	_ =	strace $0x8FFFFFFF  }
0x98: {  	s19 =	sld [smem:$0x3FDB];
	_ =	sdelay $0x1  }
0x99: {  	s4 =	simm.s32 $_scs_section_size  }
0x9a: {  	s5 =	simm.s32 $_size__tile_overlayer_lowered;
	s6 =	simm.s32 $_tile_overlayer_lowered  }
0x9b: {  	s22 =	simm.s32 $0x1BFF;
	s21 =	sshll.u32 s6, $0x1;
	s3 =	sadd.s32 s4, s19  }
0x9c: {  	s7 =	simm.s32 $0x0;
	s20 =	sshll.u32 s5, $0x1;
	s5 =	sadd.s32 s21, s3  }
0x9d: {  	[timem:s7], [sflag:s22] =	dma.local [hbm:s5], s20  }
0x9e: {  	_ =	swait.ge [sflag:s22], s20  }
0x9f: {  	s4 =	ssub.s32 $0x0, s20;
	[sflag:s22] =	ssyncset.done $0x0  }
0xa0: {  	[sflag:s22] =	ssyncadd.s32 s4;
	_ =	sdelay $0x1  }
0xa1: {  	s23 =	simm.s32 $0x1B8B  }
0xa2: {  	_ =	swait.ge [sflag:s23], $0x1  }
0xa3: {  	[sflag:s23] =	ssyncset.done $0x0  }
0xa4: {  	s25 =	simm.s32 $0x1B8E;
	s24 =	sld [smem:$0x3FFE];
	[sflag:s23] =	ssyncadd.s32 $0xFFFFFFFF  }
0xa5: {  	s26 =	simm.s32 $execute0_lowered;
	[smem:$0x3FD2] =	sst s25  }
0xa6: {  	s5 =	sshll.u32 s26, $0x1;
	_ =	strace $0x8000004F;
	[dreg:$0x1] =	wrdreg $0xFFFFFFFF  }
0xa7: {  	s28 =	simm.s32 $_size_execute0_lowered;
	s3 =	sadd.s32 s3, s5;
	[dreg:$0x0] =	wrdreg $0x0  }
0xa8: {  	s5 =	sshll.u32 s28, $0x1;
	[dreg:$0x2] =	wrdreg s3  }
0xa9: {  	[dreg:$0x3] =	wrdreg s5  }
0xaa: {  	[dreg:$0x4] =	wrdreg $0xC0  }
0xab: {  	_ =	task [dreg:s7], $0x5FFFF  }
0xac: {  	[dreg:$0x1] =	wrdreg $0xFFFFFFFF  }
0xad: {  	[dreg:$0x0] =	wrdreg $0x60  }
0xae: {  	[dreg:$0x2] =	wrdreg s2  }
0xaf: {  	[dreg:$0x3] =	wrdreg s24  }
0xb0: {  	[dreg:$0x4] =	wrdreg $0x90000  }
0xb1: {  	[dreg:$0x5] =	wrdreg $0x9  }
0xb2: {  	_ =	task.clear_ibuf [dreg:s7], $0x6FFFF;
	_ =	strace $0x9000004F  }
0xb3: {  	s29 =	simm.s32 $0x9;
	_ =	strace $0x80000051  }
0xb4: {  	_ =	swait.ge [sflag:s29], $0x1  }
0xb5: {  	[sflag:s29] =	ssyncadd.s32 $0xFFFFFFFF  }
0xb6: {  	_ =	strace $0x90000051  }
0xb7: {  	_ =	sfence  }
0xb8: {  	s30 =	sld [smem:$0x0];
	_ =	sdelay $0x2  }
0xb9: {  	s31 =	sshll.u32 s1, $0xD;
	s1 =	sshrl.u32 s1, $0x2  }
0xba: {  	s3 =	sand.u32 $0x4000, s31;
	s1 =	sadd.s32 s1, s30  }
0xbb: {  	s0 =	sor.u32 s3, s0;
	s1 =	sshll.u32 s1, $0x11  }
0xbc: {  	s0 =	sor.u32 s1, s0  }
0xbd: {  	s0 =	sadd.s32 $0x8F2B, s0  }
0xbe: {  	[sflag:s0] =	ssyncadd.remote.s32 $0x1  }
0xbf: {  	_ =	sfence.sel $0xFFFF  }
0xc0: {  	[dreg:$0x0] =	wrdreg $0xFFFFFFFF;
	(pc) =	sbr.abs _section_cstart, $3  }
0xc1: {  	[dreg:$0x1] =	wrdreg $0xFFFFFFFF  }
0xc2: {  	_ =	task.clear_ibuf [dreg:s7], $0x2FFFF;
	_ =	strace $0x9FFFFFFF  }
0xc3: {  	(tm) =	ssettm $0x7FFFFFFF  }
tec
execute0_lowered:
.L_overlay_start_1:
0x0: {  	(tag) =	ssettag $0x1  }
0x1: {  	s1 =	rddreg [dreg:$0x0]  }
0x2: {  	s0 =	srdreg.scid;
	s5 =	rddreg [dreg:$0x1]  }
0x3: {  	s9 =	stileid.u32;
	s3 =	rddreg [dreg:$0x2];
	s4 =	simm.s32 $0x0  }
0x4: {  	s10 =	simm.s32 $0x1;
	s0 =	sand.u32 $0x1, s0;
	s7 =	smul.u32 $0x13C00, s9  }
0x5: {  	s2 =	sshll.u32 s9, $0x1;
	[smem:$0x7FF] =	sst s4;
	s11 =	smul.u32 $0x50000, s9  }
0x6: {  	s8 =	sadd.s32 $0x67000, s5;
	s9 =	smul.u32 $0x4F000, s9;
	s2 =	sor.u32 s0, s2  }
0x7: {  	s6 =	smul.u32 $0x13C000, s0;
	_ =	strace $0x80000050;
	[dreg:$0x4] =	wrdreg s8  }
0x8: {  	s0 =	ssub.s32 $0x2, s0;
	s8 =	simm.s32 $0x7000;
	s2 =	smul.u32 $0x500, s2  }
0x9: {  	s12 =	sshrl.u32 s0, $0x1;
	s13 =	sshrl.u32 s11, $0x2;
	s15 =	sshrl.u32 s9, $0x2  }
0xa: {  	s9 =	simm.s32 $0x8000;
	s11 =	simm.s32 $0x2;
	s6 =	sadd.s32 s7, s6  }
0xb: {  	s0 =	ssub.s32 s0, s12;
	s17 =	sadd.s32 s15, s3;
	s7 =	simm.s32 $0x6000  }
0xc: {  	s12 =	simm.s32 $0x3;
	s2 =	sadd.s32 s2, s5;
	s6 =	sshrl.u32 s6, $0x3  }
0xd: {  	s0 =	smax.u32 s0, $0x1;
	s5 =	sadd.s32 s6, s5;
	s6 =	sadd.s32 s13, s3  }
0xe: {  	s14 =	sadd.s32 $0x5D000, s2;
	s2 =	sadd.s32 $0x3800, s2;
	[dreg:$0x8] =	wrdreg s0  }
0xf: {  	s0 =	simm.s32 $0x5;
	s13 =	simm.s32 $0x4;
	[dreg:$0x5] =	wrdreg s14  }
0x10: {  	[dreg:$0x6] =	wrdreg s2;
	s16 =	sadd.s32 $0x67200, s5;
	s20 =	sadd.s32 $0x1000, s6  }
0x11: {  	s21 =	sadd.s32 $0x2000, s6;
	s22 =	sadd.s32 $0x3000, s6;
	[dreg:$0x7] =	wrdreg s16  }
0x12: {  	s23 =	sadd.s32 $0x4000, s6;
	s24 =	sadd.s32 $0x5000, s6;
	[dreg:$0x9] =	wrdreg s20  }
0x13: {  	s25 =	sadd.s32 $0x6000, s6;
	s26 =	sadd.s32 $0x7000, s6;
	[dreg:$0xa] =	wrdreg s21  }
0x14: {  	s18 =	sadd.s32 $0x8000, s6;
	s19 =	sadd.s32 $0x9000, s6;
	[dreg:$0xb] =	wrdreg s22  }
0x15: {  	s28 =	sadd.s32 $0x10000, s6;
	s29 =	sadd.s32 $0x11000, s6;
	[dreg:$0xc] =	wrdreg s23  }
0x16: {  	s30 =	sadd.s32 $0x12000, s6;
	s31 =	sadd.s32 $0x13000, s6;
	[dreg:$0xd] =	wrdreg s24  }
0x17: {  	s2 =	simm.s32 $0x5000;
	s5 =	simm.s32 $0x20;
	[dreg:$0xe] =	wrdreg s25  }
0x18: {  	s14 =	simm.s32 $0x0;
	[dreg:$0xf] =	wrdreg s26;
	s20 =	sadd.s32 $0xA000, s6  }
0x19: {  	s21 =	sadd.s32 $0xB000, s6;
	s22 =	sadd.s32 $0xC000, s6;
	s23 =	sadd.s32 $0xD000, s6  }
0x1a: {  	s24 =	sadd.s32 $0xE000, s6;
	s25 =	sshrl.u32 s17, $0x3;
	s26 =	sadd.s32 $0xF000, s6  }
.LBB2_1:
0x1b: {  	s15 =	rddreg [dreg:$0x4]  }
0x1c: {  	[tilespmem:s2], [sflag:$0x5] =	stream.linear.gather [hbm4b:s15+s4], $0x1000, $0x38;
	[tilespmem:$0x1D000] =	vst v63  }
0x1d: {  	_ =	swait.ge [sflag:s0], $0x1000  }
0x1e: {  	[sflag:s0] =	ssyncset.done $0x0  }
0x1f: {  	[sflag:s0] =	ssyncadd.s32 $0xFFFFF000  }
0x20: {  	[spmem:s6] =	stream.linear.scatter [tilespmem:s2], [sflag:$0x5], $0x1000, $0x38;
	[tilespmem:$0x1D000] =	vst v63  }
0x21: {  	_ =	swait.ge [sflag:s0], $0x1000  }
0x22: {  	[sflag:s0] =	ssyncset.done $0x0  }
0x23: {  	s17 =	rddreg [dreg:$0x9];
	[sflag:s0] =	ssyncadd.s32 $0xFFFFF000  }
0x24: {  	[spmem:s17] =	stream.linear.scatter [tilespmem:s2], [sflag:$0x5], $0x1000, $0x38;
	[tilespmem:$0x1D000] =	vst v63  }
0x25: {  	_ =	swait.ge [sflag:s0], $0x1000  }
0x26: {  	[sflag:s0] =	ssyncset.done $0x0  }
0x27: {  	s16 =	rddreg [dreg:$0xa];
	[sflag:s0] =	ssyncadd.s32 $0xFFFFF000  }
0x28: {  	[spmem:s16] =	stream.linear.scatter [tilespmem:s2], [sflag:$0x5], $0x1000, $0x38;
	[tilespmem:$0x1D000] =	vst v63  }
0x29: {  	_ =	swait.ge [sflag:s0], $0x1000  }
0x2a: {  	[sflag:s0] =	ssyncset.done $0x0  }
0x2b: {  	s17 =	rddreg [dreg:$0xb];
	[sflag:s0] =	ssyncadd.s32 $0xFFFFF000  }
0x2c: {  	[spmem:s17] =	stream.linear.scatter [tilespmem:s2], [sflag:$0x5], $0x1000, $0x38;
	[tilespmem:$0x1D000] =	vst v63  }
0x2d: {  	_ =	swait.ge [sflag:s0], $0x1000  }
0x2e: {  	[sflag:s0] =	ssyncset.done $0x0  }
0x2f: {  	s16 =	rddreg [dreg:$0xc];
	[sflag:s0] =	ssyncadd.s32 $0xFFFFF000  }
0x30: {  	[spmem:s16] =	stream.linear.scatter [tilespmem:s2], [sflag:$0x5], $0x1000, $0x38;
	[tilespmem:$0x1D000] =	vst v63  }
0x31: {  	_ =	swait.ge [sflag:s0], $0x1000  }
0x32: {  	[sflag:s0] =	ssyncset.done $0x0  }
0x33: {  	s17 =	rddreg [dreg:$0xd];
	[sflag:s0] =	ssyncadd.s32 $0xFFFFF000  }
0x34: {  	[spmem:s17] =	stream.linear.scatter [tilespmem:s2], [sflag:$0x5], $0x1000, $0x38;
	[tilespmem:$0x1D000] =	vst v63  }
0x35: {  	_ =	swait.ge [sflag:s0], $0x1000  }
0x36: {  	[sflag:s0] =	ssyncset.done $0x0  }
0x37: {  	s16 =	rddreg [dreg:$0xe];
	[sflag:s0] =	ssyncadd.s32 $0xFFFFF000  }
0x38: {  	[spmem:s16] =	stream.linear.scatter [tilespmem:s2], [sflag:$0x5], $0x1000, $0x38;
	[tilespmem:$0x1D000] =	vst v63  }
0x39: {  	_ =	swait.ge [sflag:s0], $0x1000  }
0x3a: {  	[sflag:s0] =	ssyncset.done $0x0  }
0x3b: {  	s17 =	rddreg [dreg:$0xf];
	[sflag:s0] =	ssyncadd.s32 $0xFFFFF000  }
0x3c: {  	[spmem:s17] =	stream.linear.scatter [tilespmem:s2], [sflag:$0x5], $0x1000, $0x38;
	[tilespmem:$0x1D000] =	vst v63  }
0x3d: {  	_ =	swait.ge [sflag:s0], $0x1000  }
0x3e: {  	[sflag:s0] =	ssyncset.done $0x0  }
0x3f: {  	[sflag:s0] =	ssyncadd.s32 $0xFFFFF000  }
0x40: {  	[spmem:s18] =	stream.linear.scatter [tilespmem:s2], [sflag:$0x5], $0x1000, $0x38;
	[tilespmem:$0x1D000] =	vst v63  }
0x41: {  	_ =	swait.ge [sflag:s0], $0x1000  }
0x42: {  	[sflag:s0] =	ssyncset.done $0x0  }
0x43: {  	[sflag:s0] =	ssyncadd.s32 $0xFFFFF000  }
0x44: {  	[spmem:s19] =	stream.linear.scatter [tilespmem:s2], [sflag:$0x5], $0x1000, $0x38;
	[tilespmem:$0x1D000] =	vst v63  }
0x45: {  	_ =	swait.ge [sflag:s0], $0x1000  }
0x46: {  	[sflag:s0] =	ssyncset.done $0x0  }
0x47: {  	[sflag:s0] =	ssyncadd.s32 $0xFFFFF000  }
0x48: {  	[spmem:s20] =	stream.linear.scatter [tilespmem:s2], [sflag:$0x5], $0x1000, $0x38;
	[tilespmem:$0x1D000] =	vst v63  }
0x49: {  	_ =	swait.ge [sflag:s0], $0x1000  }
0x4a: {  	[sflag:s0] =	ssyncset.done $0x0  }
0x4b: {  	[sflag:s0] =	ssyncadd.s32 $0xFFFFF000  }
0x4c: {  	[spmem:s21] =	stream.linear.scatter [tilespmem:s2], [sflag:$0x5], $0x1000, $0x38;
	[tilespmem:$0x1D000] =	vst v63  }
0x4d: {  	_ =	swait.ge [sflag:s0], $0x1000  }
0x4e: {  	[sflag:s0] =	ssyncset.done $0x0  }
0x4f: {  	[sflag:s0] =	ssyncadd.s32 $0xFFFFF000  }
0x50: {  	[spmem:s22] =	stream.linear.scatter [tilespmem:s2], [sflag:$0x5], $0x1000, $0x38;
	[tilespmem:$0x1D000] =	vst v63  }
0x51: {  	_ =	swait.ge [sflag:s0], $0x1000  }
0x52: {  	[sflag:s0] =	ssyncset.done $0x0  }
0x53: {  	[sflag:s0] =	ssyncadd.s32 $0xFFFFF000  }
0x54: {  	[spmem:s23] =	stream.linear.scatter [tilespmem:s2], [sflag:$0x5], $0x1000, $0x38;
	[tilespmem:$0x1D000] =	vst v63  }
0x55: {  	_ =	swait.ge [sflag:s0], $0x1000  }
0x56: {  	[sflag:s0] =	ssyncset.done $0x0  }
0x57: {  	[sflag:s0] =	ssyncadd.s32 $0xFFFFF000  }
0x58: {  	[spmem:s24] =	stream.linear.scatter [tilespmem:s2], [sflag:$0x5], $0x1000, $0x38;
	[tilespmem:$0x1D000] =	vst v63  }
0x59: {  	_ =	swait.ge [sflag:s0], $0x1000  }
0x5a: {  	[sflag:s0] =	ssyncset.done $0x0  }
0x5b: {  	[sflag:s0] =	ssyncadd.s32 $0xFFFFF000  }
0x5c: {  	[spmem:s26] =	stream.linear.scatter [tilespmem:s2], [sflag:$0x5], $0x1000, $0x38;
	[tilespmem:$0x1D000] =	vst v63  }
0x5d: {  	_ =	swait.ge [sflag:s0], $0x1000  }
0x5e: {  	[sflag:s0] =	ssyncset.done $0x0  }
0x5f: {  	[sflag:s0] =	ssyncadd.s32 $0xFFFFF000  }
0x60: {  	[spmem:s28] =	stream.linear.scatter [tilespmem:s2], [sflag:$0x5], $0x1000, $0x38;
	[tilespmem:$0x1D000] =	vst v63  }
0x61: {  	_ =	swait.ge [sflag:s0], $0x1000  }
0x62: {  	[sflag:s0] =	ssyncset.done $0x0  }
0x63: {  	[sflag:s0] =	ssyncadd.s32 $0xFFFFF000  }
0x64: {  	[spmem:s29] =	stream.linear.scatter [tilespmem:s2], [sflag:$0x5], $0x1000, $0x38;
	[tilespmem:$0x1D000] =	vst v63  }
0x65: {  	_ =	swait.ge [sflag:s0], $0x1000  }
0x66: {  	[sflag:s0] =	ssyncset.done $0x0  }
0x67: {  	[sflag:s0] =	ssyncadd.s32 $0xFFFFF000  }
0x68: {  	[spmem:s30] =	stream.linear.scatter [tilespmem:s2], [sflag:$0x5], $0x1000, $0x38;
	[tilespmem:$0x1D000] =	vst v63  }
0x69: {  	_ =	swait.ge [sflag:s0], $0x1000  }
0x6a: {  	[sflag:s0] =	ssyncset.done $0x0  }
0x6b: {  	[sflag:s0] =	ssyncadd.s32 $0xFFFFF000  }
0x6c: {  	[spmem:s31] =	stream.linear.scatter [tilespmem:s2], [sflag:$0x5], $0x1000, $0x38;
	[tilespmem:$0x1D000] =	vst v63  }
0x6d: {  	_ =	swait.ge [sflag:s0], $0x1000  }
0x6e: {  	[sflag:s0] =	ssyncset.done $0x0  }
0x6f: {  	s16 =	rddreg [dreg:$0x5];
	[sflag:s0] =	ssyncadd.s32 $0xFFFFF000  }
0x70: {  	[tilespmem:s4], [sflag:$0x5] =	stream.linear.gather [hbm4b:s16+s4], $0x2800, $0x38;
	[tilespmem:$0x1D000] =	vst v63  }
0x71: {  	_ =	swait.ge [sflag:s0], $0x2800  }
0x72: {  	[sflag:s0] =	ssyncset.done $0x0  }
0x73: {  	s16 =	simm.s32 $0x2800;
	s17 =	rddreg [dreg:$0x6];
	[sflag:s0] =	ssyncadd.s32 $0xFFFFD800  }
0x74: {  	[tilespmem:s16], [sflag:$0x5] =	stream.linear.gather [hbm4b:s17+s4], $0x2800, $0x38;
	[tilespmem:$0x1D000] =	vst v63  }
0x75: {  	_ =	swait.ge [sflag:s0], $0x2800  }
0x76: {  	[sflag:s0] =	ssyncset.done $0x0  }
0x77: {  	[sflag:s0] =	ssyncadd.s32 $0xFFFFD800  }
0x78: {  	[tilespmem:s2], [sflag:$0x1] =	stream.indirect.gather [hbm4b:s1+s5], $0x80, s4, s5, $0xb8;
	[tilespmem:$0x1D000] =	vst v63  }
0x79: {  	_ = 	snop  }
0x7a: {  	[tilespmem:s7], [sflag:$0x2] =	stream.indirect.gather [hbm4b:s1+s5], $0x80, s5, s5, $0xb8;
	[tilespmem:$0x1D000] =	vst v63  }
0x7b: {  	s17 =	simm.s32 $0x40  }
0x7c: {  	[tilespmem:s8], [sflag:$0x3] =	stream.indirect.gather [hbm4b:s1+s5], $0x80, s17, s5, $0xb8;
	[tilespmem:$0x1D000] =	vst v63  }
0x7d: {  	s16 =	simm.s32 $0x60  }
0x7e: {  	[tilespmem:s9], [sflag:$0x4] =	stream.indirect.gather [hbm4b:s1+s5], $0x80, s16, s5, $0xb8;
	[tilespmem:$0x1D000] =	vst v63  }
0x7f: {  	[bflag:$0x0] =	sbarrier.arrive $0xFFFF  }
0x80: {  	_ =	swait.ge [sflag:s10], $0x1000  }
0x81: {  	[sflag:s10] =	ssyncset.done $0x0  }
0x82: {  	s17 =	simm.s32 $0x2800;
	[sflag:s10] =	ssyncadd.s32 $0xFFFFF000  }
0x83: {  	[spmem:s3] =	stream.indirect.scatter.add.f32 [tilespmem:s2], [sflag:$0x5], $0x80, s17, s5, $0xb8;
	[tilespmem:$0x1D000] =	vst v63  }
0x84: {  	_ =	swait.ge [sflag:s0], $0x1000  }
0x85: {  	[sflag:s0] =	ssyncset.done $0x0  }
0x86: {  	s16 =	simm.s32 $0x80;
	[sflag:s0] =	ssyncadd.s32 $0xFFFFF000  }
0x87: {  	[tilespmem:s2], [sflag:$0x1] =	stream.indirect.gather [hbm4b:s1+s5], $0x80, s16, s5, $0xb8;
	[tilespmem:$0x1D000] =	vst v63  }
0x88: {  	_ =	swait.ge [sflag:s11], $0x1000  }
0x89: {  	[sflag:s11] =	ssyncset.done $0x0  }
0x8a: {  	s17 =	simm.s32 $0x2820;
	[sflag:s11] =	ssyncadd.s32 $0xFFFFF000  }
0x8b: {  	[spmem:s3] =	stream.indirect.scatter.add.f32 [tilespmem:s7], [sflag:$0x5], $0x80, s17, s5, $0xb8;
	[tilespmem:$0x1D000] =	vst v63  }
0x8c: {  	_ =	swait.ge [sflag:s0], $0x1000  }
0x8d: {  	[sflag:s0] =	ssyncset.done $0x0  }
0x8e: {  	s16 =	simm.s32 $0xA0;
	[sflag:s0] =	ssyncadd.s32 $0xFFFFF000  }
0x8f: {  	[tilespmem:s7], [sflag:$0x2] =	stream.indirect.gather [hbm4b:s1+s5], $0x80, s16, s5, $0xb8;
	[tilespmem:$0x1D000] =	vst v63  }
0x90: {  	_ =	swait.ge [sflag:s12], $0x1000  }
0x91: {  	[sflag:s12] =	ssyncset.done $0x0  }
0x92: {  	s17 =	simm.s32 $0x2840;
	[sflag:s12] =	ssyncadd.s32 $0xFFFFF000  }
0x93: {  	[spmem:s3] =	stream.indirect.scatter.add.f32 [tilespmem:s8], [sflag:$0x5], $0x80, s17, s5, $0xb8;
	[tilespmem:$0x1D000] =	vst v63  }
0x94: {  	_ =	swait.ge [sflag:s0], $0x1000  }
0x95: {  	[sflag:s0] =	ssyncset.done $0x0  }
0x96: {  	s16 =	simm.s32 $0xC0;
	[sflag:s0] =	ssyncadd.s32 $0xFFFFF000  }
0x97: {  	[tilespmem:s8], [sflag:$0x3] =	stream.indirect.gather [hbm4b:s1+s5], $0x80, s16, s5, $0xb8;
	[tilespmem:$0x1D000] =	vst v63  }
0x98: {  	_ =	swait.ge [sflag:s13], $0x1000  }
0x99: {  	[sflag:s13] =	ssyncset.done $0x0  }
0x9a: {  	s17 =	simm.s32 $0x2860;
	[sflag:s13] =	ssyncadd.s32 $0xFFFFF000  }
0x9b: {  	[spmem:s3] =	stream.indirect.scatter.add.f32 [tilespmem:s9], [sflag:$0x5], $0x80, s17, s5, $0xb8;
	[tilespmem:$0x1D000] =	vst v63  }
0x9c: {  	_ =	swait.ge [sflag:s0], $0x1000  }
0x9d: {  	[sflag:s0] =	ssyncset.done $0x0  }
0x9e: {  	s15 =	simm.s32 $0x200;
	s16 =	simm.s32 $0xE0;
	[sflag:s0] =	ssyncadd.s32 $0xFFFFF000  }
.LBB2_2:
0x9f: {  	[tilespmem:s9], [sflag:$0x4] =	stream.indirect.gather [hbm4b:s1+s5], $0x80, s16, s5, $0xb8;
	[tilespmem:$0x1D000] =	vst v63  }
0xa0: {  	s16 =	smov.u32 s15  }
0xa1: {  	p0 =	sne.s32 s15, $0x9C00;
	s15 =	sadd.s32 $0x200, s15;
	_ =	swait.ge [sflag:s10], $0x1000  }
0xa2: {  	s16 =	sshra.s32 s16, $0x2;
	[sflag:s10] =	ssyncset.done $0x0  }
0xa3: {  	s17 =	sadd.s32 $0x2800, s16;
	[sflag:s10] =	ssyncadd.s32 $0xFFFFF000  }
0xa4: {  	[spmem:s3] =	stream.indirect.scatter.add.f32 [tilespmem:s2], [sflag:$0x5], $0x80, s17, s5, $0xb8;
	[tilespmem:$0x1D000] =	vst v63  }
0xa5: {  	_ =	swait.ge [sflag:s0], $0x1000  }
0xa6: {  	[sflag:s0] =	ssyncset.done $0x0  }
0xa7: {  	s17 =	sadd.s32 $0x80, s16;
	[sflag:s0] =	ssyncadd.s32 $0xFFFFF000  }
0xa8: {  	[tilespmem:s2], [sflag:$0x1] =	stream.indirect.gather [hbm4b:s1+s5], $0x80, s17, s5, $0xb8;
	[tilespmem:$0x1D000] =	vst v63  }
0xa9: {  	_ =	swait.ge [sflag:s11], $0x1000  }
0xaa: {  	[sflag:s11] =	ssyncset.done $0x0  }
0xab: {  	s17 =	sadd.s32 $0x2820, s16;
	[sflag:s11] =	ssyncadd.s32 $0xFFFFF000  }
0xac: {  	[spmem:s3] =	stream.indirect.scatter.add.f32 [tilespmem:s7], [sflag:$0x5], $0x80, s17, s5, $0xb8;
	[tilespmem:$0x1D000] =	vst v63  }
0xad: {  	_ =	swait.ge [sflag:s0], $0x1000  }
0xae: {  	[sflag:s0] =	ssyncset.done $0x0  }
0xaf: {  	s17 =	sadd.s32 $0xA0, s16;
	[sflag:s0] =	ssyncadd.s32 $0xFFFFF000  }
0xb0: {  	[tilespmem:s7], [sflag:$0x2] =	stream.indirect.gather [hbm4b:s1+s5], $0x80, s17, s5, $0xb8;
	[tilespmem:$0x1D000] =	vst v63  }
0xb1: {  	_ =	swait.ge [sflag:s12], $0x1000  }
0xb2: {  	[sflag:s12] =	ssyncset.done $0x0  }
0xb3: {  	s17 =	sadd.s32 $0x2840, s16;
	[sflag:s12] =	ssyncadd.s32 $0xFFFFF000  }
0xb4: {  	[spmem:s3] =	stream.indirect.scatter.add.f32 [tilespmem:s8], [sflag:$0x5], $0x80, s17, s5, $0xb8;
	[tilespmem:$0x1D000] =	vst v63  }
0xb5: {  	_ =	swait.ge [sflag:s0], $0x1000  }
0xb6: {  	[sflag:s0] =	ssyncset.done $0x0  }
0xb7: {  	s17 =	sadd.s32 $0xC0, s16;
	[sflag:s0] =	ssyncadd.s32 $0xFFFFF000  }
0xb8: {  	[tilespmem:s8], [sflag:$0x3] =	stream.indirect.gather [hbm4b:s1+s5], $0x80, s17, s5, $0xb8;
	[tilespmem:$0x1D000] =	vst v63  }
0xb9: {  	_ =	swait.ge [sflag:s13], $0x1000  }
0xba: {  	[sflag:s13] =	ssyncset.done $0x0  }
.Ltmp0:
0xbb: {  	s17 =	sadd.s32 $0x2860, s16;
	[sflag:s13] =	ssyncadd.s32 $0xFFFFF000;
	(pc) =	sbr.rel @p0 .LBB2_2-.Ltmp0, $4  }
0xbc: {  	[spmem:s3] =	stream.indirect.scatter.add.f32 [tilespmem:s9], [sflag:$0x5], $0x80, s17, s5, $0xb8;
	[tilespmem:$0x1D000] =	vst v63  }
0xbd: {  	_ =	swait.ge [sflag:s0], $0x1000  }
0xbe: {  	[sflag:s0] =	ssyncset.done $0x0  }
0xbf: {  	s16 =	sadd.s32 $0xE0, s16;
	[sflag:s0] =	ssyncadd.s32 $0xFFFFF000  }
0xc0: {  	[tilespmem:s9], [sflag:$0x4] =	stream.indirect.gather [hbm4b:s1+s5], $0x80, s16, s5, $0xb8;
	[tilespmem:$0x1D000] =	vst v63  }
0xc1: {  	_ =	swait.ge [sflag:s10], $0x1000  }
0xc2: {  	[sflag:s10] =	ssyncset.done $0x0  }
0xc3: {  	s15 =	simm.s32 $0x4F80;
	[sflag:s10] =	ssyncadd.s32 $0xFFFFF000  }
0xc4: {  	[spmem:s3] =	stream.indirect.scatter.add.f32 [tilespmem:s2], [sflag:$0x5], $0x80, s15, s5, $0xb8;
	[tilespmem:$0x1D000] =	vst v63  }
0xc5: {  	_ =	swait.ge [sflag:s0], $0x1000  }
0xc6: {  	[sflag:s0] =	ssyncset.done $0x0  }
0xc7: {  	[sflag:s0] =	ssyncadd.s32 $0xFFFFF000  }
0xc8: {  	_ =	swait.ge [sflag:s11], $0x1000  }
0xc9: {  	[sflag:s11] =	ssyncset.done $0x0  }
0xca: {  	s17 =	simm.s32 $0x4FA0;
	[sflag:s11] =	ssyncadd.s32 $0xFFFFF000  }
0xcb: {  	[spmem:s3] =	stream.indirect.scatter.add.f32 [tilespmem:s7], [sflag:$0x5], $0x80, s17, s5, $0xb8;
	[tilespmem:$0x1D000] =	vst v63  }
0xcc: {  	_ =	swait.ge [sflag:s0], $0x1000  }
0xcd: {  	[sflag:s0] =	ssyncset.done $0x0  }
0xce: {  	[sflag:s0] =	ssyncadd.s32 $0xFFFFF000  }
0xcf: {  	_ =	swait.ge [sflag:s12], $0x1000  }
0xd0: {  	[sflag:s12] =	ssyncset.done $0x0  }
0xd1: {  	s16 =	simm.s32 $0x4FC0;
	[sflag:s12] =	ssyncadd.s32 $0xFFFFF000  }
0xd2: {  	[spmem:s3] =	stream.indirect.scatter.add.f32 [tilespmem:s8], [sflag:$0x5], $0x80, s16, s5, $0xb8;
	[tilespmem:$0x1D000] =	vst v63  }
0xd3: {  	_ =	swait.ge [sflag:s0], $0x1000  }
0xd4: {  	[sflag:s0] =	ssyncset.done $0x0  }
0xd5: {  	[sflag:s0] =	ssyncadd.s32 $0xFFFFF000  }
0xd6: {  	_ =	swait.ge [sflag:s13], $0x1000  }
0xd7: {  	[sflag:s13] =	ssyncset.done $0x0  }
0xd8: {  	s17 =	simm.s32 $0x4FE0;
	[sflag:s13] =	ssyncadd.s32 $0xFFFFF000  }
0xd9: {  	[spmem:s3] =	stream.indirect.scatter.add.f32 [tilespmem:s9], [sflag:$0x5], $0x80, s17, s5, $0xb8;
	[tilespmem:$0x1D000] =	vst v63  }
0xda: {  	_ =	swait.ge [sflag:s0], $0x1000  }
0xdb: {  	[sflag:s0] =	ssyncset.done $0x0  }
0xdc: {  	s16 =	stileid.u32;
	[sflag:s0] =	ssyncadd.s32 $0xFFFFF000  }
0xdd: {  	s15 =	sshll.u32 s16, $0x6;
	[bflag:$0x0] =	sbarrier.arrive $0xFFFF  }
0xde: {  	s15 =	sor.u32 $0x1C05, s15;
	s17 =	rddreg [dreg:$0x7]  }
0xdf: {  	[hbm:s17], [sflag:s15] =	dma.local [spmem:s25], $0x2780  }
0xe0: {  	_ =	swait.ge [sflag:s0], $0x2780  }
0xe1: {  	s14 =	sadd.s32 $0x1, s14;
	s17 =	rddreg [dreg:$0x8]  }
0xe2: {  	p0 =	sne.s32 s14, s17  }
.Ltmp1:
0xe3: {  	_ = 	snop;
	(pc) =	sbr.rel @p0 .LBB2_1-.Ltmp1, $3  }
0xe4: {  	_ =	sdelay $0x1  }
0xe5: {  	[sflag:s0] =	ssyncset.done $0x0  }
0xe6: {  	[sflag:s0] =	ssyncadd.s32 $0xFFFFD880  }
0xe7: {  	_ =	sfence.sel $0x180000  }
0xe8: {  	[bflag:$0x0] =	sbarrier.arrive $0xFFFF  }
0xe9: {  	_ =	strace $0x90000050  }
0xea: {  	s0 =	stileid.u32;
	[bflag:$0x2] =	sbarrier.arrive $0xFFFF  }
0xeb: {  	p0 =	sne.s32 s0, $0x0;
	s0 =	rddreg [dreg:$0x3]  }
0xec: {  	s0 =	sadd.s32 @!p0 $0x100000, s0  }
0xed: {  	[sflag:s0] =	ssyncadd.tile.s32 @!p0 $0x1;
	_ =	shalt  }
.Lfunc_end2:
_tile_overlayer_lowered:
.L_overlay_start_2:
0xee: {  	(tag) =	ssettag $0x2  }
0xef: {  	s0 =	rddreg [dreg:$0x0];
	s2 =	stileid.u32  }
0xf0: {  	s1 =	rddreg [dreg:$0x1];
	p0 =	sne.s32 s2, $0x0  }
0xf1: {  	s3 =	rddreg [dreg:$0x2];
	[bflag:$0x3] =	sbarrier.arrive $0xFFFF;
	s2 =	simm.s32 @!p0 $0x1C05  }
0xf2: {  	[timem:s3], [sflag:s2] =	dma.local @!p0 [hbm:s0], s1  }
0xf3: {  	s0 =	simm.s32 @!p0 $0x5  }
0xf4: {  	_ =	swait.ge @!p0 [sflag:s0], s1  }
0xf5: {  	s1 =	ssub.s32 @!p0 $0x0, s1;
	[sflag:s0] =	ssyncset.done @!p0 $0x0  }
0xf6: {  	[sflag:s0] =	ssyncadd.s32 @!p0 s1  }
0xf7: {  	[bflag:$0x3] =	sbarrier.arrive $0xFFFF  }
0xf8: {  	_ =	shalt  }

// kernel: kernel.9.cloned.1.call-start
scs
__scs_entry_jumppad:
0x0: {  	(pc) =	sbr.rel $0x88, $3  }
0x1: {  	(tag) =	ssettag $0x0;
	lr =	simm.s32 $0x1  }
0x2: {  	[smem:$0x3F97] =	sst lr;
	_ =	strace $0xD0000000  }
0x3: {  	_ = 	snop  }
0x4: {  	_ = 	snop  }
0x5: {  	_ = 	snop  }
0x6: {  	_ = 	snop  }
0x7: {  	_ = 	snop  }
__scs_overlays_trampoline_lowered:
0x8: {  	[smem:$0x3FA6] =	sst s0  }
0x9: {  	[smem:$0x3FA7] =	sst s1  }
0xa: {  	[smem:$0x3FA8] =	sst s2  }
0xb: {  	[smem:$0x3FA9] =	sst s3  }
0xc: {  	[smem:$0x3FAA] =	sst s4  }
0xd: {  	[smem:$0x3FAB] =	sst s5  }
0xe: {  	[smem:$0x3FAC] =	sst s6  }
0xf: {  	[smem:$0x3FAD] =	sst s7  }
0x10: {  	[smem:$0x3FAE] =	sst s8  }
0x11: {  	[smem:$0x3FAF] =	sst s9;
	s0 =	simm.s32 @!p0 $0x0  }
0x12: {  	s1 =	sld [smem:$0x3F95];
	s0 =	simm.s32 @p0 $0x1  }
0x13: {  	[smem:$0x3FB0] =	sst s0;
	s0 =	simm.s32 @!p1 $0x0  }
0x14: {  	s2 =	sld [smem:$0x3F94];
	s0 =	simm.s32 @p1 $0x1  }
0x15: {  	[smem:$0x3FB1] =	sst s0;
	s0 =	simm.s32 @!p2 $0x0  }
0x16: {  	s3 =	sld [smem:$0x3FDB];
	s0 =	simm.s32 @p2 $0x1  }
0x17: {  	s4 =	simm.s32 $0x1BF5;
	[smem:$0x3FB3] =	sst s0  }
0x18: {  	s0 =	sld [smem:$0x3F96];
	_ =	swait.ge [sflag:s4], $0x0  }
0x19: {  	s7 =	sld [smem:$0x3F97]  }
0x1a: {  	s8 =	sadd.s32 $0xFFFFE003, lr  }
0x1b: {  	s9 =	sadd.s32 $0xFFFFFEF7, lr;
	s5 =	simm.s32 $0xFFFFFFFF;
	p2 =	slt.u32 s8, $0xFFFFF086  }
0x1c: {  	p1 =	slt.u32 s9, $0xF7A;
	s5 =	simm.s32 @!p2 $0x0  }
0x1d: {  	s5 =	simm.s32 @p1 $0x1;
	p0 =	seq.s32 s7, s2  }
0x1e: {  	s7 =	smul.u32 @!p0 $0xF7A, s2;
	p2 =	seq.s32 @!p0 s5, $0x0  }
0x1f: {  	s9 =	smul.u32 $0xF7A, s1;
	s8 =	simm.s32 @!p0 $0x1BF5;
	p2 =	por !p2, p0  }
0x20: {  	[sflag:s8] =	ssyncset.s32 @!p0 $0xFFFFF086;
	s6 =	sadd.s32 @!p0 s3, s7;
	s7 =	simm.s32 @!p0 $0x108  }
0x21: {  	s3 =	sadd.s32 s3, s9;
	s6 =	sadd.s32 @!p0 $0x88, s6;
	s7 =	simm.s32 @p2 $0x1082  }
0x22: {  	[simem:s7], [sflag:s8] =	dma.local @!p0 [hbm:s6], $0xF7A  }
0x23: {  	s9 =	sor.u32 $0xD0000000, s2;
	s6 =	simm.s32 $0x108;
	_ =	swait.ge @!p0 [sflag:s8], $0x0  }
0x24: {  	s3 =	sadd.s32 $0x88, s3;
	s6 =	simm.s32 @!p1 $0x1082;
	[sflag:s4] =	ssyncset.s32 $0xFFFFF086  }
0x25: {  	[simem:s6], [sflag:s4] =	dma.local [hbm:s3], $0xF7A  }
0x26: {  	[smem:$0x3F97] =	sst s1;
	(tag) =	ssettag s2;
	_ =	strace s9  }
0x27: {  	s1 =	sld [smem:$0x3FA7]  }
0x28: {  	s2 =	sld [smem:$0x3FA8]  }
0x29: {  	s4 =	sld [smem:$0x3FAA]  }
0x2a: {  	p0 =	seq.s32 s5, $0x0;
	s5 =	sld [smem:$0x3FAB]  }
0x2b: {  	s6 =	sld [smem:$0x3FAC]  }
0x2c: {  	s7 =	sld [smem:$0x3FAD]  }
0x2d: {  	s3 =	simm.s32 $0x108;
	s8 =	sld [smem:$0x3FAE]  }
0x2e: {  	s3 =	simm.s32 @!p0 $0x1082;
	s9 =	sld [smem:$0x3FAF]  }
0x2f: {  	lr =	sadd.s32 s0, s3;
	s0 =	sld [smem:$0x3FA6]  }
0x30: {  	s3 =	sld [smem:$0x3FA9]  }
0x31: {  	[smem:$0x3FB2] =	sst s10  }
0x32: {  	s10 =	sld [smem:$0x3FB0];
	_ =	sdelay $0x3  }
0x33: {  	p0 =	seq.s32 s10, $0x1;
	s10 =	sld [smem:$0x3FB2];
	_ =	sdelay $0x3  }
0x34: {  	[smem:$0x3FB2] =	sst s10  }
0x35: {  	s10 =	sld [smem:$0x3FB1];
	_ =	sdelay $0x3  }
0x36: {  	p1 =	seq.s32 s10, $0x1;
	s10 =	sld [smem:$0x3FB2];
	_ =	sdelay $0x3  }
0x37: {  	[smem:$0x3FB2] =	sst s10  }
0x38: {  	s10 =	sld [smem:$0x3FB3]  }
0x39: {  	_ = 	snop;
	(pc) =	sbr.ind lr, $3  }
0x3a: {  	_ = 	snop  }
0x3b: {  	_ = 	snop  }
0x3c: {  	p2 =	seq.s32 s10, $0x1;
	s10 =	sld [smem:$0x3FB2]  }
0x3d: {  	_ =	shalt  }
0x3e: {  	_ =	shalt  }
0x3f: {  	_ =	shalt  }
0x40: {  	_ =	shalt  }
0x41: {  	_ =	shalt  }
0x42: {  	_ =	shalt  }
0x43: {  	_ =	shalt  }
0x44: {  	_ =	shalt  }
0x45: {  	_ =	shalt  }
0x46: {  	_ =	shalt  }
0x47: {  	_ =	shalt  }
0x48: {  	_ =	shalt  }
0x49: {  	_ =	shalt  }
0x4a: {  	_ =	shalt  }
0x4b: {  	_ =	shalt  }
0x4c: {  	_ =	shalt  }
0x4d: {  	_ =	shalt  }
0x4e: {  	_ =	shalt  }
0x4f: {  	_ =	shalt  }
0x50: {  	_ =	shalt  }
0x51: {  	_ =	shalt  }
0x52: {  	_ =	shalt  }
0x53: {  	_ =	shalt  }
0x54: {  	_ =	shalt  }
0x55: {  	_ =	shalt  }
0x56: {  	_ =	shalt  }
0x57: {  	_ =	shalt  }
0x58: {  	_ =	shalt  }
0x59: {  	_ =	shalt  }
0x5a: {  	_ =	shalt  }
0x5b: {  	_ =	shalt  }
0x5c: {  	_ =	shalt  }
0x5d: {  	_ =	shalt  }
0x5e: {  	_ =	shalt  }
0x5f: {  	_ =	shalt  }
0x60: {  	_ =	shalt  }
0x61: {  	_ =	shalt  }
0x62: {  	_ =	shalt  }
0x63: {  	_ =	shalt  }
0x64: {  	_ =	shalt  }
0x65: {  	_ =	shalt  }
0x66: {  	_ =	shalt  }
0x67: {  	_ =	shalt  }
0x68: {  	_ =	shalt  }
0x69: {  	_ =	shalt  }
0x6a: {  	_ =	shalt  }
0x6b: {  	_ =	shalt  }
0x6c: {  	_ =	shalt  }
0x6d: {  	_ =	shalt  }
0x6e: {  	_ =	shalt  }
0x6f: {  	_ =	shalt  }
0x70: {  	_ =	shalt  }
0x71: {  	_ =	shalt  }
0x72: {  	_ =	shalt  }
0x73: {  	_ =	shalt  }
0x74: {  	_ =	shalt  }
0x75: {  	_ =	shalt  }
0x76: {  	_ =	shalt  }
0x77: {  	_ =	shalt  }
0x78: {  	_ =	shalt  }
0x79: {  	_ =	shalt  }
0x7a: {  	_ =	shalt  }
0x7b: {  	_ =	shalt  }
0x7c: {  	_ =	shalt  }
0x7d: {  	_ =	shalt  }
0x7e: {  	_ =	shalt  }
0x7f: {  	_ =	shalt  }
0x80: {  	_ =	shalt  }
0x81: {  	_ =	shalt  }
0x82: {  	_ =	shalt  }
0x83: {  	_ =	shalt  }
0x84: {  	_ =	shalt  }
0x85: {  	_ =	shalt  }
0x86: {  	_ =	shalt  }
0x87: {  	_ =	shalt  }
.Lfunc_end0:
.L_simem_size_0:
called_computation_lowered:
.L_overlay_start_0:
0x88: {  	s2 =	sld [smem:$0x3FD9]  }
0x89: {  	s3 =	sld [smem:$0x3FFE];
	_ =	sdelay $0x1  }
0x8a: {  	s1 =	srdreg.scid  }
0x8b: {  	s0 =	sand.u32 $0x1, s1  }
0x8c: {  	s17 =	sshll.u32 s0, $0xA;
	s2 =	sadd.s32 s3, s2  }
0x8d: {  	s2 =	sadd.s32 s2, s17  }
0x8e: {  	[smem:$0x3FBE] =	sst s2  }
0x8f: {  	_ = 	snop  }
0x90: {  	s2 =	sld [smem:$0x3FD0];
	(tm) =	ssettm $0x1  }
0x91: {  	s18 =	sld [smem:$0x3FFB];
	_ =	sdelay $0x3  }
0x92: {  	_ =	strace s18  }
0x93: {  	s3 =	sld [smem:$0x3FFC];
	_ =	sdelay $0x3  }
0x94: {  	_ =	strace s3  }
0x95: {  	s3 =	sld [smem:$0x3FFD];
	_ =	sdelay $0x3  }
0x96: {  	_ =	strace s3  }
0x97: {  	_ =	strace $0x8FFFFFFF  }
0x98: {  	s19 =	sld [smem:$0x3FDB];
	_ =	sdelay $0x1  }
0x99: {  	s4 =	simm.s32 $_scs_section_size  }
0x9a: {  	s5 =	simm.s32 $_size__tile_overlayer_lowered;
	s6 =	simm.s32 $_tile_overlayer_lowered  }
0x9b: {  	s22 =	simm.s32 $0x1BFF;
	s21 =	sshll.u32 s6, $0x1;
	s3 =	sadd.s32 s4, s19  }
0x9c: {  	s7 =	simm.s32 $0x0;
	s20 =	sshll.u32 s5, $0x1;
	s5 =	sadd.s32 s21, s3  }
0x9d: {  	[timem:s7], [sflag:s22] =	dma.local [hbm:s5], s20  }
0x9e: {  	_ =	swait.ge [sflag:s22], s20  }
0x9f: {  	s4 =	ssub.s32 $0x0, s20;
	[sflag:s22] =	ssyncset.done $0x0  }
0xa0: {  	[sflag:s22] =	ssyncadd.s32 s4;
	_ =	sdelay $0x1  }
0xa1: {  	s23 =	simm.s32 $0x1B8B  }
0xa2: {  	_ =	swait.ge [sflag:s23], $0x1  }
0xa3: {  	[sflag:s23] =	ssyncset.done $0x0  }
0xa4: {  	s25 =	simm.s32 $0x1B8E;
	s24 =	sld [smem:$0x3FFE];
	[sflag:s23] =	ssyncadd.s32 $0xFFFFFFFF  }
0xa5: {  	s26 =	simm.s32 $execute0_lowered;
	[smem:$0x3FD2] =	sst s25  }
0xa6: {  	s5 =	sshll.u32 s26, $0x1;
	_ =	strace $0x80000046;
	[dreg:$0x1] =	wrdreg $0xFFFFFFFF  }
0xa7: {  	s28 =	simm.s32 $_size_execute0_lowered;
	s3 =	sadd.s32 s3, s5;
	[dreg:$0x0] =	wrdreg $0x0  }
0xa8: {  	s5 =	sshll.u32 s28, $0x1;
	[dreg:$0x2] =	wrdreg s3  }
0xa9: {  	[dreg:$0x3] =	wrdreg s5  }
0xaa: {  	[dreg:$0x4] =	wrdreg $0xC0  }
0xab: {  	_ =	task [dreg:s7], $0x5FFFF  }
0xac: {  	[dreg:$0x1] =	wrdreg $0xFFFFFFFF  }
0xad: {  	[dreg:$0x0] =	wrdreg $0x60  }
0xae: {  	[dreg:$0x2] =	wrdreg s2  }
0xaf: {  	[dreg:$0x3] =	wrdreg s24  }
0xb0: {  	[dreg:$0x4] =	wrdreg $0x90000  }
0xb1: {  	[dreg:$0x5] =	wrdreg $0x9  }
0xb2: {  	_ =	task.clear_ibuf [dreg:s7], $0x6FFFF;
	_ =	strace $0x90000046  }
0xb3: {  	s29 =	simm.s32 $0x9;
	_ =	strace $0x80000048  }
0xb4: {  	_ =	swait.ge [sflag:s29], $0x1  }
0xb5: {  	[sflag:s29] =	ssyncadd.s32 $0xFFFFFFFF  }
0xb6: {  	_ =	strace $0x90000048  }
0xb7: {  	_ =	sfence  }
0xb8: {  	s30 =	sld [smem:$0x0];
	_ =	sdelay $0x2  }
0xb9: {  	s31 =	sshll.u32 s1, $0xD;
	s1 =	sshrl.u32 s1, $0x2  }
0xba: {  	s3 =	sand.u32 $0x4000, s31;
	s1 =	sadd.s32 s1, s30  }
0xbb: {  	s0 =	sor.u32 s3, s0;
	s1 =	sshll.u32 s1, $0x11  }
0xbc: {  	s0 =	sor.u32 s1, s0  }
0xbd: {  	s0 =	sadd.s32 $0x8F2B, s0  }
0xbe: {  	[sflag:s0] =	ssyncadd.remote.s32 $0x1  }
0xbf: {  	_ =	sfence.sel $0xFFFF  }
0xc0: {  	[dreg:$0x0] =	wrdreg $0xFFFFFFFF;
	(pc) =	sbr.abs _section_cstart, $3  }
0xc1: {  	[dreg:$0x1] =	wrdreg $0xFFFFFFFF  }
0xc2: {  	_ =	task.clear_ibuf [dreg:s7], $0x2FFFF;
	_ =	strace $0x9FFFFFFF  }
0xc3: {  	(tm) =	ssettm $0x7FFFFFFF  }
tec
execute0_lowered:
.L_overlay_start_1:
0x0: {  	(tag) =	ssettag $0x1  }
0x1: {  	s7 =	rddreg [dreg:$0x0]  }
0x2: {  	s6 =	rddreg [dreg:$0x1]  }
0x3: {  	s0 =	srdreg.scid;
	s2 =	rddreg [dreg:$0x2]  }
0x4: {  	s1 =	stileid.u32;
	s3 =	simm.s32 $0x0;
	s19 =	simm.s32 $0x7000  }
0x5: {  	s20 =	simm.s32 $0x1;
	s21 =	simm.s32 $0x5000;
	s22 =	simm.s32 $0x40  }
0x6: {  	s8 =	sand.u32 $0x1, s0;
	s0 =	rddreg [dreg:$0x3];
	s5 =	smul.u32 $0x13C00, s1  }
0x7: {  	s25 =	simm.s32 $0x0;
	[smem:$0x7FF] =	sst s3;
	s10 =	smul.u32 $0x50000, s1  }
0x8: {  	s29 =	sshll.u32 s1, $0x1;
	s30 =	smul.u32 $0x4F000, s1;
	s23 =	sshll.u32 s1, $0x6  }
0x9: {  	s4 =	smul.u32 $0x13C000, s8;
	_ =	strace $0x80000047;
	s11 =	ssub.s32 $0x2, s8  }
0xa: {  	s23 =	sor.u32 $0x1C01, s23;
	s12 =	sshrl.u32 s11, $0x1;
	s10 =	sshrl.u32 s10, $0x2  }
0xb: {  	s31 =	sshrl.u32 s30, $0x2;
	s9 =	sadd.s32 s5, s4;
	s4 =	sadd.s32 $0xDC00, s6  }
0xc: {  	s5 =	sadd.s32 $0xD800, s6;
	s11 =	ssub.s32 s11, s12;
	s9 =	sshrl.u32 s9, $0x3  }
0xd: {  	s24 =	sadd.s32 s31, s2;
	s9 =	sadd.s32 s9, s6;
	s6 =	sor.u32 s8, s29  }
0xe: {  	s24 =	sshrl.u32 s24, $0x3;
	s13 =	smul.u32 $0xA00, s6;
	s6 =	sadd.s32 s10, s2  }
0xf: {  	s8 =	sadd.s32 $0xE000, s9;
	s9 =	smax.u32 s11, $0x1;
	s10 =	sadd.s32 $0x2000, s6  }
0x10: {  	s11 =	sadd.s32 $0x4000, s6;
	s12 =	sadd.s32 $0x6000, s6;
	s14 =	sadd.s32 $0xA000, s6  }
0x11: {  	s15 =	sadd.s32 $0xC000, s6;
	s16 =	sadd.s32 $0xE000, s6;
	s17 =	sadd.s32 $0x10000, s6  }
0x12: {  	s18 =	sadd.s32 $0x12000, s6;
	s7 =	sadd.s32 s7, s13;
	s13 =	sadd.s32 $0x8000, s6  }
.LBB2_1:
0x13: {  	[tilespmem:s19], [sflag:$0x1] =	stream.linear.gather [hbm4b:s5+s3], $0x2000, $0x38;
	[tilespmem:$0x1D000] =	vst v63  }
0x14: {  	_ =	swait.ge [sflag:s20], $0x2000  }
0x15: {  	[sflag:s20] =	ssyncset.done $0x0  }
0x16: {  	[sflag:s20] =	ssyncadd.s32 $0xFFFFE000  }
0x17: {  	[spmem:s6] =	stream.linear.scatter [tilespmem:s19], [sflag:$0x1], $0x2000, $0x38;
	[tilespmem:$0x1D000] =	vst v63  }
0x18: {  	_ =	swait.ge [sflag:s20], $0x2000  }
0x19: {  	[sflag:s20] =	ssyncset.done $0x0  }
0x1a: {  	[sflag:s20] =	ssyncadd.s32 $0xFFFFE000  }
0x1b: {  	[spmem:s10] =	stream.linear.scatter [tilespmem:s19], [sflag:$0x1], $0x2000, $0x38;
	[tilespmem:$0x1D000] =	vst v63  }
0x1c: {  	_ =	swait.ge [sflag:s20], $0x2000  }
0x1d: {  	[sflag:s20] =	ssyncset.done $0x0  }
0x1e: {  	[sflag:s20] =	ssyncadd.s32 $0xFFFFE000  }
0x1f: {  	[spmem:s11] =	stream.linear.scatter [tilespmem:s19], [sflag:$0x1], $0x2000, $0x38;
	[tilespmem:$0x1D000] =	vst v63  }
0x20: {  	_ =	swait.ge [sflag:s20], $0x2000  }
0x21: {  	[sflag:s20] =	ssyncset.done $0x0  }
0x22: {  	[sflag:s20] =	ssyncadd.s32 $0xFFFFE000  }
0x23: {  	[spmem:s12] =	stream.linear.scatter [tilespmem:s19], [sflag:$0x1], $0x2000, $0x38;
	[tilespmem:$0x1D000] =	vst v63  }
0x24: {  	_ =	swait.ge [sflag:s20], $0x2000  }
0x25: {  	[sflag:s20] =	ssyncset.done $0x0  }
0x26: {  	[sflag:s20] =	ssyncadd.s32 $0xFFFFE000  }
0x27: {  	[spmem:s13] =	stream.linear.scatter [tilespmem:s19], [sflag:$0x1], $0x2000, $0x38;
	[tilespmem:$0x1D000] =	vst v63  }
0x28: {  	_ =	swait.ge [sflag:s20], $0x2000  }
0x29: {  	[sflag:s20] =	ssyncset.done $0x0  }
0x2a: {  	[sflag:s20] =	ssyncadd.s32 $0xFFFFE000  }
0x2b: {  	[spmem:s14] =	stream.linear.scatter [tilespmem:s19], [sflag:$0x1], $0x2000, $0x38;
	[tilespmem:$0x1D000] =	vst v63  }
0x2c: {  	_ =	swait.ge [sflag:s20], $0x2000  }
0x2d: {  	[sflag:s20] =	ssyncset.done $0x0  }
0x2e: {  	[sflag:s20] =	ssyncadd.s32 $0xFFFFE000  }
0x2f: {  	[spmem:s15] =	stream.linear.scatter [tilespmem:s19], [sflag:$0x1], $0x2000, $0x38;
	[tilespmem:$0x1D000] =	vst v63  }
0x30: {  	_ =	swait.ge [sflag:s20], $0x2000  }
0x31: {  	[sflag:s20] =	ssyncset.done $0x0  }
0x32: {  	[sflag:s20] =	ssyncadd.s32 $0xFFFFE000  }
0x33: {  	[spmem:s16] =	stream.linear.scatter [tilespmem:s19], [sflag:$0x1], $0x2000, $0x38;
	[tilespmem:$0x1D000] =	vst v63  }
0x34: {  	_ =	swait.ge [sflag:s20], $0x2000  }
0x35: {  	[sflag:s20] =	ssyncset.done $0x0  }
0x36: {  	[sflag:s20] =	ssyncadd.s32 $0xFFFFE000  }
0x37: {  	[spmem:s17] =	stream.linear.scatter [tilespmem:s19], [sflag:$0x1], $0x2000, $0x38;
	[tilespmem:$0x1D000] =	vst v63  }
0x38: {  	_ =	swait.ge [sflag:s20], $0x2000  }
0x39: {  	[sflag:s20] =	ssyncset.done $0x0  }
0x3a: {  	[sflag:s20] =	ssyncadd.s32 $0xFFFFE000  }
0x3b: {  	[spmem:s18] =	stream.linear.scatter [tilespmem:s19], [sflag:$0x1], $0x2000, $0x38;
	[tilespmem:$0x1D000] =	vst v63  }
0x3c: {  	_ =	swait.ge [sflag:s20], $0x2000  }
0x3d: {  	[sflag:s20] =	ssyncset.done $0x0  }
0x3e: {  	[sflag:s20] =	ssyncadd.s32 $0xFFFFE000  }
0x3f: {  	[tilespmem:s3], [sflag:$0x1] =	stream.linear.gather [hbm4b:s7+s3], $0x5000, $0x38;
	[tilespmem:$0x1D000] =	vst v63  }
0x40: {  	_ =	swait.ge [sflag:s20], $0x5000  }
0x41: {  	[sflag:s20] =	ssyncset.done $0x0  }
0x42: {  	[sflag:s20] =	ssyncadd.s32 $0xFFFFB000  }
0x43: {  	[tilespmem:s21], [sflag:$0x1] =	stream.linear.gather [hbm4b:s4+s3], $0x2000, $0x38;
	[tilespmem:$0x1D000] =	vst v63  }
0x44: {  	_ =	swait.ge [sflag:s20], $0x2000  }
0x45: {  	[sflag:s20] =	ssyncset.done $0x0  }
0x46: {  	[sflag:s20] =	ssyncadd.s32 $0xFFFFE000  }
0x47: {  	s26 =	simm.s32 $0x0;
	[bflag:$0x0] =	sbarrier.arrive $0xFFFF  }
0x48: {  	[spmem:s2] =	stream.indirect.scatter.add.f32 [tilespmem:s21], [sflag:$0x1], $0x80, s26, s22, $0xb8;
	[tilespmem:$0x1D000] =	vst v63  }
0x49: {  	_ =	swait.ge [sflag:s20], $0x2000  }
0x4a: {  	s26 =	simm.s32 $0x200;
	[sflag:s20] =	ssyncset.done $0x0  }
.LBB2_2:
0x4b: {  	s28 =	sshra.s32 s26, $0x2;
	[sflag:s20] =	ssyncadd.s32 $0xFFFFE000;
	p0 =	sne.s32 s26, $0x13E00  }
0x4c: {  	[spmem:s2] =	stream.indirect.scatter.add.f32 [tilespmem:s21], [sflag:$0x1], $0x80, s28, s22, $0xb8;
	[tilespmem:$0x1D000] =	vst v63  }
.Ltmp0:
0x4d: {  	_ = 	snop;
	(pc) =	sbr.rel @p0 .LBB2_2-.Ltmp0, $4  }
0x4e: {  	_ = 	snop  }
0x4f: {  	s26 =	sadd.s32 $0x200, s26  }
0x50: {  	_ =	swait.ge [sflag:s20], $0x2000  }
0x51: {  	[sflag:s20] =	ssyncset.done $0x0  }
0x52: {  	s25 =	sadd.s32 $0x1, s25  }
0x53: {  	[sflag:s20] =	ssyncadd.s32 $0xFFFFE000;
	p0 =	sne.s32 s25, s9  }
.Ltmp1:
0x54: {  	[bflag:$0x0] =	sbarrier.arrive $0xFFFF;
	(pc) =	sbr.rel @p0 .LBB2_1-.Ltmp1, $4  }
0x55: {  	[hbm:s8], [sflag:s23] =	dma.local [spmem:s24], $0x2780  }
0x56: {  	_ =	swait.ge [sflag:s20], $0x2780  }
0x57: {  	[sflag:s20] =	ssyncset.done $0x0  }
0x58: {  	[sflag:s20] =	ssyncadd.s32 $0xFFFFD880  }
0x59: {  	_ =	sfence.sel $0x180000  }
0x5a: {  	[bflag:$0x0] =	sbarrier.arrive $0xFFFF  }
0x5b: {  	p0 =	sne.s32 s1, $0x0;
	_ =	strace $0x90000047  }
0x5c: {  	s0 =	sadd.s32 @!p0 $0x100000, s0;
	[bflag:$0x2] =	sbarrier.arrive $0xFFFF  }
0x5d: {  	[sflag:s0] =	ssyncadd.tile.s32 @!p0 $0x1;
	_ =	shalt  }
.Lfunc_end2:
_tile_overlayer_lowered:
.L_overlay_start_2:
0x5e: {  	(tag) =	ssettag $0x2  }
0x5f: {  	s0 =	rddreg [dreg:$0x0];
	s2 =	stileid.u32  }
0x60: {  	s1 =	rddreg [dreg:$0x1];
	p0 =	sne.s32 s2, $0x0  }
0x61: {  	s3 =	rddreg [dreg:$0x2];
	[bflag:$0x3] =	sbarrier.arrive $0xFFFF;
	s2 =	simm.s32 @!p0 $0x1C01  }
0x62: {  	[timem:s3], [sflag:s2] =	dma.local @!p0 [hbm:s0], s1  }
0x63: {  	s0 =	simm.s32 @!p0 $0x1  }
0x64: {  	_ =	swait.ge @!p0 [sflag:s0], s1  }
0x65: {  	s1 =	ssub.s32 @!p0 $0x0, s1;
	[sflag:s0] =	ssyncset.done @!p0 $0x0  }
0x66: {  	[sflag:s0] =	ssyncadd.s32 @!p0 s1  }
0x67: {  	[bflag:$0x3] =	sbarrier.arrive $0xFFFF  }
0x68: {  	_ =	shalt  }

</sc_bundles>
